<compile_context>
chip_gen: v7x
topology: tpu7x:2x2x1
jax: 0.10.2.dev20260603
libtpu: 0.0.44.dev20260713+nightly
codegen_flags: <defaults>
</compile_context>

<pallas_src>
import jax
import jax.numpy as jnp
from jax import lax
from jax.experimental import pallas as pl
from jax.experimental.pallas import tpu as pltpu
from jax.experimental.pallas import tpu_sc as plsc

L = 16
B_IMG = 16
P = 512 * 512
HALF = P // 2
NBINS = 4096
EMAX = 16.0
SCALE = NBINS / EMAX
CHUNK = 16384
ROW = 3 * NBINS + L


def _body(logits_hbm, labels_hbm, out_hbm, xh_hbm, lg_buf, lb_buf,
          lg_buf2, lb_buf2, hist_cnt, hist_pos, hist_sum, tmp_buf, loss_buf,
          sem_lg, sem_lb, sem_lg2, sem_lb2):
    c = lax.axis_index("c")
    s = lax.axis_index("s")
    img = c * 8 + s // 2
    half = s % 2
    r = c * 16 + s

    zeros = jnp.zeros((L,), jnp.float32)
    ones = jnp.ones((L,), jnp.float32)

    def zero_bins(i, _):
        hist_cnt[pl.ds(i * L, L)] = zeros
        hist_pos[pl.ds(i * L, L)] = zeros
        hist_sum[pl.ds(i * L, L)] = zeros
        return 0

    lax.fori_loop(0, NBINS // L, zero_bins, 0, unroll=4)

    base0 = img * P + half * HALF
    n_chunks = HALF // CHUNK
    bufs = ((lg_buf, lb_buf, sem_lg, sem_lb),
            (lg_buf2, lb_buf2, sem_lg2, sem_lb2))

    def start(ch, b):
        lg, lb, slg, slb = bufs[b]
        base = base0 + ch * CHUNK
        dl = pltpu.async_copy(logits_hbm.at[pl.ds(base, CHUNK)], lg, slg)
        db = pltpu.async_copy(labels_hbm.at[pl.ds(base, CHUNK)], lb, slb)
        return dl, db

    def consume(b, gs):
        lg_b, lb_b, _, _ = bufs[b]

        def one(k):
            lg = lg_b[pl.ds(k * L, L)]
            lf = lb_b[pl.ds(k * L, L)].astype(jnp.float32)
            e = (1.0 + lg) - 2.0 * (lg * lf)
            m = e > 0.0
            idx = jnp.minimum((e * SCALE).astype(jnp.int32), NBINS - 1)
            plsc.addupdate_scatter(hist_cnt, [idx], ones, mask=m)
            plsc.addupdate_scatter(hist_pos, [idx], ones, mask=m & (lf > 0.5))
            plsc.addupdate_scatter(hist_sum, [idx], e, mask=m)
            return lf

        def do_quad(q, gs):
            g0, g1, g2, g3 = gs
            k = q * 4
            return (g0 + one(k), g1 + one(k + 1), g2 + one(k + 2), g3 + one(k + 3))

        return lax.fori_loop(0, CHUNK // L // 4, do_quad, gs)

    gs = (zeros, zeros, zeros, zeros)
    pending = start(0, 0)
    for ch in range(n_chunks):
        b = ch % 2
        nxt = start(ch + 1, 1 - b) if ch + 1 < n_chunks else None
        pending[0].wait()
        pending[1].wait()
        gs = consume(b, gs)
        pending = nxt
    g0, g1, g2, g3 = gs
    g_vec = (g0 + g1) + (g2 + g3)

    @pl.when(half == 1)
    def _():
        pltpu.sync_copy(hist_cnt, xh_hbm.at[r, pl.ds(0, NBINS)])
        pltpu.sync_copy(hist_pos, xh_hbm.at[r, pl.ds(NBINS, NBINS)])
        pltpu.sync_copy(hist_sum, xh_hbm.at[r, pl.ds(2 * NBINS, NBINS)])
        loss_buf[...] = g_vec
        pltpu.sync_copy(loss_buf, xh_hbm.at[r, pl.ds(3 * NBINS, L)])

    plsc.subcore_barrier()

    @pl.when(half == 0)
    def _():
        def merge(hist, off):
            pltpu.sync_copy(xh_hbm.at[r + 1, pl.ds(off, NBINS)], tmp_buf)

            def add_vreg(i, _):
                hist[pl.ds(i * L, L)] = hist[pl.ds(i * L, L)] + tmp_buf[pl.ds(i * L, L)]
                return 0

            lax.fori_loop(0, NBINS // L, add_vreg, 0, unroll=4)

        merge(hist_cnt, 0)
        merge(hist_pos, NBINS)
        merge(hist_sum, 2 * NBINS)
        pltpu.sync_copy(xh_hbm.at[r + 1, pl.ds(3 * NBINS, L)], loss_buf)
        g_tot = jnp.sum(g_vec) + jnp.sum(loss_buf[...])

        def scan_step(v, carry):
            n_hi, c_hi, loss_vec = carry
            base = NBINS - (v + 1) * L
            x = hist_cnt[pl.ds(base, L)]
            y = hist_pos[pl.ds(base, L)]
            z = hist_sum[pl.ds(base, L)]
            sx = plsc.cumsum(x)
            sy = plsc.cumsum(y)
            tx = jnp.sum(x)
            ty = jnp.sum(y)
            n0 = n_hi + (tx - sx)
            c0 = c_hi + (ty - sy)
            n1 = n0 + x
            c1 = c0 + y
            j0 = jnp.where(n0 < 0.5, 0.0,
                           1.0 - (g_tot - c0) / jnp.maximum(g_tot + n0 - c0, 1.0))
            j1 = jnp.where(n1 < 0.5, 0.0,
                           1.0 - (g_tot - c1) / jnp.maximum(g_tot + n1 - c1, 1.0))
            mean_e = z / jnp.maximum(x, 1.0)
            loss_vec = loss_vec + mean_e * (j1 - j0)
            return (n_hi + tx, c_hi + ty, loss_vec)

        _, _, loss_vec = lax.fori_loop(
            0, NBINS // L, scan_step,
            (jnp.float32(0.0), jnp.float32(0.0), zeros), unroll=2)
        loss_buf[...] = jnp.full((L,), jnp.sum(loss_vec), jnp.float32)
        pltpu.sync_copy(loss_buf, out_hbm.at[img])


def _raw(logits1, labels1):
    mesh = plsc.VectorSubcoreMesh(core_axis_name="c", subcore_axis_name="s")
    out, _ = pl.kernel(
        _body,
        out_type=(jax.ShapeDtypeStruct((B_IMG, L), jnp.float32),
                  jax.ShapeDtypeStruct((32, ROW), jnp.float32)),
        mesh=mesh,
        scratch_types=[
            pltpu.VMEM((CHUNK,), jnp.float32),
            pltpu.VMEM((CHUNK,), jnp.int32),
            pltpu.VMEM((CHUNK,), jnp.float32),
            pltpu.VMEM((CHUNK,), jnp.int32),
            pltpu.VMEM((NBINS,), jnp.float32),
            pltpu.VMEM((NBINS,), jnp.float32),
            pltpu.VMEM((NBINS,), jnp.float32),
            pltpu.VMEM((NBINS,), jnp.float32),
            pltpu.VMEM((L,), jnp.float32),
            pltpu.SemaphoreType.DMA,
            pltpu.SemaphoreType.DMA,
            pltpu.SemaphoreType.DMA,
            pltpu.SemaphoreType.DMA,
        ],
        compiler_params=pltpu.CompilerParams(needs_layout_passes=False),
    )(logits1, labels1)
    return out


@jax.jit
def kernel(logits, labels):
    out = _raw(logits.reshape(-1), labels.reshape(-1))
    return jnp.mean(out[:, 0])

# --- scband reference (transcript-rebuilt; emitter-appended) ---
"""Pipeline reference for scband-lovasz-hinge-loss-40226663694504 (READ-ONLY COPY).

The authoritative reference and input builder live on the scoring server;
editing this copy changes nothing except your own understanding.
"""

import jax, jax.numpy as jnp
import numpy as np


def setup_inputs(seed: int = 0) -> dict:
    key = jax.random.key(seed)
    k1 = jax.random.fold_in(key, 1)
    k2 = jax.random.fold_in(key, 2)
    logits = jax.random.normal(k1, (16, 512, 512), dtype=jnp.float32)
    labels = jax.random.randint(k2, (16, 512, 512), 0, 2).astype(jnp.int32)
    return {"logits": logits, "labels": labels}


def _lovasz_hinge_flat(logits, labels):
    # logits: [P], labels: [P] int (0/1)
    labels_f = labels.astype(jnp.float32)
    signs = 2.0 * labels_f - 1.0
    errors = 1.0 - logits * signs
    # sort descending; perm is non-differentiable (matches torch perm.data)
    perm = jnp.argsort(-errors)
    errors_sorted = jnp.take(errors, perm)
    gt_sorted = jnp.take(labels_f, perm)
    gts = jnp.sum(gt_sorted)
    intersection = gts - jnp.cumsum(gt_sorted)
    union = gts + jnp.cumsum(1.0 - gt_sorted)
    jaccard = 1.0 - intersection / union
    jaccard = jnp.concatenate([jaccard[:1], jaccard[1:] - jaccard[:-1]])
    grad = jax.lax.stop_gradient(jaccard)
    return jnp.dot(jax.nn.relu(errors_sorted), grad)


def reference(logits, labels):
    # per_image=True, ignore=None: flatten each image, compute Lovasz hinge, mean over batch
    B = logits.shape[0]
    flat_logits = logits.reshape(B, -1)
    flat_labels = labels.reshape(B, -1)
    losses = jax.vmap(_lovasz_hinge_flat)(flat_logits, flat_labels)
    return jnp.mean(losses)

if __name__ == "__main__":
    import jax
    _d = setup_inputs()
    print(jax.jit(kernel)(*tuple(_d.values())))

</pallas_src>

<mosaic_0001>
#map = affine_map<(d0, d1) -> (0)>
#map1 = affine_map<(d0, d1) -> (0, 0)>
module attributes {stable_mosaic.version = 14 : i64} {
  func.func @_body(%arg0: i32, %arg1: i32, %arg2: memref<4194304xf32, #tpu.memory_space<hbm>>, %arg3: memref<4194304xi32, #tpu.memory_space<hbm>>, %arg4: memref<16x16xf32, #tpu.memory_space<hbm>>, %arg5: memref<32x12304xf32, #tpu.memory_space<hbm>>, %arg6: memref<16384xf32, #tpu.memory_space<vmem>>, %arg7: memref<16384xi32, #tpu.memory_space<vmem>>, %arg8: memref<16384xf32, #tpu.memory_space<vmem>>, %arg9: memref<16384xi32, #tpu.memory_space<vmem>>, %arg10: memref<4096xf32, #tpu.memory_space<vmem>>, %arg11: memref<4096xf32, #tpu.memory_space<vmem>>, %arg12: memref<4096xf32, #tpu.memory_space<vmem>>, %arg13: memref<4096xf32, #tpu.memory_space<vmem>>, %arg14: memref<16xf32, #tpu.memory_space<vmem>>, %arg15: memref<!tpu.dma_semaphore, #tpu.memory_space<semaphore_mem>>, %arg16: memref<!tpu.dma_semaphore, #tpu.memory_space<semaphore_mem>>, %arg17: memref<!tpu.dma_semaphore, #tpu.memory_space<semaphore_mem>>, %arg18: memref<!tpu.dma_semaphore, #tpu.memory_space<semaphore_mem>>) attributes {dimension_semantics = [#tpu.dimension_semantics<core_parallel>, #tpu.dimension_semantics<subcore_parallel>], iteration_bounds = array<i64: 2, 16>, scalar_prefetch = 0 : i64, scratch_operands = 13 : i64, tpu.core_type = #tpu.core_type<sc_vector_subcore>, window_params = [{transform_indices = #map}, {transform_indices = #map}, {transform_indices = #map1}, {transform_indices = #map1}]} {
    %mul3A = arith.constant 8 : i32
    %mul3A_0 = arith.muli %arg0, %mul3A : i32
    %jit3A = arith.constant 2 : i32
    %div3A = arith.divsi %arg1, %jit3A : i32
    %sign3A = arith.constant 0 : i32
    %sign3A_1 = arith.cmpi sgt, %arg1, %sign3A : i32
    %sign3A_2 = arith.extui %sign3A_1 : i1 to i32
    %sign3A_3 = arith.constant 0 : i32
    %sign3A_4 = arith.cmpi slt, %arg1, %sign3A_3 : i32
    %sign3A_5 = arith.extui %sign3A_4 : i1 to i32
    %sign3A_6 = arith.subi %sign3A_2, %sign3A_5 : i32
    %sign3A_7 = arith.constant 0 : i32
    %sign3A_8 = arith.cmpi sgt, %jit3A, %sign3A_7 : i32
    %sign3A_9 = arith.extui %sign3A_8 : i1 to i32
    %sign3A_10 = arith.constant 0 : i32
    %sign3A_11 = arith.cmpi slt, %jit3A, %sign3A_10 : i32
    %sign3A_12 = arith.extui %sign3A_11 : i1 to i32
    %sign3A_13 = arith.subi %sign3A_9, %sign3A_12 : i32
    %ne3A = arith.cmpi ne, %sign3A_6, %sign3A_13 : i32
    %rem3A = arith.remsi %arg1, %jit3A : i32
    %ne3A_14 = arith.constant 0 : i32
    %ne3A_15 = arith.cmpi ne, %rem3A, %ne3A_14 : i32
    %and3A = arith.andi %ne3A, %ne3A_15 : i1
    %sub3A = arith.constant 1 : i32
    %sub3A_16 = arith.subi %div3A, %sub3A : i32
    %select_n3A = arith.select %and3A, %sub3A_16, %div3A : i32
    %add3A = arith.addi %mul3A_0, %select_n3A : i32
    %jit3A_17 = arith.constant 2 : i32
    %eq3A = arith.constant 0 : i32
    %eq3A_18 = arith.cmpi eq, %jit3A_17, %eq3A : i32
    %jit3A_19 = arith.constant 1 : i32
    %select_n3A_20 = arith.select %eq3A_18, %jit3A_19, %jit3A_17 : i32
    %rem3A_21 = arith.remsi %arg1, %select_n3A_20 : i32
    %ne3A_22 = arith.constant 0 : i32
    %ne3A_23 = arith.cmpi ne, %rem3A_21, %ne3A_22 : i32
    %lt3A = arith.constant 0 : i32
    %lt3A_24 = arith.cmpi slt, %rem3A_21, %lt3A : i32
    %lt3A_25 = arith.constant 0 : i32
    %lt3A_26 = arith.cmpi slt, %select_n3A_20, %lt3A_25 : i32
    %ne3A_27 = arith.xori %lt3A_24, %lt3A_26 : i1
    %and3A_28 = arith.andi %ne3A_27, %ne3A_23 : i1
    %add3A_29 = arith.addi %rem3A_21, %select_n3A_20 : i32
    %select_n3A_30 = arith.select %and3A_28, %add3A_29, %rem3A_21 : i32
    %mul3A_31 = arith.constant 16 : i32
    %mul3A_32 = arith.muli %arg0, %mul3A_31 : i32
    %add3A_33 = arith.addi %mul3A_32, %arg1 : i32
    %broadcast_in_dim3A = arith.constant 0.000000e+00 : f32
    %broadcast_in_dim3A_34 = vector.broadcast %broadcast_in_dim3A : f32 to vector<16xf32>
    %broadcast_in_dim3A_35 = arith.constant 1.000000e+00 : f32
    %broadcast_in_dim3A_36 = vector.broadcast %broadcast_in_dim3A_35 : f32 to vector<16xf32>
    %scan3A = arith.constant 0 : i32
    %scan3A_37 = arith.constant 0 : i32
    %scan3A_38 = arith.constant 256 : i32
    %scan3A_39 = arith.addi %scan3A_37, %scan3A_38 : i32
    %scan3A_40 = arith.constant 4 : i32
    %scan3A_41 = scf.for %scan3A_185 = %scan3A_37 to %scan3A_39 step %scan3A_40 iter_args(%scan3A_186 = %scan3A) -> (i32)  : i32 {
      %mul3A_187 = arith.constant 16 : i32
      %mul3A_188 = arith.muli %scan3A_185, %mul3A_187 : i32
      %swap3A = arith.index_cast %mul3A_188 : i32 to index
      %swap3A_189 = tpu.vector_load %arg10[%swap3A] {strides = array<i32>} : memref<4096xf32, #tpu.memory_space<vmem>>, vector<16xf32>,
      tpu.vector_store %arg10[%swap3A], %broadcast_in_dim3A_34 {strides = array<i32>} : memref<4096xf32, #tpu.memory_space<vmem>>, vector<16xf32>,
      %mul3A_190 = arith.constant 16 : i32
      %mul3A_191 = arith.muli %scan3A_185, %mul3A_190 : i32
      %swap3A_192 = arith.index_cast %mul3A_191 : i32 to index
      %swap3A_193 = tpu.vector_load %arg11[%swap3A_192] {strides = array<i32>} : memref<4096xf32, #tpu.memory_space<vmem>>, vector<16xf32>,
      tpu.vector_store %arg11[%swap3A_192], %broadcast_in_dim3A_34 {strides = array<i32>} : memref<4096xf32, #tpu.memory_space<vmem>>, vector<16xf32>,
      %mul3A_194 = arith.constant 16 : i32
      %mul3A_195 = arith.muli %scan3A_185, %mul3A_194 : i32
      %swap3A_196 = arith.index_cast %mul3A_195 : i32 to index
      %swap3A_197 = tpu.vector_load %arg12[%swap3A_196] {strides = array<i32>} : memref<4096xf32, #tpu.memory_space<vmem>>, vector<16xf32>,
      tpu.vector_store %arg12[%swap3A_196], %broadcast_in_dim3A_34 {strides = array<i32>} : memref<4096xf32, #tpu.memory_space<vmem>>, vector<16xf32>,
      %scan3A_198 = arith.constant 0 : i32
      %scan3A_199 = arith.constant 1 : i32
      %scan3A_200 = arith.addi %scan3A_185, %scan3A_199 : i32
      %mul3A_201 = arith.constant 16 : i32
      %mul3A_202 = arith.muli %scan3A_200, %mul3A_201 : i32
      %swap3A_203 = arith.index_cast %mul3A_202 : i32 to index
      %swap3A_204 = tpu.vector_load %arg10[%swap3A_203] {strides = array<i32>} : memref<4096xf32, #tpu.memory_space<vmem>>, vector<16xf32>,
      tpu.vector_store %arg10[%swap3A_203], %broadcast_in_dim3A_34 {strides = array<i32>} : memref<4096xf32, #tpu.memory_space<vmem>>, vector<16xf32>,
      %mul3A_205 = arith.constant 16 : i32
      %mul3A_206 = arith.muli %scan3A_200, %mul3A_205 : i32
      %swap3A_207 = arith.index_cast %mul3A_206 : i32 to index
      %swap3A_208 = tpu.vector_load %arg11[%swap3A_207] {strides = array<i32>} : memref<4096xf32, #tpu.memory_space<vmem>>, vector<16xf32>,
      tpu.vector_store %arg11[%swap3A_207], %broadcast_in_dim3A_34 {strides = array<i32>} : memref<4096xf32, #tpu.memory_space<vmem>>, vector<16xf32>,
      %mul3A_209 = arith.constant 16 : i32
      %mul3A_210 = arith.muli %scan3A_200, %mul3A_209 : i32
      %swap3A_211 = arith.index_cast %mul3A_210 : i32 to index
      %swap3A_212 = tpu.vector_load %arg12[%swap3A_211] {strides = array<i32>} : memref<4096xf32, #tpu.memory_space<vmem>>, vector<16xf32>,
      tpu.vector_store %arg12[%swap3A_211], %broadcast_in_dim3A_34 {strides = array<i32>} : memref<4096xf32, #tpu.memory_space<vmem>>, vector<16xf32>,
      %scan3A_213 = arith.constant 0 : i32
      %scan3A_214 = arith.constant 2 : i32
      %scan3A_215 = arith.addi %scan3A_185, %scan3A_214 : i32
      %mul3A_216 = arith.constant 16 : i32
      %mul3A_217 = arith.muli %scan3A_215, %mul3A_216 : i32
      %swap3A_218 = arith.index_cast %mul3A_217 : i32 to index
      %swap3A_219 = tpu.vector_load %arg10[%swap3A_218] {strides = array<i32>} : memref<4096xf32, #tpu.memory_space<vmem>>, vector<16xf32>,
      tpu.vector_store %arg10[%swap3A_218], %broadcast_in_dim3A_34 {strides = array<i32>} : memref<4096xf32, #tpu.memory_space<vmem>>, vector<16xf32>,
      %mul3A_220 = arith.constant 16 : i32
      %mul3A_221 = arith.muli %scan3A_215, %mul3A_220 : i32
      %swap3A_222 = arith.index_cast %mul3A_221 : i32 to index
      %swap3A_223 = tpu.vector_load %arg11[%swap3A_222] {strides = array<i32>} : memref<4096xf32, #tpu.memory_space<vmem>>, vector<16xf32>,
      tpu.vector_store %arg11[%swap3A_222], %broadcast_in_dim3A_34 {strides = array<i32>} : memref<4096xf32, #tpu.memory_space<vmem>>, vector<16xf32>,
      %mul3A_224 = arith.constant 16 : i32
      %mul3A_225 = arith.muli %scan3A_215, %mul3A_224 : i32
      %swap3A_226 = arith.index_cast %mul3A_225 : i32 to index
      %swap3A_227 = tpu.vector_load %arg12[%swap3A_226] {strides = array<i32>} : memref<4096xf32, #tpu.memory_space<vmem>>, vector<16xf32>,
      tpu.vector_store %arg12[%swap3A_226], %broadcast_in_dim3A_34 {strides = array<i32>} : memref<4096xf32, #tpu.memory_space<vmem>>, vector<16xf32>,
      %scan3A_228 = arith.constant 0 : i32
      %scan3A_229 = arith.constant 3 : i32
      %scan3A_230 = arith.addi %scan3A_185, %scan3A_229 : i32
      %mul3A_231 = arith.constant 16 : i32
      %mul3A_232 = arith.muli %scan3A_230, %mul3A_231 : i32
      %swap3A_233 = arith.index_cast %mul3A_232 : i32 to index
      %swap3A_234 = tpu.vector_load %arg10[%swap3A_233] {strides = array<i32>} : memref<4096xf32, #tpu.memory_space<vmem>>, vector<16xf32>,
      tpu.vector_store %arg10[%swap3A_233], %broadcast_in_dim3A_34 {strides = array<i32>} : memref<4096xf32, #tpu.memory_space<vmem>>, vector<16xf32>,
      %mul3A_235 = arith.constant 16 : i32
      %mul3A_236 = arith.muli %scan3A_230, %mul3A_235 : i32
      %swap3A_237 = arith.index_cast %mul3A_236 : i32 to index
      %swap3A_238 = tpu.vector_load %arg11[%swap3A_237] {strides = array<i32>} : memref<4096xf32, #tpu.memory_space<vmem>>, vector<16xf32>,
      tpu.vector_store %arg11[%swap3A_237], %broadcast_in_dim3A_34 {strides = array<i32>} : memref<4096xf32, #tpu.memory_space<vmem>>, vector<16xf32>,
      %mul3A_239 = arith.constant 16 : i32
      %mul3A_240 = arith.muli %scan3A_230, %mul3A_239 : i32
      %swap3A_241 = arith.index_cast %mul3A_240 : i32 to index
      %swap3A_242 = tpu.vector_load %arg12[%swap3A_241] {strides = array<i32>} : memref<4096xf32, #tpu.memory_space<vmem>>, vector<16xf32>,
      tpu.vector_store %arg12[%swap3A_241], %broadcast_in_dim3A_34 {strides = array<i32>} : memref<4096xf32, #tpu.memory_space<vmem>>, vector<16xf32>,
      %scan3A_243 = arith.constant 0 : i32
      scf.yield %scan3A_243 : i32
    }
    %scan3A_42 = arith.constant 256 : i32
    %mul3A_43 = arith.constant 262144 : i32
    %mul3A_44 = arith.muli %add3A, %mul3A_43 : i32
    %mul3A_45 = arith.constant 131072 : i32
    %mul3A_46 = arith.muli %select_n3A_30, %mul3A_45 : i32
    %add3A_47 = arith.addi %mul3A_44, %mul3A_46 : i32
    %add3A_48 = arith.constant 0 : i32
    %add3A_49 = arith.addi %add3A_47, %add3A_48 : i32
    %dma_start3A = tpu.memref_slice %arg2[%add3A_49] : memref<4194304xf32, #tpu.memory_space<hbm>> -> memref<16384xf32, #tpu.memory_space<hbm>>
    %dma_start3A_50 = tpu.memref_slice %arg2[%add3A_49] : memref<4194304xf32, #tpu.memory_space<hbm>> -> memref<16384xf32, #tpu.memory_space<hbm>>
    tpu.enqueue_dma source(%dma_start3A_50 : memref<16384xf32, #tpu.memory_space<hbm>>) target(%arg6 : memref<16384xf32, #tpu.memory_space<vmem>>) target_semaphore(%arg15 : memref<!tpu.dma_semaphore, #tpu.memory_space<semaphore_mem>>)
    %dma_start3A_51 = tpu.memref_slice %arg3[%add3A_49] : memref<4194304xi32, #tpu.memory_space<hbm>> -> memref<16384xi32, #tpu.memory_space<hbm>>
    %dma_start3A_52 = tpu.memref_slice %arg3[%add3A_49] : memref<4194304xi32, #tpu.memory_space<hbm>> -> memref<16384xi32, #tpu.memory_space<hbm>>
    tpu.enqueue_dma source(%dma_start3A_52 : memref<16384xi32, #tpu.memory_space<hbm>>) target(%arg7 : memref<16384xi32, #tpu.memory_space<vmem>>) target_semaphore(%arg16 : memref<!tpu.dma_semaphore, #tpu.memory_space<semaphore_mem>>)
    %add3A_53 = arith.constant 16384 : i32
    %add3A_54 = arith.addi %add3A_47, %add3A_53 : i32
    %dma_start3A_55 = tpu.memref_slice %arg2[%add3A_54] : memref<4194304xf32, #tpu.memory_space<hbm>> -> memref<16384xf32, #tpu.memory_space<hbm>>
    %dma_start3A_56 = tpu.memref_slice %arg2[%add3A_54] : memref<4194304xf32, #tpu.memory_space<hbm>> -> memref<16384xf32, #tpu.memory_space<hbm>>
    tpu.enqueue_dma source(%dma_start3A_56 : memref<16384xf32, #tpu.memory_space<hbm>>) target(%arg8 : memref<16384xf32, #tpu.memory_space<vmem>>) target_semaphore(%arg17 : memref<!tpu.dma_semaphore, #tpu.memory_space<semaphore_mem>>)
    %dma_start3A_57 = tpu.memref_slice %arg3[%add3A_54] : memref<4194304xi32, #tpu.memory_space<hbm>> -> memref<16384xi32, #tpu.memory_space<hbm>>
    %dma_start3A_58 = tpu.memref_slice %arg3[%add3A_54] : memref<4194304xi32, #tpu.memory_space<hbm>> -> memref<16384xi32, #tpu.memory_space<hbm>>
    tpu.enqueue_dma source(%dma_start3A_58 : memref<16384xi32, #tpu.memory_space<hbm>>) target(%arg9 : memref<16384xi32, #tpu.memory_space<vmem>>) target_semaphore(%arg18 : memref<!tpu.dma_semaphore, #tpu.memory_space<semaphore_mem>>)
    %dma_wait3A = tpu.memref_slice %arg2[%add3A_49] : memref<4194304xf32, #tpu.memory_space<hbm>> -> memref<16384xf32, #tpu.memory_space<hbm>>
    %dma_wait3A_59 = tpu.memref_slice %arg2[%add3A_49] : memref<4194304xf32, #tpu.memory_space<hbm>> -> memref<16384xf32, #tpu.memory_space<hbm>>
    tpu.wait_dma2 semaphore(%arg15 : memref<!tpu.dma_semaphore, #tpu.memory_space<semaphore_mem>>) src(%dma_wait3A_59 : memref<16384xf32, #tpu.memory_space<hbm>>) dst(%arg6 : memref<16384xf32, #tpu.memory_space<vmem>>)
    %dma_wait3A_60 = tpu.memref_slice %arg3[%add3A_49] : memref<4194304xi32, #tpu.memory_space<hbm>> -> memref<16384xi32, #tpu.memory_space<hbm>>
    %dma_wait3A_61 = tpu.memref_slice %arg3[%add3A_49] : memref<4194304xi32, #tpu.memory_space<hbm>> -> memref<16384xi32, #tpu.memory_space<hbm>>
    tpu.wait_dma2 semaphore(%arg16 : memref<!tpu.dma_semaphore, #tpu.memory_space<semaphore_mem>>) src(%dma_wait3A_61 : memref<16384xi32, #tpu.memory_space<hbm>>) dst(%arg7 : memref<16384xi32, #tpu.memory_space<vmem>>)
    %scan3A_62 = arith.constant 0 : i32
    %scan3A_63 = arith.constant 256 : i32
    %scan3A_64 = arith.addi %scan3A_62, %scan3A_63 : i32
    %scan3A_65 = arith.constant 1 : i32
    %scan3A_66:4 = scf.for %scan3A_185 = %scan3A_62 to %scan3A_64 step %scan3A_65 iter_args(%scan3A_186 = %broadcast_in_dim3A_34, %scan3A_187 = %broadcast_in_dim3A_34, %scan3A_188 = %broadcast_in_dim3A_34, %scan3A_189 = %broadcast_in_dim3A_34) -> (vector<16xf32>, vector<16xf32>, vector<16xf32>, vector<16xf32>)  : i32 {
      %mul3A_190 = arith.constant 4 : i32
      %mul3A_191 = arith.muli %scan3A_185, %mul3A_190 : i32
      %mul3A_192 = arith.constant 16 : i32
      %mul3A_193 = arith.muli %mul3A_191, %mul3A_192 : i32
      %get3A = arith.index_cast %mul3A_193 : i32 to index
      %get3A_194 = tpu.vector_load %arg6[%get3A] {strides = array<i32>} : memref<16384xf32, #tpu.memory_space<vmem>>, vector<16xf32>,
      %mul3A_195 = arith.constant 16 : i32
      %mul3A_196 = arith.muli %mul3A_191, %mul3A_195 : i32
      %get3A_197 = arith.index_cast %mul3A_196 : i32 to index
      %get3A_198 = tpu.vector_load %arg7[%get3A_197] {strides = array<i32>} : memref<16384xi32, #tpu.memory_space<vmem>>, vector<16xi32>,
      %convert_element_type3A_199 = arith.sitofp %get3A_198 : vector<16xi32> to vector<16xf32>
      %add3A_200 = arith.constant 1.000000e+00 : f32
      %add3A_201 = vector.broadcast %add3A_200 : f32 to vector<16xf32>
      %add3A_202 = arith.addf %add3A_201, %get3A_194 : vector<16xf32>
      %mul3A_203 = arith.mulf %get3A_194, %convert_element_type3A_199 : vector<16xf32>
      %mul3A_204 = arith.constant 2.000000e+00 : f32
      %mul3A_205 = vector.broadcast %mul3A_204 : f32 to vector<16xf32>
      %mul3A_206 = arith.mulf %mul3A_205, %mul3A_203 : vector<16xf32>
      %sub3A_207 = arith.subf %add3A_202, %mul3A_206 : vector<16xf32>
      %gt3A = arith.constant 0.000000e+00 : f32
      %gt3A_208 = vector.broadcast %gt3A : f32 to vector<16xf32>
      %gt3A_209 = arith.cmpf ogt, %sub3A_207, %gt3A_208 : vector<16xf32>
      %mul3A_210 = arith.constant 2.560000e+02 : f32
      %mul3A_211 = vector.broadcast %mul3A_210 : f32 to vector<16xf32>
      %mul3A_212 = arith.mulf %sub3A_207, %mul3A_211 : vector<16xf32>
      %convert_element_type3A_213 = arith.fptosi %mul3A_212 : vector<16xf32> to vector<16xi32>
      %min3A = arith.constant 4095 : i32
      %min3A_214 = vector.broadcast %min3A : i32 to vector<16xi32>
      %min3A_215 = arith.minsi %convert_element_type3A_213, %min3A_214 : vector<16xi32>
      tpu.vector_store_idx %arg10[%min3A_215], %broadcast_in_dim3A_36 masked %gt3A_209 {add = true} : memref<4096xf32, #tpu.memory_space<vmem>>[vector<16xi32>], vector<16xf32>, vector<16xi1>
      %gt3A_216 = arith.constant 5.000000e-01 : f32
      %gt3A_217 = vector.broadcast %gt3A_216 : f32 to vector<16xf32>
      %gt3A_218 = arith.cmpf ogt, %convert_element_type3A_199, %gt3A_217 : vector<16xf32>
      %and3A_219 = arith.andi %gt3A_209, %gt3A_218 : vector<16xi1>
      tpu.vector_store_idx %arg11[%min3A_215], %broadcast_in_dim3A_36 masked %and3A_219 {add = true} : memref<4096xf32, #tpu.memory_space<vmem>>[vector<16xi32>], vector<16xf32>, vector<16xi1>
      tpu.vector_store_idx %arg12[%min3A_215], %sub3A_207 masked %gt3A_209 {add = true} : memref<4096xf32, #tpu.memory_space<vmem>>[vector<16xi32>], vector<16xf32>, vector<16xi1>
      %add3A_220 = arith.addf %scan3A_186, %convert_element_type3A_199 : vector<16xf32>
      %add3A_221 = arith.constant 1 : i32
      %add3A_222 = arith.addi %mul3A_191, %add3A_221 : i32
      %mul3A_223 = arith.constant 16 : i32
      %mul3A_224 = arith.muli %add3A_222, %mul3A_223 : i32
      %get3A_225 = arith.index_cast %mul3A_224 : i32 to index
      %get3A_226 = tpu.vector_load %arg6[%get3A_225] {strides = array<i32>} : memref<16384xf32, #tpu.memory_space<vmem>>, vector<16xf32>,
      %mul3A_227 = arith.constant 16 : i32
      %mul3A_228 = arith.muli %add3A_222, %mul3A_227 : i32
      %get3A_229 = arith.index_cast %mul3A_228 : i32 to index
      %get3A_230 = tpu.vector_load %arg7[%get3A_229] {strides = array<i32>} : memref<16384xi32, #tpu.memory_space<vmem>>, vector<16xi32>,
      %convert_element_type3A_231 = arith.sitofp %get3A_230 : vector<16xi32> to vector<16xf32>
      %add3A_232 = arith.constant 1.000000e+00 : f32
      %add3A_233 = vector.broadcast %add3A_232 : f32 to vector<16xf32>
      %add3A_234 = arith.addf %add3A_233, %get3A_226 : vector<16xf32>
      %mul3A_235 = arith.mulf %get3A_226, %convert_element_type3A_231 : vector<16xf32>
      %mul3A_236 = arith.constant 2.000000e+00 : f32
      %mul3A_237 = vector.broadcast %mul3A_236 : f32 to vector<16xf32>
      %mul3A_238 = arith.mulf %mul3A_237, %mul3A_235 : vector<16xf32>
      %sub3A_239 = arith.subf %add3A_234, %mul3A_238 : vector<16xf32>
      %gt3A_240 = arith.constant 0.000000e+00 : f32
      %gt3A_241 = vector.broadcast %gt3A_240 : f32 to vector<16xf32>
      %gt3A_242 = arith.cmpf ogt, %sub3A_239, %gt3A_241 : vector<16xf32>
      %mul3A_243 = arith.constant 2.560000e+02 : f32
      %mul3A_244 = vector.broadcast %mul3A_243 : f32 to vector<16xf32>
      %mul3A_245 = arith.mulf %sub3A_239, %mul3A_244 : vector<16xf32>
      %convert_element_type3A_246 = arith.fptosi %mul3A_245 : vector<16xf32> to vector<16xi32>
      %min3A_247 = arith.constant 4095 : i32
      %min3A_248 = vector.broadcast %min3A_247 : i32 to vector<16xi32>
      %min3A_249 = arith.minsi %convert_element_type3A_246, %min3A_248 : vector<16xi32>
      tpu.vector_store_idx %arg10[%min3A_249], %broadcast_in_dim3A_36 masked %gt3A_242 {add = true} : memref<4096xf32, #tpu.memory_space<vmem>>[vector<16xi32>], vector<16xf32>, vector<16xi1>
      %gt3A_250 = arith.constant 5.000000e-01 : f32
      %gt3A_251 = vector.broadcast %gt3A_250 : f32 to vector<16xf32>
      %gt3A_252 = arith.cmpf ogt, %convert_element_type3A_231, %gt3A_251 : vector<16xf32>
      %and3A_253 = arith.andi %gt3A_242, %gt3A_252 : vector<16xi1>
      tpu.vector_store_idx %arg11[%min3A_249], %broadcast_in_dim3A_36 masked %and3A_253 {add = true} : memref<4096xf32, #tpu.memory_space<vmem>>[vector<16xi32>], vector<16xf32>, vector<16xi1>
      tpu.vector_store_idx %arg12[%min3A_249], %sub3A_239 masked %gt3A_242 {add = true} : memref<4096xf32, #tpu.memory_space<vmem>>[vector<16xi32>], vector<16xf32>, vector<16xi1>
      %add3A_254 = arith.addf %scan3A_187, %convert_element_type3A_231 : vector<16xf32>
      %add3A_255 = arith.constant 2 : i32
      %add3A_256 = arith.addi %mul3A_191, %add3A_255 : i32
      %mul3A_257 = arith.constant 16 : i32
      %mul3A_258 = arith.muli %add3A_256, %mul3A_257 : i32
      %get3A_259 = arith.index_cast %mul3A_258 : i32 to index
      %get3A_260 = tpu.vector_load %arg6[%get3A_259] {strides = array<i32>} : memref<16384xf32, #tpu.memory_space<vmem>>, vector<16xf32>,
      %mul3A_261 = arith.constant 16 : i32
      %mul3A_262 = arith.muli %add3A_256, %mul3A_261 : i32
      %get3A_263 = arith.index_cast %mul3A_262 : i32 to index
      %get3A_264 = tpu.vector_load %arg7[%get3A_263] {strides = array<i32>} : memref<16384xi32, #tpu.memory_space<vmem>>, vector<16xi32>,
      %convert_element_type3A_265 = arith.sitofp %get3A_264 : vector<16xi32> to vector<16xf32>
      %add3A_266 = arith.constant 1.000000e+00 : f32
      %add3A_267 = vector.broadcast %add3A_266 : f32 to vector<16xf32>
      %add3A_268 = arith.addf %add3A_267, %get3A_260 : vector<16xf32>
      %mul3A_269 = arith.mulf %get3A_260, %convert_element_type3A_265 : vector<16xf32>
      %mul3A_270 = arith.constant 2.000000e+00 : f32
      %mul3A_271 = vector.broadcast %mul3A_270 : f32 to vector<16xf32>
      %mul3A_272 = arith.mulf %mul3A_271, %mul3A_269 : vector<16xf32>
      %sub3A_273 = arith.subf %add3A_268, %mul3A_272 : vector<16xf32>
      %gt3A_274 = arith.constant 0.000000e+00 : f32
      %gt3A_275 = vector.broadcast %gt3A_274 : f32 to vector<16xf32>
      %gt3A_276 = arith.cmpf ogt, %sub3A_273, %gt3A_275 : vector<16xf32>
      %mul3A_277 = arith.constant 2.560000e+02 : f32
      %mul3A_278 = vector.broadcast %mul3A_277 : f32 to vector<16xf32>
      %mul3A_279 = arith.mulf %sub3A_273, %mul3A_278 : vector<16xf32>
      %convert_element_type3A_280 = arith.fptosi %mul3A_279 : vector<16xf32> to vector<16xi32>
      %min3A_281 = arith.constant 4095 : i32
      %min3A_282 = vector.broadcast %min3A_281 : i32 to vector<16xi32>
      %min3A_283 = arith.minsi %convert_element_type3A_280, %min3A_282 : vector<16xi32>
      tpu.vector_store_idx %arg10[%min3A_283], %broadcast_in_dim3A_36 masked %gt3A_276 {add = true} : memref<4096xf32, #tpu.memory_space<vmem>>[vector<16xi32>], vector<16xf32>, vector<16xi1>
      %gt3A_284 = arith.constant 5.000000e-01 : f32
      %gt3A_285 = vector.broadcast %gt3A_284 : f32 to vector<16xf32>
      %gt3A_286 = arith.cmpf ogt, %convert_element_type3A_265, %gt3A_285 : vector<16xf32>
      %and3A_287 = arith.andi %gt3A_276, %gt3A_286 : vector<16xi1>
      tpu.vector_store_idx %arg11[%min3A_283], %broadcast_in_dim3A_36 masked %and3A_287 {add = true} : memref<4096xf32, #tpu.memory_space<vmem>>[vector<16xi32>], vector<16xf32>, vector<16xi1>
      tpu.vector_store_idx %arg12[%min3A_283], %sub3A_273 masked %gt3A_276 {add = true} : memref<4096xf32, #tpu.memory_space<vmem>>[vector<16xi32>], vector<16xf32>, vector<16xi1>
      %add3A_288 = arith.addf %scan3A_188, %convert_element_type3A_265 : vector<16xf32>
      %add3A_289 = arith.constant 3 : i32
      %add3A_290 = arith.addi %mul3A_191, %add3A_289 : i32
      %mul3A_291 = arith.constant 16 : i32
      %mul3A_292 = arith.muli %add3A_290, %mul3A_291 : i32
      %get3A_293 = arith.index_cast %mul3A_292 : i32 to index
      %get3A_294 = tpu.vector_load %arg6[%get3A_293] {strides = array<i32>} : memref<16384xf32, #tpu.memory_space<vmem>>, vector<16xf32>,
      %mul3A_295 = arith.constant 16 : i32
      %mul3A_296 = arith.muli %add3A_290, %mul3A_295 : i32
      %get3A_297 = arith.index_cast %mul3A_296 : i32 to index
      %get3A_298 = tpu.vector_load %arg7[%get3A_297] {strides = array<i32>} : memref<16384xi32, #tpu.memory_space<vmem>>, vector<16xi32>,
      %convert_element_type3A_299 = arith.sitofp %get3A_298 : vector<16xi32> to vector<16xf32>
      %add3A_300 = arith.constant 1.000000e+00 : f32
      %add3A_301 = vector.broadcast %add3A_300 : f32 to vector<16xf32>
      %add3A_302 = arith.addf %add3A_301, %get3A_294 : vector<16xf32>
      %mul3A_303 = arith.mulf %get3A_294, %convert_element_type3A_299 : vector<16xf32>
      %mul3A_304 = arith.constant 2.000000e+00 : f32
      %mul3A_305 = vector.broadcast %mul3A_304 : f32 to vector<16xf32>
      %mul3A_306 = arith.mulf %mul3A_305, %mul3A_303 : vector<16xf32>
      %sub3A_307 = arith.subf %add3A_302, %mul3A_306 : vector<16xf32>
      %gt3A_308 = arith.constant 0.000000e+00 : f32
      %gt3A_309 = vector.broadcast %gt3A_308 : f32 to vector<16xf32>
      %gt3A_310 = arith.cmpf ogt, %sub3A_307, %gt3A_309 : vector<16xf32>
      %mul3A_311 = arith.constant 2.560000e+02 : f32
      %mul3A_312 = vector.broadcast %mul3A_311 : f32 to vector<16xf32>
      %mul3A_313 = arith.mulf %sub3A_307, %mul3A_312 : vector<16xf32>
      %convert_element_type3A_314 = arith.fptosi %mul3A_313 : vector<16xf32> to vector<16xi32>
      %min3A_315 = arith.constant 4095 : i32
      %min3A_316 = vector.broadcast %min3A_315 : i32 to vector<16xi32>
      %min3A_317 = arith.minsi %convert_element_type3A_314, %min3A_316 : vector<16xi32>
      tpu.vector_store_idx %arg10[%min3A_317], %broadcast_in_dim3A_36 masked %gt3A_310 {add = true} : memref<4096xf32, #tpu.memory_space<vmem>>[vector<16xi32>], vector<16xf32>, vector<16xi1>
      %gt3A_318 = arith.constant 5.000000e-01 : f32
      %gt3A_319 = vector.broadcast %gt3A_318 : f32 to vector<16xf32>
      %gt3A_320 = arith.cmpf ogt, %convert_element_type3A_299, %gt3A_319 : vector<16xf32>
      %and3A_321 = arith.andi %gt3A_310, %gt3A_320 : vector<16xi1>
      tpu.vector_store_idx %arg11[%min3A_317], %broadcast_in_dim3A_36 masked %and3A_321 {add = true} : memref<4096xf32, #tpu.memory_space<vmem>>[vector<16xi32>], vector<16xf32>, vector<16xi1>
      tpu.vector_store_idx %arg12[%min3A_317], %sub3A_307 masked %gt3A_310 {add = true} : memref<4096xf32, #tpu.memory_space<vmem>>[vector<16xi32>], vector<16xf32>, vector<16xi1>
      %add3A_322 = arith.addf %scan3A_189, %convert_element_type3A_299 : vector<16xf32>
      scf.yield %add3A_220, %add3A_254, %add3A_288, %add3A_322 : vector<16xf32>, vector<16xf32>, vector<16xf32>, vector<16xf32>
    }
    %scan3A_67 = arith.constant 256 : i32
    %add3A_68 = arith.constant 32768 : i32
    %add3A_69 = arith.addi %add3A_47, %add3A_68 : i32
    %dma_start3A_70 = tpu.memref_slice %arg2[%add3A_69] : memref<4194304xf32, #tpu.memory_space<hbm>> -> memref<16384xf32, #tpu.memory_space<hbm>>
    %dma_start3A_71 = tpu.memref_slice %arg2[%add3A_69] : memref<4194304xf32, #tpu.memory_space<hbm>> -> memref<16384xf32, #tpu.memory_space<hbm>>
    tpu.enqueue_dma source(%dma_start3A_71 : memref<16384xf32, #tpu.memory_space<hbm>>) target(%arg6 : memref<16384xf32, #tpu.memory_space<vmem>>) target_semaphore(%arg15 : memref<!tpu.dma_semaphore, #tpu.memory_space<semaphore_mem>>)
    %dma_start3A_72 = tpu.memref_slice %arg3[%add3A_69] : memref<4194304xi32, #tpu.memory_space<hbm>> -> memref<16384xi32, #tpu.memory_space<hbm>>
    %dma_start3A_73 = tpu.memref_slice %arg3[%add3A_69] : memref<4194304xi32, #tpu.memory_space<hbm>> -> memref<16384xi32, #tpu.memory_space<hbm>>
    tpu.enqueue_dma source(%dma_start3A_73 : memref<16384xi32, #tpu.memory_space<hbm>>) target(%arg7 : memref<16384xi32, #tpu.memory_space<vmem>>) target_semaphore(%arg16 : memref<!tpu.dma_semaphore, #tpu.memory_space<semaphore_mem>>)
    %dma_wait3A_74 = tpu.memref_slice %arg2[%add3A_54] : memref<4194304xf32, #tpu.memory_space<hbm>> -> memref<16384xf32, #tpu.memory_space<hbm>>
    %dma_wait3A_75 = tpu.memref_slice %arg2[%add3A_54] : memref<4194304xf32, #tpu.memory_space<hbm>> -> memref<16384xf32, #tpu.memory_space<hbm>>
    tpu.wait_dma2 semaphore(%arg17 : memref<!tpu.dma_semaphore, #tpu.memory_space<semaphore_mem>>) src(%dma_wait3A_75 : memref<16384xf32, #tpu.memory_space<hbm>>) dst(%arg8 : memref<16384xf32, #tpu.memory_space<vmem>>)
    %dma_wait3A_76 = tpu.memref_slice %arg3[%add3A_54] : memref<4194304xi32, #tpu.memory_space<hbm>> -> memref<16384xi32, #tpu.memory_space<hbm>>
    %dma_wait3A_77 = tpu.memref_slice %arg3[%add3A_54] : memref<4194304xi32, #tpu.memory_space<hbm>> -> memref<16384xi32, #tpu.memory_space<hbm>>
    tpu.wait_dma2 semaphore(%arg18 : memref<!tpu.dma_semaphore, #tpu.memory_space<semaphore_mem>>) src(%dma_wait3A_77 : memref<16384xi32, #tpu.memory_space<hbm>>) dst(%arg9 : memref<16384xi32, #tpu.memory_space<vmem>>)
    %scan3A_78 = arith.constant 0 : i32
    %scan3A_79 = arith.constant 256 : i32
    %scan3A_80 = arith.addi %scan3A_78, %scan3A_79 : i32
    %scan3A_81 = arith.constant 1 : i32
    %scan3A_82:4 = scf.for %scan3A_185 = %scan3A_78 to %scan3A_80 step %scan3A_81 iter_args(%scan3A_186 = %scan3A_66#0, %scan3A_187 = %scan3A_66#1, %scan3A_188 = %scan3A_66#2, %scan3A_189 = %scan3A_66#3) -> (vector<16xf32>, vector<16xf32>, vector<16xf32>, vector<16xf32>)  : i32 {
      %mul3A_190 = arith.constant 4 : i32
      %mul3A_191 = arith.muli %scan3A_185, %mul3A_190 : i32
      %mul3A_192 = arith.constant 16 : i32
      %mul3A_193 = arith.muli %mul3A_191, %mul3A_192 : i32
      %get3A = arith.index_cast %mul3A_193 : i32 to index
      %get3A_194 = tpu.vector_load %arg8[%get3A] {strides = array<i32>} : memref<16384xf32, #tpu.memory_space<vmem>>, vector<16xf32>,
      %mul3A_195 = arith.constant 16 : i32
      %mul3A_196 = arith.muli %mul3A_191, %mul3A_195 : i32
      %get3A_197 = arith.index_cast %mul3A_196 : i32 to index
      %get3A_198 = tpu.vector_load %arg9[%get3A_197] {strides = array<i32>} : memref<16384xi32, #tpu.memory_space<vmem>>, vector<16xi32>,
      %convert_element_type3A_199 = arith.sitofp %get3A_198 : vector<16xi32> to vector<16xf32>
      %add3A_200 = arith.constant 1.000000e+00 : f32
      %add3A_201 = vector.broadcast %add3A_200 : f32 to vector<16xf32>
      %add3A_202 = arith.addf %add3A_201, %get3A_194 : vector<16xf32>
      %mul3A_203 = arith.mulf %get3A_194, %convert_element_type3A_199 : vector<16xf32>
      %mul3A_204 = arith.constant 2.000000e+00 : f32
      %mul3A_205 = vector.broadcast %mul3A_204 : f32 to vector<16xf32>
      %mul3A_206 = arith.mulf %mul3A_205, %mul3A_203 : vector<16xf32>
      %sub3A_207 = arith.subf %add3A_202, %mul3A_206 : vector<16xf32>
      %gt3A = arith.constant 0.000000e+00 : f32
      %gt3A_208 = vector.broadcast %gt3A : f32 to vector<16xf32>
      %gt3A_209 = arith.cmpf ogt, %sub3A_207, %gt3A_208 : vector<16xf32>
      %mul3A_210 = arith.constant 2.560000e+02 : f32
      %mul3A_211 = vector.broadcast %mul3A_210 : f32 to vector<16xf32>
      %mul3A_212 = arith.mulf %sub3A_207, %mul3A_211 : vector<16xf32>
      %convert_element_type3A_213 = arith.fptosi %mul3A_212 : vector<16xf32> to vector<16xi32>
      %min3A = arith.constant 4095 : i32
      %min3A_214 = vector.broadcast %min3A : i32 to vector<16xi32>
      %min3A_215 = arith.minsi %convert_element_type3A_213, %min3A_214 : vector<16xi32>
      tpu.vector_store_idx %arg10[%min3A_215], %broadcast_in_dim3A_36 masked %gt3A_209 {add = true} : memref<4096xf32, #tpu.memory_space<vmem>>[vector<16xi32>], vector<16xf32>, vector<16xi1>
      %gt3A_216 = arith.constant 5.000000e-01 : f32
      %gt3A_217 = vector.broadcast %gt3A_216 : f32 to vector<16xf32>
      %gt3A_218 = arith.cmpf ogt, %convert_element_type3A_199, %gt3A_217 : vector<16xf32>
      %and3A_219 = arith.andi %gt3A_209, %gt3A_218 : vector<16xi1>
      tpu.vector_store_idx %arg11[%min3A_215], %broadcast_in_dim3A_36 masked %and3A_219 {add = true} : memref<4096xf32, #tpu.memory_space<vmem>>[vector<16xi32>], vector<16xf32>, vector<16xi1>
      tpu.vector_store_idx %arg12[%min3A_215], %sub3A_207 masked %gt3A_209 {add = true} : memref<4096xf32, #tpu.memory_space<vmem>>[vector<16xi32>], vector<16xf32>, vector<16xi1>
      %add3A_220 = arith.addf %scan3A_186, %convert_element_type3A_199 : vector<16xf32>
      %add3A_221 = arith.constant 1 : i32
      %add3A_222 = arith.addi %mul3A_191, %add3A_221 : i32
      %mul3A_223 = arith.constant 16 : i32
      %mul3A_224 = arith.muli %add3A_222, %mul3A_223 : i32
      %get3A_225 = arith.index_cast %mul3A_224 : i32 to index
      %get3A_226 = tpu.vector_load %arg8[%get3A_225] {strides = array<i32>} : memref<16384xf32, #tpu.memory_space<vmem>>, vector<16xf32>,
      %mul3A_227 = arith.constant 16 : i32
      %mul3A_228 = arith.muli %add3A_222, %mul3A_227 : i32
      %get3A_229 = arith.index_cast %mul3A_228 : i32 to index
      %get3A_230 = tpu.vector_load %arg9[%get3A_229] {strides = array<i32>} : memref<16384xi32, #tpu.memory_space<vmem>>, vector<16xi32>,
      %convert_element_type3A_231 = arith.sitofp %get3A_230 : vector<16xi32> to vector<16xf32>
      %add3A_232 = arith.constant 1.000000e+00 : f32
      %add3A_233 = vector.broadcast %add3A_232 : f32 to vector<16xf32>
      %add3A_234 = arith.addf %add3A_233, %get3A_226 : vector<16xf32>
      %mul3A_235 = arith.mulf %get3A_226, %convert_element_type3A_231 : vector<16xf32>
      %mul3A_236 = arith.constant 2.000000e+00 : f32
      %mul3A_237 = vector.broadcast %mul3A_236 : f32 to vector<16xf32>
      %mul3A_238 = arith.mulf %mul3A_237, %mul3A_235 : vector<16xf32>
      %sub3A_239 = arith.subf %add3A_234, %mul3A_238 : vector<16xf32>
      %gt3A_240 = arith.constant 0.000000e+00 : f32
      %gt3A_241 = vector.broadcast %gt3A_240 : f32 to vector<16xf32>
      %gt3A_242 = arith.cmpf ogt, %sub3A_239, %gt3A_241 : vector<16xf32>
      %mul3A_243 = arith.constant 2.560000e+02 : f32
      %mul3A_244 = vector.broadcast %mul3A_243 : f32 to vector<16xf32>
      %mul3A_245 = arith.mulf %sub3A_239, %mul3A_244 : vector<16xf32>
      %convert_element_type3A_246 = arith.fptosi %mul3A_245 : vector<16xf32> to vector<16xi32>
      %min3A_247 = arith.constant 4095 : i32
      %min3A_248 = vector.broadcast %min3A_247 : i32 to vector<16xi32>
      %min3A_249 = arith.minsi %convert_element_type3A_246, %min3A_248 : vector<16xi32>
      tpu.vector_store_idx %arg10[%min3A_249], %broadcast_in_dim3A_36 masked %gt3A_242 {add = true} : memref<4096xf32, #tpu.memory_space<vmem>>[vector<16xi32>], vector<16xf32>, vector<16xi1>
      %gt3A_250 = arith.constant 5.000000e-01 : f32
      %gt3A_251 = vector.broadcast %gt3A_250 : f32 to vector<16xf32>
      %gt3A_252 = arith.cmpf ogt, %convert_element_type3A_231, %gt3A_251 : vector<16xf32>
      %and3A_253 = arith.andi %gt3A_242, %gt3A_252 : vector<16xi1>
      tpu.vector_store_idx %arg11[%min3A_249], %broadcast_in_dim3A_36 masked %and3A_253 {add = true} : memref<4096xf32, #tpu.memory_space<vmem>>[vector<16xi32>], vector<16xf32>, vector<16xi1>
      tpu.vector_store_idx %arg12[%min3A_249], %sub3A_239 masked %gt3A_242 {add = true} : memref<4096xf32, #tpu.memory_space<vmem>>[vector<16xi32>], vector<16xf32>, vector<16xi1>
      %add3A_254 = arith.addf %scan3A_187, %convert_element_type3A_231 : vector<16xf32>
      %add3A_255 = arith.constant 2 : i32
      %add3A_256 = arith.addi %mul3A_191, %add3A_255 : i32
      %mul3A_257 = arith.constant 16 : i32
      %mul3A_258 = arith.muli %add3A_256, %mul3A_257 : i32
      %get3A_259 = arith.index_cast %mul3A_258 : i32 to index
      %get3A_260 = tpu.vector_load %arg8[%get3A_259] {strides = array<i32>} : memref<16384xf32, #tpu.memory_space<vmem>>, vector<16xf32>,
      %mul3A_261 = arith.constant 16 : i32
      %mul3A_262 = arith.muli %add3A_256, %mul3A_261 : i32
      %get3A_263 = arith.index_cast %mul3A_262 : i32 to index
      %get3A_264 = tpu.vector_load %arg9[%get3A_263] {strides = array<i32>} : memref<16384xi32, #tpu.memory_space<vmem>>, vector<16xi32>,
      %convert_element_type3A_265 = arith.sitofp %get3A_264 : vector<16xi32> to vector<16xf32>
      %add3A_266 = arith.constant 1.000000e+00 : f32
      %add3A_267 = vector.broadcast %add3A_266 : f32 to vector<16xf32>
      %add3A_268 = arith.addf %add3A_267, %get3A_260 : vector<16xf32>
      %mul3A_269 = arith.mulf %get3A_260, %convert_element_type3A_265 : vector<16xf32>
      %mul3A_270 = arith.constant 2.000000e+00 : f32
      %mul3A_271 = vector.broadcast %mul3A_270 : f32 to vector<16xf32>
      %mul3A_272 = arith.mulf %mul3A_271, %mul3A_269 : vector<16xf32>
      %sub3A_273 = arith.subf %add3A_268, %mul3A_272 : vector<16xf32>
      %gt3A_274 = arith.constant 0.000000e+00 : f32
      %gt3A_275 = vector.broadcast %gt3A_274 : f32 to vector<16xf32>
      %gt3A_276 = arith.cmpf ogt, %sub3A_273, %gt3A_275 : vector<16xf32>
      %mul3A_277 = arith.constant 2.560000e+02 : f32
      %mul3A_278 = vector.broadcast %mul3A_277 : f32 to vector<16xf32>
      %mul3A_279 = arith.mulf %sub3A_273, %mul3A_278 : vector<16xf32>
      %convert_element_type3A_280 = arith.fptosi %mul3A_279 : vector<16xf32> to vector<16xi32>
      %min3A_281 = arith.constant 4095 : i32
      %min3A_282 = vector.broadcast %min3A_281 : i32 to vector<16xi32>
      %min3A_283 = arith.minsi %convert_element_type3A_280, %min3A_282 : vector<16xi32>
      tpu.vector_store_idx %arg10[%min3A_283], %broadcast_in_dim3A_36 masked %gt3A_276 {add = true} : memref<4096xf32, #tpu.memory_space<vmem>>[vector<16xi32>], vector<16xf32>, vector<16xi1>
      %gt3A_284 = arith.constant 5.000000e-01 : f32
      %gt3A_285 = vector.broadcast %gt3A_284 : f32 to vector<16xf32>
      %gt3A_286 = arith.cmpf ogt, %convert_element_type3A_265, %gt3A_285 : vector<16xf32>
      %and3A_287 = arith.andi %gt3A_276, %gt3A_286 : vector<16xi1>
      tpu.vector_store_idx %arg11[%min3A_283], %broadcast_in_dim3A_36 masked %and3A_287 {add = true} : memref<4096xf32, #tpu.memory_space<vmem>>[vector<16xi32>], vector<16xf32>, vector<16xi1>
      tpu.vector_store_idx %arg12[%min3A_283], %sub3A_273 masked %gt3A_276 {add = true} : memref<4096xf32, #tpu.memory_space<vmem>>[vector<16xi32>], vector<16xf32>, vector<16xi1>
      %add3A_288 = arith.addf %scan3A_188, %convert_element_type3A_265 : vector<16xf32>
      %add3A_289 = arith.constant 3 : i32
      %add3A_290 = arith.addi %mul3A_191, %add3A_289 : i32
      %mul3A_291 = arith.constant 16 : i32
      %mul3A_292 = arith.muli %add3A_290, %mul3A_291 : i32
      %get3A_293 = arith.index_cast %mul3A_292 : i32 to index
      %get3A_294 = tpu.vector_load %arg8[%get3A_293] {strides = array<i32>} : memref<16384xf32, #tpu.memory_space<vmem>>, vector<16xf32>,
      %mul3A_295 = arith.constant 16 : i32
      %mul3A_296 = arith.muli %add3A_290, %mul3A_295 : i32
      %get3A_297 = arith.index_cast %mul3A_296 : i32 to index
      %get3A_298 = tpu.vector_load %arg9[%get3A_297] {strides = array<i32>} : memref<16384xi32, #tpu.memory_space<vmem>>, vector<16xi32>,
      %convert_element_type3A_299 = arith.sitofp %get3A_298 : vector<16xi32> to vector<16xf32>
      %add3A_300 = arith.constant 1.000000e+00 : f32
      %add3A_301 = vector.broadcast %add3A_300 : f32 to vector<16xf32>
      %add3A_302 = arith.addf %add3A_301, %get3A_294 : vector<16xf32>
      %mul3A_303 = arith.mulf %get3A_294, %convert_element_type3A_299 : vector<16xf32>
      %mul3A_304 = arith.constant 2.000000e+00 : f32
      %mul3A_305 = vector.broadcast %mul3A_304 : f32 to vector<16xf32>
      %mul3A_306 = arith.mulf %mul3A_305, %mul3A_303 : vector<16xf32>
      %sub3A_307 = arith.subf %add3A_302, %mul3A_306 : vector<16xf32>
      %gt3A_308 = arith.constant 0.000000e+00 : f32
      %gt3A_309 = vector.broadcast %gt3A_308 : f32 to vector<16xf32>
      %gt3A_310 = arith.cmpf ogt, %sub3A_307, %gt3A_309 : vector<16xf32>
      %mul3A_311 = arith.constant 2.560000e+02 : f32
      %mul3A_312 = vector.broadcast %mul3A_311 : f32 to vector<16xf32>
      %mul3A_313 = arith.mulf %sub3A_307, %mul3A_312 : vector<16xf32>
      %convert_element_type3A_314 = arith.fptosi %mul3A_313 : vector<16xf32> to vector<16xi32>
      %min3A_315 = arith.constant 4095 : i32
      %min3A_316 = vector.broadcast %min3A_315 : i32 to vector<16xi32>
      %min3A_317 = arith.minsi %convert_element_type3A_314, %min3A_316 : vector<16xi32>
      tpu.vector_store_idx %arg10[%min3A_317], %broadcast_in_dim3A_36 masked %gt3A_310 {add = true} : memref<4096xf32, #tpu.memory_space<vmem>>[vector<16xi32>], vector<16xf32>, vector<16xi1>
      %gt3A_318 = arith.constant 5.000000e-01 : f32
      %gt3A_319 = vector.broadcast %gt3A_318 : f32 to vector<16xf32>
      %gt3A_320 = arith.cmpf ogt, %convert_element_type3A_299, %gt3A_319 : vector<16xf32>
      %and3A_321 = arith.andi %gt3A_310, %gt3A_320 : vector<16xi1>
      tpu.vector_store_idx %arg11[%min3A_317], %broadcast_in_dim3A_36 masked %and3A_321 {add = true} : memref<4096xf32, #tpu.memory_space<vmem>>[vector<16xi32>], vector<16xf32>, vector<16xi1>
      tpu.vector_store_idx %arg12[%min3A_317], %sub3A_307 masked %gt3A_310 {add = true} : memref<4096xf32, #tpu.memory_space<vmem>>[vector<16xi32>], vector<16xf32>, vector<16xi1>
      %add3A_322 = arith.addf %scan3A_189, %convert_element_type3A_299 : vector<16xf32>
      scf.yield %add3A_220, %add3A_254, %add3A_288, %add3A_322 : vector<16xf32>, vector<16xf32>, vector<16xf32>, vector<16xf32>
    }
    %scan3A_83 = arith.constant 256 : i32
    %add3A_84 = arith.constant 49152 : i32
    %add3A_85 = arith.addi %add3A_47, %add3A_84 : i32
    %dma_start3A_86 = tpu.memref_slice %arg2[%add3A_85] : memref<4194304xf32, #tpu.memory_space<hbm>> -> memref<16384xf32, #tpu.memory_space<hbm>>
    %dma_start3A_87 = tpu.memref_slice %arg2[%add3A_85] : memref<4194304xf32, #tpu.memory_space<hbm>> -> memref<16384xf32, #tpu.memory_space<hbm>>
    tpu.enqueue_dma source(%dma_start3A_87 : memref<16384xf32, #tpu.memory_space<hbm>>) target(%arg8 : memref<16384xf32, #tpu.memory_space<vmem>>) target_semaphore(%arg17 : memref<!tpu.dma_semaphore, #tpu.memory_space<semaphore_mem>>)
    %dma_start3A_88 = tpu.memref_slice %arg3[%add3A_85] : memref<4194304xi32, #tpu.memory_space<hbm>> -> memref<16384xi32, #tpu.memory_space<hbm>>
    %dma_start3A_89 = tpu.memref_slice %arg3[%add3A_85] : memref<4194304xi32, #tpu.memory_space<hbm>> -> memref<16384xi32, #tpu.memory_space<hbm>>
    tpu.enqueue_dma source(%dma_start3A_89 : memref<16384xi32, #tpu.memory_space<hbm>>) target(%arg9 : memref<16384xi32, #tpu.memory_space<vmem>>) target_semaphore(%arg18 : memref<!tpu.dma_semaphore, #tpu.memory_space<semaphore_mem>>)
    %dma_wait3A_90 = tpu.memref_slice %arg2[%add3A_69] : memref<4194304xf32, #tpu.memory_space<hbm>> -> memref<16384xf32, #tpu.memory_space<hbm>>
    %dma_wait3A_91 = tpu.memref_slice %arg2[%add3A_69] : memref<4194304xf32, #tpu.memory_space<hbm>> -> memref<16384xf32, #tpu.memory_space<hbm>>
    tpu.wait_dma2 semaphore(%arg15 : memref<!tpu.dma_semaphore, #tpu.memory_space<semaphore_mem>>) src(%dma_wait3A_91 : memref<16384xf32, #tpu.memory_space<hbm>>) dst(%arg6 : memref<16384xf32, #tpu.memory_space<vmem>>)
    %dma_wait3A_92 = tpu.memref_slice %arg3[%add3A_69] : memref<4194304xi32, #tpu.memory_space<hbm>> -> memref<16384xi32, #tpu.memory_space<hbm>>
    %dma_wait3A_93 = tpu.memref_slice %arg3[%add3A_69] : memref<4194304xi32, #tpu.memory_space<hbm>> -> memref<16384xi32, #tpu.memory_space<hbm>>
    tpu.wait_dma2 semaphore(%arg16 : memref<!tpu.dma_semaphore, #tpu.memory_space<semaphore_mem>>) src(%dma_wait3A_93 : memref<16384xi32, #tpu.memory_space<hbm>>) dst(%arg7 : memref<16384xi32, #tpu.memory_space<vmem>>)
    %scan3A_94 = arith.constant 0 : i32
    %scan3A_95 = arith.constant 256 : i32
    %scan3A_96 = arith.addi %scan3A_94, %scan3A_95 : i32
    %scan3A_97 = arith.constant 1 : i32
    %scan3A_98:4 = scf.for %scan3A_185 = %scan3A_94 to %scan3A_96 step %scan3A_97 iter_args(%scan3A_186 = %scan3A_82#0, %scan3A_187 = %scan3A_82#1, %scan3A_188 = %scan3A_82#2, %scan3A_189 = %scan3A_82#3) -> (vector<16xf32>, vector<16xf32>, vector<16xf32>, vector<16xf32>)  : i32 {
      %mul3A_190 = arith.constant 4 : i32
      %mul3A_191 = arith.muli %scan3A_185, %mul3A_190 : i32
      %mul3A_192 = arith.constant 16 : i32
      %mul3A_193 = arith.muli %mul3A_191, %mul3A_192 : i32
      %get3A = arith.index_cast %mul3A_193 : i32 to index
      %get3A_194 = tpu.vector_load %arg6[%get3A] {strides = array<i32>} : memref<16384xf32, #tpu.memory_space<vmem>>, vector<16xf32>,
      %mul3A_195 = arith.constant 16 : i32
      %mul3A_196 = arith.muli %mul3A_191, %mul3A_195 : i32
      %get3A_197 = arith.index_cast %mul3A_196 : i32 to index
      %get3A_198 = tpu.vector_load %arg7[%get3A_197] {strides = array<i32>} : memref<16384xi32, #tpu.memory_space<vmem>>, vector<16xi32>,
      %convert_element_type3A_199 = arith.sitofp %get3A_198 : vector<16xi32> to vector<16xf32>
      %add3A_200 = arith.constant 1.000000e+00 : f32
      %add3A_201 = vector.broadcast %add3A_200 : f32 to vector<16xf32>
      %add3A_202 = arith.addf %add3A_201, %get3A_194 : vector<16xf32>
      %mul3A_203 = arith.mulf %get3A_194, %convert_element_type3A_199 : vector<16xf32>
      %mul3A_204 = arith.constant 2.000000e+00 : f32
      %mul3A_205 = vector.broadcast %mul3A_204 : f32 to vector<16xf32>
      %mul3A_206 = arith.mulf %mul3A_205, %mul3A_203 : vector<16xf32>
      %sub3A_207 = arith.subf %add3A_202, %mul3A_206 : vector<16xf32>
      %gt3A = arith.constant 0.000000e+00 : f32
      %gt3A_208 = vector.broadcast %gt3A : f32 to vector<16xf32>
      %gt3A_209 = arith.cmpf ogt, %sub3A_207, %gt3A_208 : vector<16xf32>
      %mul3A_210 = arith.constant 2.560000e+02 : f32
      %mul3A_211 = vector.broadcast %mul3A_210 : f32 to vector<16xf32>
      %mul3A_212 = arith.mulf %sub3A_207, %mul3A_211 : vector<16xf32>
      %convert_element_type3A_213 = arith.fptosi %mul3A_212 : vector<16xf32> to vector<16xi32>
      %min3A = arith.constant 4095 : i32
      %min3A_214 = vector.broadcast %min3A : i32 to vector<16xi32>
      %min3A_215 = arith.minsi %convert_element_type3A_213, %min3A_214 : vector<16xi32>
      tpu.vector_store_idx %arg10[%min3A_215], %broadcast_in_dim3A_36 masked %gt3A_209 {add = true} : memref<4096xf32, #tpu.memory_space<vmem>>[vector<16xi32>], vector<16xf32>, vector<16xi1>
      %gt3A_216 = arith.constant 5.000000e-01 : f32
      %gt3A_217 = vector.broadcast %gt3A_216 : f32 to vector<16xf32>
      %gt3A_218 = arith.cmpf ogt, %convert_element_type3A_199, %gt3A_217 : vector<16xf32>
      %and3A_219 = arith.andi %gt3A_209, %gt3A_218 : vector<16xi1>
      tpu.vector_store_idx %arg11[%min3A_215], %broadcast_in_dim3A_36 masked %and3A_219 {add = true} : memref<4096xf32, #tpu.memory_space<vmem>>[vector<16xi32>], vector<16xf32>, vector<16xi1>
      tpu.vector_store_idx %arg12[%min3A_215], %sub3A_207 masked %gt3A_209 {add = true} : memref<4096xf32, #tpu.memory_space<vmem>>[vector<16xi32>], vector<16xf32>, vector<16xi1>
      %add3A_220 = arith.addf %scan3A_186, %convert_element_type3A_199 : vector<16xf32>
      %add3A_221 = arith.constant 1 : i32
      %add3A_222 = arith.addi %mul3A_191, %add3A_221 : i32
      %mul3A_223 = arith.constant 16 : i32
      %mul3A_224 = arith.muli %add3A_222, %mul3A_223 : i32
      %get3A_225 = arith.index_cast %mul3A_224 : i32 to index
      %get3A_226 = tpu.vector_load %arg6[%get3A_225] {strides = array<i32>} : memref<16384xf32, #tpu.memory_space<vmem>>, vector<16xf32>,
      %mul3A_227 = arith.constant 16 : i32
      %mul3A_228 = arith.muli %add3A_222, %mul3A_227 : i32
      %get3A_229 = arith.index_cast %mul3A_228 : i32 to index
      %get3A_230 = tpu.vector_load %arg7[%get3A_229] {strides = array<i32>} : memref<16384xi32, #tpu.memory_space<vmem>>, vector<16xi32>,
      %convert_element_type3A_231 = arith.sitofp %get3A_230 : vector<16xi32> to vector<16xf32>
      %add3A_232 = arith.constant 1.000000e+00 : f32
      %add3A_233 = vector.broadcast %add3A_232 : f32 to vector<16xf32>
      %add3A_234 = arith.addf %add3A_233, %get3A_226 : vector<16xf32>
      %mul3A_235 = arith.mulf %get3A_226, %convert_element_type3A_231 : vector<16xf32>
      %mul3A_236 = arith.constant 2.000000e+00 : f32
      %mul3A_237 = vector.broadcast %mul3A_236 : f32 to vector<16xf32>
      %mul3A_238 = arith.mulf %mul3A_237, %mul3A_235 : vector<16xf32>
      %sub3A_239 = arith.subf %add3A_234, %mul3A_238 : vector<16xf32>
      %gt3A_240 = arith.constant 0.000000e+00 : f32
      %gt3A_241 = vector.broadcast %gt3A_240 : f32 to vector<16xf32>
      %gt3A_242 = arith.cmpf ogt, %sub3A_239, %gt3A_241 : vector<16xf32>
      %mul3A_243 = arith.constant 2.560000e+02 : f32
      %mul3A_244 = vector.broadcast %mul3A_243 : f32 to vector<16xf32>
      %mul3A_245 = arith.mulf %sub3A_239, %mul3A_244 : vector<16xf32>
      %convert_element_type3A_246 = arith.fptosi %mul3A_245 : vector<16xf32> to vector<16xi32>
      %min3A_247 = arith.constant 4095 : i32
      %min3A_248 = vector.broadcast %min3A_247 : i32 to vector<16xi32>
      %min3A_249 = arith.minsi %convert_element_type3A_246, %min3A_248 : vector<16xi32>
      tpu.vector_store_idx %arg10[%min3A_249], %broadcast_in_dim3A_36 masked %gt3A_242 {add = true} : memref<4096xf32, #tpu.memory_space<vmem>>[vector<16xi32>], vector<16xf32>, vector<16xi1>
      %gt3A_250 = arith.constant 5.000000e-01 : f32
      %gt3A_251 = vector.broadcast %gt3A_250 : f32 to vector<16xf32>
      %gt3A_252 = arith.cmpf ogt, %convert_element_type3A_231, %gt3A_251 : vector<16xf32>
      %and3A_253 = arith.andi %gt3A_242, %gt3A_252 : vector<16xi1>
      tpu.vector_store_idx %arg11[%min3A_249], %broadcast_in_dim3A_36 masked %and3A_253 {add = true} : memref<4096xf32, #tpu.memory_space<vmem>>[vector<16xi32>], vector<16xf32>, vector<16xi1>
      tpu.vector_store_idx %arg12[%min3A_249], %sub3A_239 masked %gt3A_242 {add = true} : memref<4096xf32, #tpu.memory_space<vmem>>[vector<16xi32>], vector<16xf32>, vector<16xi1>
      %add3A_254 = arith.addf %scan3A_187, %convert_element_type3A_231 : vector<16xf32>
      %add3A_255 = arith.constant 2 : i32
      %add3A_256 = arith.addi %mul3A_191, %add3A_255 : i32
      %mul3A_257 = arith.constant 16 : i32
      %mul3A_258 = arith.muli %add3A_256, %mul3A_257 : i32
      %get3A_259 = arith.index_cast %mul3A_258 : i32 to index
      %get3A_260 = tpu.vector_load %arg6[%get3A_259] {strides = array<i32>} : memref<16384xf32, #tpu.memory_space<vmem>>, vector<16xf32>,
      %mul3A_261 = arith.constant 16 : i32
      %mul3A_262 = arith.muli %add3A_256, %mul3A_261 : i32
      %get3A_263 = arith.index_cast %mul3A_262 : i32 to index
      %get3A_264 = tpu.vector_load %arg7[%get3A_263] {strides = array<i32>} : memref<16384xi32, #tpu.memory_space<vmem>>, vector<16xi32>,
      %convert_element_type3A_265 = arith.sitofp %get3A_264 : vector<16xi32> to vector<16xf32>
      %add3A_266 = arith.constant 1.000000e+00 : f32
      %add3A_267 = vector.broadcast %add3A_266 : f32 to vector<16xf32>
      %add3A_268 = arith.addf %add3A_267, %get3A_260 : vector<16xf32>
      %mul3A_269 = arith.mulf %get3A_260, %convert_element_type3A_265 : vector<16xf32>
      %mul3A_270 = arith.constant 2.000000e+00 : f32
      %mul3A_271 = vector.broadcast %mul3A_270 : f32 to vector<16xf32>
      %mul3A_272 = arith.mulf %mul3A_271, %mul3A_269 : vector<16xf32>
      %sub3A_273 = arith.subf %add3A_268, %mul3A_272 : vector<16xf32>
      %gt3A_274 = arith.constant 0.000000e+00 : f32
      %gt3A_275 = vector.broadcast %gt3A_274 : f32 to vector<16xf32>
      %gt3A_276 = arith.cmpf ogt, %sub3A_273, %gt3A_275 : vector<16xf32>
      %mul3A_277 = arith.constant 2.560000e+02 : f32
      %mul3A_278 = vector.broadcast %mul3A_277 : f32 to vector<16xf32>
      %mul3A_279 = arith.mulf %sub3A_273, %mul3A_278 : vector<16xf32>
      %convert_element_type3A_280 = arith.fptosi %mul3A_279 : vector<16xf32> to vector<16xi32>
      %min3A_281 = arith.constant 4095 : i32
      %min3A_282 = vector.broadcast %min3A_281 : i32 to vector<16xi32>
      %min3A_283 = arith.minsi %convert_element_type3A_280, %min3A_282 : vector<16xi32>
      tpu.vector_store_idx %arg10[%min3A_283], %broadcast_in_dim3A_36 masked %gt3A_276 {add = true} : memref<4096xf32, #tpu.memory_space<vmem>>[vector<16xi32>], vector<16xf32>, vector<16xi1>
      %gt3A_284 = arith.constant 5.000000e-01 : f32
      %gt3A_285 = vector.broadcast %gt3A_284 : f32 to vector<16xf32>
      %gt3A_286 = arith.cmpf ogt, %convert_element_type3A_265, %gt3A_285 : vector<16xf32>
      %and3A_287 = arith.andi %gt3A_276, %gt3A_286 : vector<16xi1>
      tpu.vector_store_idx %arg11[%min3A_283], %broadcast_in_dim3A_36 masked %and3A_287 {add = true} : memref<4096xf32, #tpu.memory_space<vmem>>[vector<16xi32>], vector<16xf32>, vector<16xi1>
      tpu.vector_store_idx %arg12[%min3A_283], %sub3A_273 masked %gt3A_276 {add = true} : memref<4096xf32, #tpu.memory_space<vmem>>[vector<16xi32>], vector<16xf32>, vector<16xi1>
      %add3A_288 = arith.addf %scan3A_188, %convert_element_type3A_265 : vector<16xf32>
      %add3A_289 = arith.constant 3 : i32
      %add3A_290 = arith.addi %mul3A_191, %add3A_289 : i32
      %mul3A_291 = arith.constant 16 : i32
      %mul3A_292 = arith.muli %add3A_290, %mul3A_291 : i32
      %get3A_293 = arith.index_cast %mul3A_292 : i32 to index
      %get3A_294 = tpu.vector_load %arg6[%get3A_293] {strides = array<i32>} : memref<16384xf32, #tpu.memory_space<vmem>>, vector<16xf32>,
      %mul3A_295 = arith.constant 16 : i32
      %mul3A_296 = arith.muli %add3A_290, %mul3A_295 : i32
      %get3A_297 = arith.index_cast %mul3A_296 : i32 to index
      %get3A_298 = tpu.vector_load %arg7[%get3A_297] {strides = array<i32>} : memref<16384xi32, #tpu.memory_space<vmem>>, vector<16xi32>,
      %convert_element_type3A_299 = arith.sitofp %get3A_298 : vector<16xi32> to vector<16xf32>
      %add3A_300 = arith.constant 1.000000e+00 : f32
      %add3A_301 = vector.broadcast %add3A_300 : f32 to vector<16xf32>
      %add3A_302 = arith.addf %add3A_301, %get3A_294 : vector<16xf32>
      %mul3A_303 = arith.mulf %get3A_294, %convert_element_type3A_299 : vector<16xf32>
      %mul3A_304 = arith.constant 2.000000e+00 : f32
      %mul3A_305 = vector.broadcast %mul3A_304 : f32 to vector<16xf32>
      %mul3A_306 = arith.mulf %mul3A_305, %mul3A_303 : vector<16xf32>
      %sub3A_307 = arith.subf %add3A_302, %mul3A_306 : vector<16xf32>
      %gt3A_308 = arith.constant 0.000000e+00 : f32
      %gt3A_309 = vector.broadcast %gt3A_308 : f32 to vector<16xf32>
      %gt3A_310 = arith.cmpf ogt, %sub3A_307, %gt3A_309 : vector<16xf32>
      %mul3A_311 = arith.constant 2.560000e+02 : f32
      %mul3A_312 = vector.broadcast %mul3A_311 : f32 to vector<16xf32>
      %mul3A_313 = arith.mulf %sub3A_307, %mul3A_312 : vector<16xf32>
      %convert_element_type3A_314 = arith.fptosi %mul3A_313 : vector<16xf32> to vector<16xi32>
      %min3A_315 = arith.constant 4095 : i32
      %min3A_316 = vector.broadcast %min3A_315 : i32 to vector<16xi32>
      %min3A_317 = arith.minsi %convert_element_type3A_314, %min3A_316 : vector<16xi32>
      tpu.vector_store_idx %arg10[%min3A_317], %broadcast_in_dim3A_36 masked %gt3A_310 {add = true} : memref<4096xf32, #tpu.memory_space<vmem>>[vector<16xi32>], vector<16xf32>, vector<16xi1>
      %gt3A_318 = arith.constant 5.000000e-01 : f32
      %gt3A_319 = vector.broadcast %gt3A_318 : f32 to vector<16xf32>
      %gt3A_320 = arith.cmpf ogt, %convert_element_type3A_299, %gt3A_319 : vector<16xf32>
      %and3A_321 = arith.andi %gt3A_310, %gt3A_320 : vector<16xi1>
      tpu.vector_store_idx %arg11[%min3A_317], %broadcast_in_dim3A_36 masked %and3A_321 {add = true} : memref<4096xf32, #tpu.memory_space<vmem>>[vector<16xi32>], vector<16xf32>, vector<16xi1>
      tpu.vector_store_idx %arg12[%min3A_317], %sub3A_307 masked %gt3A_310 {add = true} : memref<4096xf32, #tpu.memory_space<vmem>>[vector<16xi32>], vector<16xf32>, vector<16xi1>
      %add3A_322 = arith.addf %scan3A_189, %convert_element_type3A_299 : vector<16xf32>
      scf.yield %add3A_220, %add3A_254, %add3A_288, %add3A_322 : vector<16xf32>, vector<16xf32>, vector<16xf32>, vector<16xf32>
    }
    %scan3A_99 = arith.constant 256 : i32
    %add3A_100 = arith.constant 65536 : i32
    %add3A_101 = arith.addi %add3A_47, %add3A_100 : i32
    %dma_start3A_102 = tpu.memref_slice %arg2[%add3A_101] : memref<4194304xf32, #tpu.memory_space<hbm>> -> memref<16384xf32, #tpu.memory_space<hbm>>
    %dma_start3A_103 = tpu.memref_slice %arg2[%add3A_101] : memref<4194304xf32, #tpu.memory_space<hbm>> -> memref<16384xf32, #tpu.memory_space<hbm>>
    tpu.enqueue_dma source(%dma_start3A_103 : memref<16384xf32, #tpu.memory_space<hbm>>) target(%arg6 : memref<16384xf32, #tpu.memory_space<vmem>>) target_semaphore(%arg15 : memref<!tpu.dma_semaphore, #tpu.memory_space<semaphore_mem>>)
    %dma_start3A_104 = tpu.memref_slice %arg3[%add3A_101] : memref<4194304xi32, #tpu.memory_space<hbm>> -> memref<16384xi32, #tpu.memory_space<hbm>>
    %dma_start3A_105 = tpu.memref_slice %arg3[%add3A_101] : memref<4194304xi32, #tpu.memory_space<hbm>> -> memref<16384xi32, #tpu.memory_space<hbm>>
    tpu.enqueue_dma source(%dma_start3A_105 : memref<16384xi32, #tpu.memory_space<hbm>>) target(%arg7 : memref<16384xi32, #tpu.memory_space<vmem>>) target_semaphore(%arg16 : memref<!tpu.dma_semaphore, #tpu.memory_space<semaphore_mem>>)
    %dma_wait3A_106 = tpu.memref_slice %arg2[%add3A_85] : memref<4194304xf32, #tpu.memory_space<hbm>> -> memref<16384xf32, #tpu.memory_space<hbm>>
    %dma_wait3A_107 = tpu.memref_slice %arg2[%add3A_85] : memref<4194304xf32, #tpu.memory_space<hbm>> -> memref<16384xf32, #tpu.memory_space<hbm>>
    tpu.wait_dma2 semaphore(%arg17 : memref<!tpu.dma_semaphore, #tpu.memory_space<semaphore_mem>>) src(%dma_wait3A_107 : memref<16384xf32, #tpu.memory_space<hbm>>) dst(%arg8 : memref<16384xf32, #tpu.memory_space<vmem>>)
    %dma_wait3A_108 = tpu.memref_slice %arg3[%add3A_85] : memref<4194304xi32, #tpu.memory_space<hbm>> -> memref<16384xi32, #tpu.memory_space<hbm>>
    %dma_wait3A_109 = tpu.memref_slice %arg3[%add3A_85] : memref<4194304xi32, #tpu.memory_space<hbm>> -> memref<16384xi32, #tpu.memory_space<hbm>>
    tpu.wait_dma2 semaphore(%arg18 : memref<!tpu.dma_semaphore, #tpu.memory_space<semaphore_mem>>) src(%dma_wait3A_109 : memref<16384xi32, #tpu.memory_space<hbm>>) dst(%arg9 : memref<16384xi32, #tpu.memory_space<vmem>>)
    %scan3A_110 = arith.constant 0 : i32
    %scan3A_111 = arith.constant 256 : i32
    %scan3A_112 = arith.addi %scan3A_110, %scan3A_111 : i32
    %scan3A_113 = arith.constant 1 : i32
    %scan3A_114:4 = scf.for %scan3A_185 = %scan3A_110 to %scan3A_112 step %scan3A_113 iter_args(%scan3A_186 = %scan3A_98#0, %scan3A_187 = %scan3A_98#1, %scan3A_188 = %scan3A_98#2, %scan3A_189 = %scan3A_98#3) -> (vector<16xf32>, vector<16xf32>, vector<16xf32>, vector<16xf32>)  : i32 {
      %mul3A_190 = arith.constant 4 : i32
      %mul3A_191 = arith.muli %scan3A_185, %mul3A_190 : i32
      %mul3A_192 = arith.constant 16 : i32
      %mul3A_193 = arith.muli %mul3A_191, %mul3A_192 : i32
      %get3A = arith.index_cast %mul3A_193 : i32 to index
      %get3A_194 = tpu.vector_load %arg8[%get3A] {strides = array<i32>} : memref<16384xf32, #tpu.memory_space<vmem>>, vector<16xf32>,
      %mul3A_195 = arith.constant 16 : i32
      %mul3A_196 = arith.muli %mul3A_191, %mul3A_195 : i32
      %get3A_197 = arith.index_cast %mul3A_196 : i32 to index
      %get3A_198 = tpu.vector_load %arg9[%get3A_197] {strides = array<i32>} : memref<16384xi32, #tpu.memory_space<vmem>>, vector<16xi32>,
      %convert_element_type3A_199 = arith.sitofp %get3A_198 : vector<16xi32> to vector<16xf32>
      %add3A_200 = arith.constant 1.000000e+00 : f32
      %add3A_201 = vector.broadcast %add3A_200 : f32 to vector<16xf32>
      %add3A_202 = arith.addf %add3A_201, %get3A_194 : vector<16xf32>
      %mul3A_203 = arith.mulf %get3A_194, %convert_element_type3A_199 : vector<16xf32>
      %mul3A_204 = arith.constant 2.000000e+00 : f32
      %mul3A_205 = vector.broadcast %mul3A_204 : f32 to vector<16xf32>
      %mul3A_206 = arith.mulf %mul3A_205, %mul3A_203 : vector<16xf32>
      %sub3A_207 = arith.subf %add3A_202, %mul3A_206 : vector<16xf32>
      %gt3A = arith.constant 0.000000e+00 : f32
      %gt3A_208 = vector.broadcast %gt3A : f32 to vector<16xf32>
      %gt3A_209 = arith.cmpf ogt, %sub3A_207, %gt3A_208 : vector<16xf32>
      %mul3A_210 = arith.constant 2.560000e+02 : f32
      %mul3A_211 = vector.broadcast %mul3A_210 : f32 to vector<16xf32>
      %mul3A_212 = arith.mulf %sub3A_207, %mul3A_211 : vector<16xf32>
      %convert_element_type3A_213 = arith.fptosi %mul3A_212 : vector<16xf32> to vector<16xi32>
      %min3A = arith.constant 4095 : i32
      %min3A_214 = vector.broadcast %min3A : i32 to vector<16xi32>
      %min3A_215 = arith.minsi %convert_element_type3A_213, %min3A_214 : vector<16xi32>
      tpu.vector_store_idx %arg10[%min3A_215], %broadcast_in_dim3A_36 masked %gt3A_209 {add = true} : memref<4096xf32, #tpu.memory_space<vmem>>[vector<16xi32>], vector<16xf32>, vector<16xi1>
      %gt3A_216 = arith.constant 5.000000e-01 : f32
      %gt3A_217 = vector.broadcast %gt3A_216 : f32 to vector<16xf32>
      %gt3A_218 = arith.cmpf ogt, %convert_element_type3A_199, %gt3A_217 : vector<16xf32>
      %and3A_219 = arith.andi %gt3A_209, %gt3A_218 : vector<16xi1>
      tpu.vector_store_idx %arg11[%min3A_215], %broadcast_in_dim3A_36 masked %and3A_219 {add = true} : memref<4096xf32, #tpu.memory_space<vmem>>[vector<16xi32>], vector<16xf32>, vector<16xi1>
      tpu.vector_store_idx %arg12[%min3A_215], %sub3A_207 masked %gt3A_209 {add = true} : memref<4096xf32, #tpu.memory_space<vmem>>[vector<16xi32>], vector<16xf32>, vector<16xi1>
      %add3A_220 = arith.addf %scan3A_186, %convert_element_type3A_199 : vector<16xf32>
      %add3A_221 = arith.constant 1 : i32
      %add3A_222 = arith.addi %mul3A_191, %add3A_221 : i32
      %mul3A_223 = arith.constant 16 : i32
      %mul3A_224 = arith.muli %add3A_222, %mul3A_223 : i32
      %get3A_225 = arith.index_cast %mul3A_224 : i32 to index
      %get3A_226 = tpu.vector_load %arg8[%get3A_225] {strides = array<i32>} : memref<16384xf32, #tpu.memory_space<vmem>>, vector<16xf32>,
      %mul3A_227 = arith.constant 16 : i32
      %mul3A_228 = arith.muli %add3A_222, %mul3A_227 : i32
      %get3A_229 = arith.index_cast %mul3A_228 : i32 to index
      %get3A_230 = tpu.vector_load %arg9[%get3A_229] {strides = array<i32>} : memref<16384xi32, #tpu.memory_space<vmem>>, vector<16xi32>,
      %convert_element_type3A_231 = arith.sitofp %get3A_230 : vector<16xi32> to vector<16xf32>
      %add3A_232 = arith.constant 1.000000e+00 : f32
      %add3A_233 = vector.broadcast %add3A_232 : f32 to vector<16xf32>
      %add3A_234 = arith.addf %add3A_233, %get3A_226 : vector<16xf32>
      %mul3A_235 = arith.mulf %get3A_226, %convert_element_type3A_231 : vector<16xf32>
      %mul3A_236 = arith.constant 2.000000e+00 : f32
      %mul3A_237 = vector.broadcast %mul3A_236 : f32 to vector<16xf32>
      %mul3A_238 = arith.mulf %mul3A_237, %mul3A_235 : vector<16xf32>
      %sub3A_239 = arith.subf %add3A_234, %mul3A_238 : vector<16xf32>
      %gt3A_240 = arith.constant 0.000000e+00 : f32
      %gt3A_241 = vector.broadcast %gt3A_240 : f32 to vector<16xf32>
      %gt3A_242 = arith.cmpf ogt, %sub3A_239, %gt3A_241 : vector<16xf32>
      %mul3A_243 = arith.constant 2.560000e+02 : f32
      %mul3A_244 = vector.broadcast %mul3A_243 : f32 to vector<16xf32>
      %mul3A_245 = arith.mulf %sub3A_239, %mul3A_244 : vector<16xf32>
      %convert_element_type3A_246 = arith.fptosi %mul3A_245 : vector<16xf32> to vector<16xi32>
      %min3A_247 = arith.constant 4095 : i32
      %min3A_248 = vector.broadcast %min3A_247 : i32 to vector<16xi32>
      %min3A_249 = arith.minsi %convert_element_type3A_246, %min3A_248 : vector<16xi32>
      tpu.vector_store_idx %arg10[%min3A_249], %broadcast_in_dim3A_36 masked %gt3A_242 {add = true} : memref<4096xf32, #tpu.memory_space<vmem>>[vector<16xi32>], vector<16xf32>, vector<16xi1>
      %gt3A_250 = arith.constant 5.000000e-01 : f32
      %gt3A_251 = vector.broadcast %gt3A_250 : f32 to vector<16xf32>
      %gt3A_252 = arith.cmpf ogt, %convert_element_type3A_231, %gt3A_251 : vector<16xf32>
      %and3A_253 = arith.andi %gt3A_242, %gt3A_252 : vector<16xi1>
      tpu.vector_store_idx %arg11[%min3A_249], %broadcast_in_dim3A_36 masked %and3A_253 {add = true} : memref<4096xf32, #tpu.memory_space<vmem>>[vector<16xi32>], vector<16xf32>, vector<16xi1>
      tpu.vector_store_idx %arg12[%min3A_249], %sub3A_239 masked %gt3A_242 {add = true} : memref<4096xf32, #tpu.memory_space<vmem>>[vector<16xi32>], vector<16xf32>, vector<16xi1>
      %add3A_254 = arith.addf %scan3A_187, %convert_element_type3A_231 : vector<16xf32>
      %add3A_255 = arith.constant 2 : i32
      %add3A_256 = arith.addi %mul3A_191, %add3A_255 : i32
      %mul3A_257 = arith.constant 16 : i32
      %mul3A_258 = arith.muli %add3A_256, %mul3A_257 : i32
      %get3A_259 = arith.index_cast %mul3A_258 : i32 to index
      %get3A_260 = tpu.vector_load %arg8[%get3A_259] {strides = array<i32>} : memref<16384xf32, #tpu.memory_space<vmem>>, vector<16xf32>,
      %mul3A_261 = arith.constant 16 : i32
      %mul3A_262 = arith.muli %add3A_256, %mul3A_261 : i32
      %get3A_263 = arith.index_cast %mul3A_262 : i32 to index
      %get3A_264 = tpu.vector_load %arg9[%get3A_263] {strides = array<i32>} : memref<16384xi32, #tpu.memory_space<vmem>>, vector<16xi32>,
      %convert_element_type3A_265 = arith.sitofp %get3A_264 : vector<16xi32> to vector<16xf32>
      %add3A_266 = arith.constant 1.000000e+00 : f32
      %add3A_267 = vector.broadcast %add3A_266 : f32 to vector<16xf32>
      %add3A_268 = arith.addf %add3A_267, %get3A_260 : vector<16xf32>
      %mul3A_269 = arith.mulf %get3A_260, %convert_element_type3A_265 : vector<16xf32>
      %mul3A_270 = arith.constant 2.000000e+00 : f32
      %mul3A_271 = vector.broadcast %mul3A_270 : f32 to vector<16xf32>
      %mul3A_272 = arith.mulf %mul3A_271, %mul3A_269 : vector<16xf32>
      %sub3A_273 = arith.subf %add3A_268, %mul3A_272 : vector<16xf32>
      %gt3A_274 = arith.constant 0.000000e+00 : f32
      %gt3A_275 = vector.broadcast %gt3A_274 : f32 to vector<16xf32>
      %gt3A_276 = arith.cmpf ogt, %sub3A_273, %gt3A_275 : vector<16xf32>
      %mul3A_277 = arith.constant 2.560000e+02 : f32
      %mul3A_278 = vector.broadcast %mul3A_277 : f32 to vector<16xf32>
      %mul3A_279 = arith.mulf %sub3A_273, %mul3A_278 : vector<16xf32>
      %convert_element_type3A_280 = arith.fptosi %mul3A_279 : vector<16xf32> to vector<16xi32>
      %min3A_281 = arith.constant 4095 : i32
      %min3A_282 = vector.broadcast %min3A_281 : i32 to vector<16xi32>
      %min3A_283 = arith.minsi %convert_element_type3A_280, %min3A_282 : vector<16xi32>
      tpu.vector_store_idx %arg10[%min3A_283], %broadcast_in_dim3A_36 masked %gt3A_276 {add = true} : memref<4096xf32, #tpu.memory_space<vmem>>[vector<16xi32>], vector<16xf32>, vector<16xi1>
      %gt3A_284 = arith.constant 5.000000e-01 : f32
      %gt3A_285 = vector.broadcast %gt3A_284 : f32 to vector<16xf32>
      %gt3A_286 = arith.cmpf ogt, %convert_element_type3A_265, %gt3A_285 : vector<16xf32>
      %and3A_287 = arith.andi %gt3A_276, %gt3A_286 : vector<16xi1>
      tpu.vector_store_idx %arg11[%min3A_283], %broadcast_in_dim3A_36 masked %and3A_287 {add = true} : memref<4096xf32, #tpu.memory_space<vmem>>[vector<16xi32>], vector<16xf32>, vector<16xi1>
      tpu.vector_store_idx %arg12[%min3A_283], %sub3A_273 masked %gt3A_276 {add = true} : memref<4096xf32, #tpu.memory_space<vmem>>[vector<16xi32>], vector<16xf32>, vector<16xi1>
      %add3A_288 = arith.addf %scan3A_188, %convert_element_type3A_265 : vector<16xf32>
      %add3A_289 = arith.constant 3 : i32
      %add3A_290 = arith.addi %mul3A_191, %add3A_289 : i32
      %mul3A_291 = arith.constant 16 : i32
      %mul3A_292 = arith.muli %add3A_290, %mul3A_291 : i32
      %get3A_293 = arith.index_cast %mul3A_292 : i32 to index
      %get3A_294 = tpu.vector_load %arg8[%get3A_293] {strides = array<i32>} : memref<16384xf32, #tpu.memory_space<vmem>>, vector<16xf32>,
      %mul3A_295 = arith.constant 16 : i32
      %mul3A_296 = arith.muli %add3A_290, %mul3A_295 : i32
      %get3A_297 = arith.index_cast %mul3A_296 : i32 to index
      %get3A_298 = tpu.vector_load %arg9[%get3A_297] {strides = array<i32>} : memref<16384xi32, #tpu.memory_space<vmem>>, vector<16xi32>,
      %convert_element_type3A_299 = arith.sitofp %get3A_298 : vector<16xi32> to vector<16xf32>
      %add3A_300 = arith.constant 1.000000e+00 : f32
      %add3A_301 = vector.broadcast %add3A_300 : f32 to vector<16xf32>
      %add3A_302 = arith.addf %add3A_301, %get3A_294 : vector<16xf32>
      %mul3A_303 = arith.mulf %get3A_294, %convert_element_type3A_299 : vector<16xf32>
      %mul3A_304 = arith.constant 2.000000e+00 : f32
      %mul3A_305 = vector.broadcast %mul3A_304 : f32 to vector<16xf32>
      %mul3A_306 = arith.mulf %mul3A_305, %mul3A_303 : vector<16xf32>
      %sub3A_307 = arith.subf %add3A_302, %mul3A_306 : vector<16xf32>
      %gt3A_308 = arith.constant 0.000000e+00 : f32
      %gt3A_309 = vector.broadcast %gt3A_308 : f32 to vector<16xf32>
      %gt3A_310 = arith.cmpf ogt, %sub3A_307, %gt3A_309 : vector<16xf32>
      %mul3A_311 = arith.constant 2.560000e+02 : f32
      %mul3A_312 = vector.broadcast %mul3A_311 : f32 to vector<16xf32>
      %mul3A_313 = arith.mulf %sub3A_307, %mul3A_312 : vector<16xf32>
      %convert_element_type3A_314 = arith.fptosi %mul3A_313 : vector<16xf32> to vector<16xi32>
      %min3A_315 = arith.constant 4095 : i32
      %min3A_316 = vector.broadcast %min3A_315 : i32 to vector<16xi32>
      %min3A_317 = arith.minsi %convert_element_type3A_314, %min3A_316 : vector<16xi32>
      tpu.vector_store_idx %arg10[%min3A_317], %broadcast_in_dim3A_36 masked %gt3A_310 {add = true} : memref<4096xf32, #tpu.memory_space<vmem>>[vector<16xi32>], vector<16xf32>, vector<16xi1>
      %gt3A_318 = arith.constant 5.000000e-01 : f32
      %gt3A_319 = vector.broadcast %gt3A_318 : f32 to vector<16xf32>
      %gt3A_320 = arith.cmpf ogt, %convert_element_type3A_299, %gt3A_319 : vector<16xf32>
      %and3A_321 = arith.andi %gt3A_310, %gt3A_320 : vector<16xi1>
      tpu.vector_store_idx %arg11[%min3A_317], %broadcast_in_dim3A_36 masked %and3A_321 {add = true} : memref<4096xf32, #tpu.memory_space<vmem>>[vector<16xi32>], vector<16xf32>, vector<16xi1>
      tpu.vector_store_idx %arg12[%min3A_317], %sub3A_307 masked %gt3A_310 {add = true} : memref<4096xf32, #tpu.memory_space<vmem>>[vector<16xi32>], vector<16xf32>, vector<16xi1>
      %add3A_322 = arith.addf %scan3A_189, %convert_element_type3A_299 : vector<16xf32>
      scf.yield %add3A_220, %add3A_254, %add3A_288, %add3A_322 : vector<16xf32>, vector<16xf32>, vector<16xf32>, vector<16xf32>
    }
    %scan3A_115 = arith.constant 256 : i32
    %add3A_116 = arith.constant 81920 : i32
    %add3A_117 = arith.addi %add3A_47, %add3A_116 : i32
    %dma_start3A_118 = tpu.memref_slice %arg2[%add3A_117] : memref<4194304xf32, #tpu.memory_space<hbm>> -> memref<16384xf32, #tpu.memory_space<hbm>>
    %dma_start3A_119 = tpu.memref_slice %arg2[%add3A_117] : memref<4194304xf32, #tpu.memory_space<hbm>> -> memref<16384xf32, #tpu.memory_space<hbm>>
    tpu.enqueue_dma source(%dma_start3A_119 : memref<16384xf32, #tpu.memory_space<hbm>>) target(%arg8 : memref<16384xf32, #tpu.memory_space<vmem>>) target_semaphore(%arg17 : memref<!tpu.dma_semaphore, #tpu.memory_space<semaphore_mem>>)
    %dma_start3A_120 = tpu.memref_slice %arg3[%add3A_117] : memref<4194304xi32, #tpu.memory_space<hbm>> -> memref<16384xi32, #tpu.memory_space<hbm>>
    %dma_start3A_121 = tpu.memref_slice %arg3[%add3A_117] : memref<4194304xi32, #tpu.memory_space<hbm>> -> memref<16384xi32, #tpu.memory_space<hbm>>
    tpu.enqueue_dma source(%dma_start3A_121 : memref<16384xi32, #tpu.memory_space<hbm>>) target(%arg9 : memref<16384xi32, #tpu.memory_space<vmem>>) target_semaphore(%arg18 : memref<!tpu.dma_semaphore, #tpu.memory_space<semaphore_mem>>)
    %dma_wait3A_122 = tpu.memref_slice %arg2[%add3A_101] : memref<4194304xf32, #tpu.memory_space<hbm>> -> memref<16384xf32, #tpu.memory_space<hbm>>
    %dma_wait3A_123 = tpu.memref_slice %arg2[%add3A_101] : memref<4194304xf32, #tpu.memory_space<hbm>> -> memref<16384xf32, #tpu.memory_space<hbm>>
    tpu.wait_dma2 semaphore(%arg15 : memref<!tpu.dma_semaphore, #tpu.memory_space<semaphore_mem>>) src(%dma_wait3A_123 : memref<16384xf32, #tpu.memory_space<hbm>>) dst(%arg6 : memref<16384xf32, #tpu.memory_space<vmem>>)
    %dma_wait3A_124 = tpu.memref_slice %arg3[%add3A_101] : memref<4194304xi32, #tpu.memory_space<hbm>> -> memref<16384xi32, #tpu.memory_space<hbm>>
    %dma_wait3A_125 = tpu.memref_slice %arg3[%add3A_101] : memref<4194304xi32, #tpu.memory_space<hbm>> -> memref<16384xi32, #tpu.memory_space<hbm>>
    tpu.wait_dma2 semaphore(%arg16 : memref<!tpu.dma_semaphore, #tpu.memory_space<semaphore_mem>>) src(%dma_wait3A_125 : memref<16384xi32, #tpu.memory_space<hbm>>) dst(%arg7 : memref<16384xi32, #tpu.memory_space<vmem>>)
    %scan3A_126 = arith.constant 0 : i32
    %scan3A_127 = arith.constant 256 : i32
    %scan3A_128 = arith.addi %scan3A_126, %scan3A_127 : i32
    %scan3A_129 = arith.constant 1 : i32
    %scan3A_130:4 = scf.for %scan3A_185 = %scan3A_126 to %scan3A_128 step %scan3A_129 iter_args(%scan3A_186 = %scan3A_114#0, %scan3A_187 = %scan3A_114#1, %scan3A_188 = %scan3A_114#2, %scan3A_189 = %scan3A_114#3) -> (vector<16xf32>, vector<16xf32>, vector<16xf32>, vector<16xf32>)  : i32 {
      %mul3A_190 = arith.constant 4 : i32
      %mul3A_191 = arith.muli %scan3A_185, %mul3A_190 : i32
      %mul3A_192 = arith.constant 16 : i32
      %mul3A_193 = arith.muli %mul3A_191, %mul3A_192 : i32
      %get3A = arith.index_cast %mul3A_193 : i32 to index
      %get3A_194 = tpu.vector_load %arg6[%get3A] {strides = array<i32>} : memref<16384xf32, #tpu.memory_space<vmem>>, vector<16xf32>,
      %mul3A_195 = arith.constant 16 : i32
      %mul3A_196 = arith.muli %mul3A_191, %mul3A_195 : i32
      %get3A_197 = arith.index_cast %mul3A_196 : i32 to index
      %get3A_198 = tpu.vector_load %arg7[%get3A_197] {strides = array<i32>} : memref<16384xi32, #tpu.memory_space<vmem>>, vector<16xi32>,
      %convert_element_type3A_199 = arith.sitofp %get3A_198 : vector<16xi32> to vector<16xf32>
      %add3A_200 = arith.constant 1.000000e+00 : f32
      %add3A_201 = vector.broadcast %add3A_200 : f32 to vector<16xf32>
      %add3A_202 = arith.addf %add3A_201, %get3A_194 : vector<16xf32>
      %mul3A_203 = arith.mulf %get3A_194, %convert_element_type3A_199 : vector<16xf32>
      %mul3A_204 = arith.constant 2.000000e+00 : f32
      %mul3A_205 = vector.broadcast %mul3A_204 : f32 to vector<16xf32>
      %mul3A_206 = arith.mulf %mul3A_205, %mul3A_203 : vector<16xf32>
      %sub3A_207 = arith.subf %add3A_202, %mul3A_206 : vector<16xf32>
      %gt3A = arith.constant 0.000000e+00 : f32
      %gt3A_208 = vector.broadcast %gt3A : f32 to vector<16xf32>
      %gt3A_209 = arith.cmpf ogt, %sub3A_207, %gt3A_208 : vector<16xf32>
      %mul3A_210 = arith.constant 2.560000e+02 : f32
      %mul3A_211 = vector.broadcast %mul3A_210 : f32 to vector<16xf32>
      %mul3A_212 = arith.mulf %sub3A_207, %mul3A_211 : vector<16xf32>
      %convert_element_type3A_213 = arith.fptosi %mul3A_212 : vector<16xf32> to vector<16xi32>
      %min3A = arith.constant 4095 : i32
      %min3A_214 = vector.broadcast %min3A : i32 to vector<16xi32>
      %min3A_215 = arith.minsi %convert_element_type3A_213, %min3A_214 : vector<16xi32>
      tpu.vector_store_idx %arg10[%min3A_215], %broadcast_in_dim3A_36 masked %gt3A_209 {add = true} : memref<4096xf32, #tpu.memory_space<vmem>>[vector<16xi32>], vector<16xf32>, vector<16xi1>
      %gt3A_216 = arith.constant 5.000000e-01 : f32
      %gt3A_217 = vector.broadcast %gt3A_216 : f32 to vector<16xf32>
      %gt3A_218 = arith.cmpf ogt, %convert_element_type3A_199, %gt3A_217 : vector<16xf32>
      %and3A_219 = arith.andi %gt3A_209, %gt3A_218 : vector<16xi1>
      tpu.vector_store_idx %arg11[%min3A_215], %broadcast_in_dim3A_36 masked %and3A_219 {add = true} : memref<4096xf32, #tpu.memory_space<vmem>>[vector<16xi32>], vector<16xf32>, vector<16xi1>
      tpu.vector_store_idx %arg12[%min3A_215], %sub3A_207 masked %gt3A_209 {add = true} : memref<4096xf32, #tpu.memory_space<vmem>>[vector<16xi32>], vector<16xf32>, vector<16xi1>
      %add3A_220 = arith.addf %scan3A_186, %convert_element_type3A_199 : vector<16xf32>
      %add3A_221 = arith.constant 1 : i32
      %add3A_222 = arith.addi %mul3A_191, %add3A_221 : i32
      %mul3A_223 = arith.constant 16 : i32
      %mul3A_224 = arith.muli %add3A_222, %mul3A_223 : i32
      %get3A_225 = arith.index_cast %mul3A_224 : i32 to index
      %get3A_226 = tpu.vector_load %arg6[%get3A_225] {strides = array<i32>} : memref<16384xf32, #tpu.memory_space<vmem>>, vector<16xf32>,
      %mul3A_227 = arith.constant 16 : i32
      %mul3A_228 = arith.muli %add3A_222, %mul3A_227 : i32
      %get3A_229 = arith.index_cast %mul3A_228 : i32 to index
      %get3A_230 = tpu.vector_load %arg7[%get3A_229] {strides = array<i32>} : memref<16384xi32, #tpu.memory_space<vmem>>, vector<16xi32>,
      %convert_element_type3A_231 = arith.sitofp %get3A_230 : vector<16xi32> to vector<16xf32>
      %add3A_232 = arith.constant 1.000000e+00 : f32
      %add3A_233 = vector.broadcast %add3A_232 : f32 to vector<16xf32>
      %add3A_234 = arith.addf %add3A_233, %get3A_226 : vector<16xf32>
      %mul3A_235 = arith.mulf %get3A_226, %convert_element_type3A_231 : vector<16xf32>
      %mul3A_236 = arith.constant 2.000000e+00 : f32
      %mul3A_237 = vector.broadcast %mul3A_236 : f32 to vector<16xf32>
      %mul3A_238 = arith.mulf %mul3A_237, %mul3A_235 : vector<16xf32>
      %sub3A_239 = arith.subf %add3A_234, %mul3A_238 : vector<16xf32>
      %gt3A_240 = arith.constant 0.000000e+00 : f32
      %gt3A_241 = vector.broadcast %gt3A_240 : f32 to vector<16xf32>
      %gt3A_242 = arith.cmpf ogt, %sub3A_239, %gt3A_241 : vector<16xf32>
      %mul3A_243 = arith.constant 2.560000e+02 : f32
      %mul3A_244 = vector.broadcast %mul3A_243 : f32 to vector<16xf32>
      %mul3A_245 = arith.mulf %sub3A_239, %mul3A_244 : vector<16xf32>
      %convert_element_type3A_246 = arith.fptosi %mul3A_245 : vector<16xf32> to vector<16xi32>
      %min3A_247 = arith.constant 4095 : i32
      %min3A_248 = vector.broadcast %min3A_247 : i32 to vector<16xi32>
      %min3A_249 = arith.minsi %convert_element_type3A_246, %min3A_248 : vector<16xi32>
      tpu.vector_store_idx %arg10[%min3A_249], %broadcast_in_dim3A_36 masked %gt3A_242 {add = true} : memref<4096xf32, #tpu.memory_space<vmem>>[vector<16xi32>], vector<16xf32>, vector<16xi1>
      %gt3A_250 = arith.constant 5.000000e-01 : f32
      %gt3A_251 = vector.broadcast %gt3A_250 : f32 to vector<16xf32>
      %gt3A_252 = arith.cmpf ogt, %convert_element_type3A_231, %gt3A_251 : vector<16xf32>
      %and3A_253 = arith.andi %gt3A_242, %gt3A_252 : vector<16xi1>
      tpu.vector_store_idx %arg11[%min3A_249], %broadcast_in_dim3A_36 masked %and3A_253 {add = true} : memref<4096xf32, #tpu.memory_space<vmem>>[vector<16xi32>], vector<16xf32>, vector<16xi1>
      tpu.vector_store_idx %arg12[%min3A_249], %sub3A_239 masked %gt3A_242 {add = true} : memref<4096xf32, #tpu.memory_space<vmem>>[vector<16xi32>], vector<16xf32>, vector<16xi1>
      %add3A_254 = arith.addf %scan3A_187, %convert_element_type3A_231 : vector<16xf32>
      %add3A_255 = arith.constant 2 : i32
      %add3A_256 = arith.addi %mul3A_191, %add3A_255 : i32
      %mul3A_257 = arith.constant 16 : i32
      %mul3A_258 = arith.muli %add3A_256, %mul3A_257 : i32
      %get3A_259 = arith.index_cast %mul3A_258 : i32 to index
      %get3A_260 = tpu.vector_load %arg6[%get3A_259] {strides = array<i32>} : memref<16384xf32, #tpu.memory_space<vmem>>, vector<16xf32>,
      %mul3A_261 = arith.constant 16 : i32
      %mul3A_262 = arith.muli %add3A_256, %mul3A_261 : i32
      %get3A_263 = arith.index_cast %mul3A_262 : i32 to index
      %get3A_264 = tpu.vector_load %arg7[%get3A_263] {strides = array<i32>} : memref<16384xi32, #tpu.memory_space<vmem>>, vector<16xi32>,
      %convert_element_type3A_265 = arith.sitofp %get3A_264 : vector<16xi32> to vector<16xf32>
      %add3A_266 = arith.constant 1.000000e+00 : f32
      %add3A_267 = vector.broadcast %add3A_266 : f32 to vector<16xf32>
      %add3A_268 = arith.addf %add3A_267, %get3A_260 : vector<16xf32>
      %mul3A_269 = arith.mulf %get3A_260, %convert_element_type3A_265 : vector<16xf32>
      %mul3A_270 = arith.constant 2.000000e+00 : f32
      %mul3A_271 = vector.broadcast %mul3A_270 : f32 to vector<16xf32>
      %mul3A_272 = arith.mulf %mul3A_271, %mul3A_269 : vector<16xf32>
      %sub3A_273 = arith.subf %add3A_268, %mul3A_272 : vector<16xf32>
      %gt3A_274 = arith.constant 0.000000e+00 : f32
      %gt3A_275 = vector.broadcast %gt3A_274 : f32 to vector<16xf32>
      %gt3A_276 = arith.cmpf ogt, %sub3A_273, %gt3A_275 : vector<16xf32>
      %mul3A_277 = arith.constant 2.560000e+02 : f32
      %mul3A_278 = vector.broadcast %mul3A_277 : f32 to vector<16xf32>
      %mul3A_279 = arith.mulf %sub3A_273, %mul3A_278 : vector<16xf32>
      %convert_element_type3A_280 = arith.fptosi %mul3A_279 : vector<16xf32> to vector<16xi32>
      %min3A_281 = arith.constant 4095 : i32
      %min3A_282 = vector.broadcast %min3A_281 : i32 to vector<16xi32>
      %min3A_283 = arith.minsi %convert_element_type3A_280, %min3A_282 : vector<16xi32>
      tpu.vector_store_idx %arg10[%min3A_283], %broadcast_in_dim3A_36 masked %gt3A_276 {add = true} : memref<4096xf32, #tpu.memory_space<vmem>>[vector<16xi32>], vector<16xf32>, vector<16xi1>
      %gt3A_284 = arith.constant 5.000000e-01 : f32
      %gt3A_285 = vector.broadcast %gt3A_284 : f32 to vector<16xf32>
      %gt3A_286 = arith.cmpf ogt, %convert_element_type3A_265, %gt3A_285 : vector<16xf32>
      %and3A_287 = arith.andi %gt3A_276, %gt3A_286 : vector<16xi1>
      tpu.vector_store_idx %arg11[%min3A_283], %broadcast_in_dim3A_36 masked %and3A_287 {add = true} : memref<4096xf32, #tpu.memory_space<vmem>>[vector<16xi32>], vector<16xf32>, vector<16xi1>
      tpu.vector_store_idx %arg12[%min3A_283], %sub3A_273 masked %gt3A_276 {add = true} : memref<4096xf32, #tpu.memory_space<vmem>>[vector<16xi32>], vector<16xf32>, vector<16xi1>
      %add3A_288 = arith.addf %scan3A_188, %convert_element_type3A_265 : vector<16xf32>
      %add3A_289 = arith.constant 3 : i32
      %add3A_290 = arith.addi %mul3A_191, %add3A_289 : i32
      %mul3A_291 = arith.constant 16 : i32
      %mul3A_292 = arith.muli %add3A_290, %mul3A_291 : i32
      %get3A_293 = arith.index_cast %mul3A_292 : i32 to index
      %get3A_294 = tpu.vector_load %arg6[%get3A_293] {strides = array<i32>} : memref<16384xf32, #tpu.memory_space<vmem>>, vector<16xf32>,
      %mul3A_295 = arith.constant 16 : i32
      %mul3A_296 = arith.muli %add3A_290, %mul3A_295 : i32
      %get3A_297 = arith.index_cast %mul3A_296 : i32 to index
      %get3A_298 = tpu.vector_load %arg7[%get3A_297] {strides = array<i32>} : memref<16384xi32, #tpu.memory_space<vmem>>, vector<16xi32>,
      %convert_element_type3A_299 = arith.sitofp %get3A_298 : vector<16xi32> to vector<16xf32>
      %add3A_300 = arith.constant 1.000000e+00 : f32
      %add3A_301 = vector.broadcast %add3A_300 : f32 to vector<16xf32>
      %add3A_302 = arith.addf %add3A_301, %get3A_294 : vector<16xf32>
      %mul3A_303 = arith.mulf %get3A_294, %convert_element_type3A_299 : vector<16xf32>
      %mul3A_304 = arith.constant 2.000000e+00 : f32
      %mul3A_305 = vector.broadcast %mul3A_304 : f32 to vector<16xf32>
      %mul3A_306 = arith.mulf %mul3A_305, %mul3A_303 : vector<16xf32>
      %sub3A_307 = arith.subf %add3A_302, %mul3A_306 : vector<16xf32>
      %gt3A_308 = arith.constant 0.000000e+00 : f32
      %gt3A_309 = vector.broadcast %gt3A_308 : f32 to vector<16xf32>
      %gt3A_310 = arith.cmpf ogt, %sub3A_307, %gt3A_309 : vector<16xf32>
      %mul3A_311 = arith.constant 2.560000e+02 : f32
      %mul3A_312 = vector.broadcast %mul3A_311 : f32 to vector<16xf32>
      %mul3A_313 = arith.mulf %sub3A_307, %mul3A_312 : vector<16xf32>
      %convert_element_type3A_314 = arith.fptosi %mul3A_313 : vector<16xf32> to vector<16xi32>
      %min3A_315 = arith.constant 4095 : i32
      %min3A_316 = vector.broadcast %min3A_315 : i32 to vector<16xi32>
      %min3A_317 = arith.minsi %convert_element_type3A_314, %min3A_316 : vector<16xi32>
      tpu.vector_store_idx %arg10[%min3A_317], %broadcast_in_dim3A_36 masked %gt3A_310 {add = true} : memref<4096xf32, #tpu.memory_space<vmem>>[vector<16xi32>], vector<16xf32>, vector<16xi1>
      %gt3A_318 = arith.constant 5.000000e-01 : f32
      %gt3A_319 = vector.broadcast %gt3A_318 : f32 to vector<16xf32>
      %gt3A_320 = arith.cmpf ogt, %convert_element_type3A_299, %gt3A_319 : vector<16xf32>
      %and3A_321 = arith.andi %gt3A_310, %gt3A_320 : vector<16xi1>
      tpu.vector_store_idx %arg11[%min3A_317], %broadcast_in_dim3A_36 masked %and3A_321 {add = true} : memref<4096xf32, #tpu.memory_space<vmem>>[vector<16xi32>], vector<16xf32>, vector<16xi1>
      tpu.vector_store_idx %arg12[%min3A_317], %sub3A_307 masked %gt3A_310 {add = true} : memref<4096xf32, #tpu.memory_space<vmem>>[vector<16xi32>], vector<16xf32>, vector<16xi1>
      %add3A_322 = arith.addf %scan3A_189, %convert_element_type3A_299 : vector<16xf32>
      scf.yield %add3A_220, %add3A_254, %add3A_288, %add3A_322 : vector<16xf32>, vector<16xf32>, vector<16xf32>, vector<16xf32>
    }
    %scan3A_131 = arith.constant 256 : i32
    %add3A_132 = arith.constant 98304 : i32
    %add3A_133 = arith.addi %add3A_47, %add3A_132 : i32
    %dma_start3A_134 = tpu.memref_slice %arg2[%add3A_133] : memref<4194304xf32, #tpu.memory_space<hbm>> -> memref<16384xf32, #tpu.memory_space<hbm>>
    %dma_start3A_135 = tpu.memref_slice %arg2[%add3A_133] : memref<4194304xf32, #tpu.memory_space<hbm>> -> memref<16384xf32, #tpu.memory_space<hbm>>
    tpu.enqueue_dma source(%dma_start3A_135 : memref<16384xf32, #tpu.memory_space<hbm>>) target(%arg6 : memref<16384xf32, #tpu.memory_space<vmem>>) target_semaphore(%arg15 : memref<!tpu.dma_semaphore, #tpu.memory_space<semaphore_mem>>)
    %dma_start3A_136 = tpu.memref_slice %arg3[%add3A_133] : memref<4194304xi32, #tpu.memory_space<hbm>> -> memref<16384xi32, #tpu.memory_space<hbm>>
    %dma_start3A_137 = tpu.memref_slice %arg3[%add3A_133] : memref<4194304xi32, #tpu.memory_space<hbm>> -> memref<16384xi32, #tpu.memory_space<hbm>>
    tpu.enqueue_dma source(%dma_start3A_137 : memref<16384xi32, #tpu.memory_space<hbm>>) target(%arg7 : memref<16384xi32, #tpu.memory_space<vmem>>) target_semaphore(%arg16 : memref<!tpu.dma_semaphore, #tpu.memory_space<semaphore_mem>>)
    %dma_wait3A_138 = tpu.memref_slice %arg2[%add3A_117] : memref<4194304xf32, #tpu.memory_space<hbm>> -> memref<16384xf32, #tpu.memory_space<hbm>>
    %dma_wait3A_139 = tpu.memref_slice %arg2[%add3A_117] : memref<4194304xf32, #tpu.memory_space<hbm>> -> memref<16384xf32, #tpu.memory_space<hbm>>
    tpu.wait_dma2 semaphore(%arg17 : memref<!tpu.dma_semaphore, #tpu.memory_space<semaphore_mem>>) src(%dma_wait3A_139 : memref<16384xf32, #tpu.memory_space<hbm>>) dst(%arg8 : memref<16384xf32, #tpu.memory_space<vmem>>)
    %dma_wait3A_140 = tpu.memref_slice %arg3[%add3A_117] : memref<4194304xi32, #tpu.memory_space<hbm>> -> memref<16384xi32, #tpu.memory_space<hbm>>
    %dma_wait3A_141 = tpu.memref_slice %arg3[%add3A_117] : memref<4194304xi32, #tpu.memory_space<hbm>> -> memref<16384xi32, #tpu.memory_space<hbm>>
    tpu.wait_dma2 semaphore(%arg18 : memref<!tpu.dma_semaphore, #tpu.memory_space<semaphore_mem>>) src(%dma_wait3A_141 : memref<16384xi32, #tpu.memory_space<hbm>>) dst(%arg9 : memref<16384xi32, #tpu.memory_space<vmem>>)
    %scan3A_142 = arith.constant 0 : i32
    %scan3A_143 = arith.constant 256 : i32
    %scan3A_144 = arith.addi %scan3A_142, %scan3A_143 : i32
    %scan3A_145 = arith.constant 1 : i32
    %scan3A_146:4 = scf.for %scan3A_185 = %scan3A_142 to %scan3A_144 step %scan3A_145 iter_args(%scan3A_186 = %scan3A_130#0, %scan3A_187 = %scan3A_130#1, %scan3A_188 = %scan3A_130#2, %scan3A_189 = %scan3A_130#3) -> (vector<16xf32>, vector<16xf32>, vector<16xf32>, vector<16xf32>)  : i32 {
      %mul3A_190 = arith.constant 4 : i32
      %mul3A_191 = arith.muli %scan3A_185, %mul3A_190 : i32
      %mul3A_192 = arith.constant 16 : i32
      %mul3A_193 = arith.muli %mul3A_191, %mul3A_192 : i32
      %get3A = arith.index_cast %mul3A_193 : i32 to index
      %get3A_194 = tpu.vector_load %arg8[%get3A] {strides = array<i32>} : memref<16384xf32, #tpu.memory_space<vmem>>, vector<16xf32>,
      %mul3A_195 = arith.constant 16 : i32
      %mul3A_196 = arith.muli %mul3A_191, %mul3A_195 : i32
      %get3A_197 = arith.index_cast %mul3A_196 : i32 to index
      %get3A_198 = tpu.vector_load %arg9[%get3A_197] {strides = array<i32>} : memref<16384xi32, #tpu.memory_space<vmem>>, vector<16xi32>,
      %convert_element_type3A_199 = arith.sitofp %get3A_198 : vector<16xi32> to vector<16xf32>
      %add3A_200 = arith.constant 1.000000e+00 : f32
      %add3A_201 = vector.broadcast %add3A_200 : f32 to vector<16xf32>
      %add3A_202 = arith.addf %add3A_201, %get3A_194 : vector<16xf32>
      %mul3A_203 = arith.mulf %get3A_194, %convert_element_type3A_199 : vector<16xf32>
      %mul3A_204 = arith.constant 2.000000e+00 : f32
      %mul3A_205 = vector.broadcast %mul3A_204 : f32 to vector<16xf32>
      %mul3A_206 = arith.mulf %mul3A_205, %mul3A_203 : vector<16xf32>
      %sub3A_207 = arith.subf %add3A_202, %mul3A_206 : vector<16xf32>
      %gt3A = arith.constant 0.000000e+00 : f32
      %gt3A_208 = vector.broadcast %gt3A : f32 to vector<16xf32>
      %gt3A_209 = arith.cmpf ogt, %sub3A_207, %gt3A_208 : vector<16xf32>
      %mul3A_210 = arith.constant 2.560000e+02 : f32
      %mul3A_211 = vector.broadcast %mul3A_210 : f32 to vector<16xf32>
      %mul3A_212 = arith.mulf %sub3A_207, %mul3A_211 : vector<16xf32>
      %convert_element_type3A_213 = arith.fptosi %mul3A_212 : vector<16xf32> to vector<16xi32>
      %min3A = arith.constant 4095 : i32
      %min3A_214 = vector.broadcast %min3A : i32 to vector<16xi32>
      %min3A_215 = arith.minsi %convert_element_type3A_213, %min3A_214 : vector<16xi32>
      tpu.vector_store_idx %arg10[%min3A_215], %broadcast_in_dim3A_36 masked %gt3A_209 {add = true} : memref<4096xf32, #tpu.memory_space<vmem>>[vector<16xi32>], vector<16xf32>, vector<16xi1>
      %gt3A_216 = arith.constant 5.000000e-01 : f32
      %gt3A_217 = vector.broadcast %gt3A_216 : f32 to vector<16xf32>
      %gt3A_218 = arith.cmpf ogt, %convert_element_type3A_199, %gt3A_217 : vector<16xf32>
      %and3A_219 = arith.andi %gt3A_209, %gt3A_218 : vector<16xi1>
      tpu.vector_store_idx %arg11[%min3A_215], %broadcast_in_dim3A_36 masked %and3A_219 {add = true} : memref<4096xf32, #tpu.memory_space<vmem>>[vector<16xi32>], vector<16xf32>, vector<16xi1>
      tpu.vector_store_idx %arg12[%min3A_215], %sub3A_207 masked %gt3A_209 {add = true} : memref<4096xf32, #tpu.memory_space<vmem>>[vector<16xi32>], vector<16xf32>, vector<16xi1>
      %add3A_220 = arith.addf %scan3A_186, %convert_element_type3A_199 : vector<16xf32>
      %add3A_221 = arith.constant 1 : i32
      %add3A_222 = arith.addi %mul3A_191, %add3A_221 : i32
      %mul3A_223 = arith.constant 16 : i32
      %mul3A_224 = arith.muli %add3A_222, %mul3A_223 : i32
      %get3A_225 = arith.index_cast %mul3A_224 : i32 to index
      %get3A_226 = tpu.vector_load %arg8[%get3A_225] {strides = array<i32>} : memref<16384xf32, #tpu.memory_space<vmem>>, vector<16xf32>,
      %mul3A_227 = arith.constant 16 : i32
      %mul3A_228 = arith.muli %add3A_222, %mul3A_227 : i32
      %get3A_229 = arith.index_cast %mul3A_228 : i32 to index
      %get3A_230 = tpu.vector_load %arg9[%get3A_229] {strides = array<i32>} : memref<16384xi32, #tpu.memory_space<vmem>>, vector<16xi32>,
      %convert_element_type3A_231 = arith.sitofp %get3A_230 : vector<16xi32> to vector<16xf32>
      %add3A_232 = arith.constant 1.000000e+00 : f32
      %add3A_233 = vector.broadcast %add3A_232 : f32 to vector<16xf32>
      %add3A_234 = arith.addf %add3A_233, %get3A_226 : vector<16xf32>
      %mul3A_235 = arith.mulf %get3A_226, %convert_element_type3A_231 : vector<16xf32>
      %mul3A_236 = arith.constant 2.000000e+00 : f32
      %mul3A_237 = vector.broadcast %mul3A_236 : f32 to vector<16xf32>
      %mul3A_238 = arith.mulf %mul3A_237, %mul3A_235 : vector<16xf32>
      %sub3A_239 = arith.subf %add3A_234, %mul3A_238 : vector<16xf32>
      %gt3A_240 = arith.constant 0.000000e+00 : f32
      %gt3A_241 = vector.broadcast %gt3A_240 : f32 to vector<16xf32>
      %gt3A_242 = arith.cmpf ogt, %sub3A_239, %gt3A_241 : vector<16xf32>
      %mul3A_243 = arith.constant 2.560000e+02 : f32
      %mul3A_244 = vector.broadcast %mul3A_243 : f32 to vector<16xf32>
      %mul3A_245 = arith.mulf %sub3A_239, %mul3A_244 : vector<16xf32>
      %convert_element_type3A_246 = arith.fptosi %mul3A_245 : vector<16xf32> to vector<16xi32>
      %min3A_247 = arith.constant 4095 : i32
      %min3A_248 = vector.broadcast %min3A_247 : i32 to vector<16xi32>
      %min3A_249 = arith.minsi %convert_element_type3A_246, %min3A_248 : vector<16xi32>
      tpu.vector_store_idx %arg10[%min3A_249], %broadcast_in_dim3A_36 masked %gt3A_242 {add = true} : memref<4096xf32, #tpu.memory_space<vmem>>[vector<16xi32>], vector<16xf32>, vector<16xi1>
      %gt3A_250 = arith.constant 5.000000e-01 : f32
      %gt3A_251 = vector.broadcast %gt3A_250 : f32 to vector<16xf32>
      %gt3A_252 = arith.cmpf ogt, %convert_element_type3A_231, %gt3A_251 : vector<16xf32>
      %and3A_253 = arith.andi %gt3A_242, %gt3A_252 : vector<16xi1>
      tpu.vector_store_idx %arg11[%min3A_249], %broadcast_in_dim3A_36 masked %and3A_253 {add = true} : memref<4096xf32, #tpu.memory_space<vmem>>[vector<16xi32>], vector<16xf32>, vector<16xi1>
      tpu.vector_store_idx %arg12[%min3A_249], %sub3A_239 masked %gt3A_242 {add = true} : memref<4096xf32, #tpu.memory_space<vmem>>[vector<16xi32>], vector<16xf32>, vector<16xi1>
      %add3A_254 = arith.addf %scan3A_187, %convert_element_type3A_231 : vector<16xf32>
      %add3A_255 = arith.constant 2 : i32
      %add3A_256 = arith.addi %mul3A_191, %add3A_255 : i32
      %mul3A_257 = arith.constant 16 : i32
      %mul3A_258 = arith.muli %add3A_256, %mul3A_257 : i32
      %get3A_259 = arith.index_cast %mul3A_258 : i32 to index
      %get3A_260 = tpu.vector_load %arg8[%get3A_259] {strides = array<i32>} : memref<16384xf32, #tpu.memory_space<vmem>>, vector<16xf32>,
      %mul3A_261 = arith.constant 16 : i32
      %mul3A_262 = arith.muli %add3A_256, %mul3A_261 : i32
      %get3A_263 = arith.index_cast %mul3A_262 : i32 to index
      %get3A_264 = tpu.vector_load %arg9[%get3A_263] {strides = array<i32>} : memref<16384xi32, #tpu.memory_space<vmem>>, vector<16xi32>,
      %convert_element_type3A_265 = arith.sitofp %get3A_264 : vector<16xi32> to vector<16xf32>
      %add3A_266 = arith.constant 1.000000e+00 : f32
      %add3A_267 = vector.broadcast %add3A_266 : f32 to vector<16xf32>
      %add3A_268 = arith.addf %add3A_267, %get3A_260 : vector<16xf32>
      %mul3A_269 = arith.mulf %get3A_260, %convert_element_type3A_265 : vector<16xf32>
      %mul3A_270 = arith.constant 2.000000e+00 : f32
      %mul3A_271 = vector.broadcast %mul3A_270 : f32 to vector<16xf32>
      %mul3A_272 = arith.mulf %mul3A_271, %mul3A_269 : vector<16xf32>
      %sub3A_273 = arith.subf %add3A_268, %mul3A_272 : vector<16xf32>
      %gt3A_274 = arith.constant 0.000000e+00 : f32
      %gt3A_275 = vector.broadcast %gt3A_274 : f32 to vector<16xf32>
      %gt3A_276 = arith.cmpf ogt, %sub3A_273, %gt3A_275 : vector<16xf32>
      %mul3A_277 = arith.constant 2.560000e+02 : f32
      %mul3A_278 = vector.broadcast %mul3A_277 : f32 to vector<16xf32>
      %mul3A_279 = arith.mulf %sub3A_273, %mul3A_278 : vector<16xf32>
      %convert_element_type3A_280 = arith.fptosi %mul3A_279 : vector<16xf32> to vector<16xi32>
      %min3A_281 = arith.constant 4095 : i32
      %min3A_282 = vector.broadcast %min3A_281 : i32 to vector<16xi32>
      %min3A_283 = arith.minsi %convert_element_type3A_280, %min3A_282 : vector<16xi32>
      tpu.vector_store_idx %arg10[%min3A_283], %broadcast_in_dim3A_36 masked %gt3A_276 {add = true} : memref<4096xf32, #tpu.memory_space<vmem>>[vector<16xi32>], vector<16xf32>, vector<16xi1>
      %gt3A_284 = arith.constant 5.000000e-01 : f32
      %gt3A_285 = vector.broadcast %gt3A_284 : f32 to vector<16xf32>
      %gt3A_286 = arith.cmpf ogt, %convert_element_type3A_265, %gt3A_285 : vector<16xf32>
      %and3A_287 = arith.andi %gt3A_276, %gt3A_286 : vector<16xi1>
      tpu.vector_store_idx %arg11[%min3A_283], %broadcast_in_dim3A_36 masked %and3A_287 {add = true} : memref<4096xf32, #tpu.memory_space<vmem>>[vector<16xi32>], vector<16xf32>, vector<16xi1>
      tpu.vector_store_idx %arg12[%min3A_283], %sub3A_273 masked %gt3A_276 {add = true} : memref<4096xf32, #tpu.memory_space<vmem>>[vector<16xi32>], vector<16xf32>, vector<16xi1>
      %add3A_288 = arith.addf %scan3A_188, %convert_element_type3A_265 : vector<16xf32>
      %add3A_289 = arith.constant 3 : i32
      %add3A_290 = arith.addi %mul3A_191, %add3A_289 : i32
      %mul3A_291 = arith.constant 16 : i32
      %mul3A_292 = arith.muli %add3A_290, %mul3A_291 : i32
      %get3A_293 = arith.index_cast %mul3A_292 : i32 to index
      %get3A_294 = tpu.vector_load %arg8[%get3A_293] {strides = array<i32>} : memref<16384xf32, #tpu.memory_space<vmem>>, vector<16xf32>,
      %mul3A_295 = arith.constant 16 : i32
      %mul3A_296 = arith.muli %add3A_290, %mul3A_295 : i32
      %get3A_297 = arith.index_cast %mul3A_296 : i32 to index
      %get3A_298 = tpu.vector_load %arg9[%get3A_297] {strides = array<i32>} : memref<16384xi32, #tpu.memory_space<vmem>>, vector<16xi32>,
      %convert_element_type3A_299 = arith.sitofp %get3A_298 : vector<16xi32> to vector<16xf32>
      %add3A_300 = arith.constant 1.000000e+00 : f32
      %add3A_301 = vector.broadcast %add3A_300 : f32 to vector<16xf32>
      %add3A_302 = arith.addf %add3A_301, %get3A_294 : vector<16xf32>
      %mul3A_303 = arith.mulf %get3A_294, %convert_element_type3A_299 : vector<16xf32>
      %mul3A_304 = arith.constant 2.000000e+00 : f32
      %mul3A_305 = vector.broadcast %mul3A_304 : f32 to vector<16xf32>
      %mul3A_306 = arith.mulf %mul3A_305, %mul3A_303 : vector<16xf32>
      %sub3A_307 = arith.subf %add3A_302, %mul3A_306 : vector<16xf32>
      %gt3A_308 = arith.constant 0.000000e+00 : f32
      %gt3A_309 = vector.broadcast %gt3A_308 : f32 to vector<16xf32>
      %gt3A_310 = arith.cmpf ogt, %sub3A_307, %gt3A_309 : vector<16xf32>
      %mul3A_311 = arith.constant 2.560000e+02 : f32
      %mul3A_312 = vector.broadcast %mul3A_311 : f32 to vector<16xf32>
      %mul3A_313 = arith.mulf %sub3A_307, %mul3A_312 : vector<16xf32>
      %convert_element_type3A_314 = arith.fptosi %mul3A_313 : vector<16xf32> to vector<16xi32>
      %min3A_315 = arith.constant 4095 : i32
      %min3A_316 = vector.broadcast %min3A_315 : i32 to vector<16xi32>
      %min3A_317 = arith.minsi %convert_element_type3A_314, %min3A_316 : vector<16xi32>
      tpu.vector_store_idx %arg10[%min3A_317], %broadcast_in_dim3A_36 masked %gt3A_310 {add = true} : memref<4096xf32, #tpu.memory_space<vmem>>[vector<16xi32>], vector<16xf32>, vector<16xi1>
      %gt3A_318 = arith.constant 5.000000e-01 : f32
      %gt3A_319 = vector.broadcast %gt3A_318 : f32 to vector<16xf32>
      %gt3A_320 = arith.cmpf ogt, %convert_element_type3A_299, %gt3A_319 : vector<16xf32>
      %and3A_321 = arith.andi %gt3A_310, %gt3A_320 : vector<16xi1>
      tpu.vector_store_idx %arg11[%min3A_317], %broadcast_in_dim3A_36 masked %and3A_321 {add = true} : memref<4096xf32, #tpu.memory_space<vmem>>[vector<16xi32>], vector<16xf32>, vector<16xi1>
      tpu.vector_store_idx %arg12[%min3A_317], %sub3A_307 masked %gt3A_310 {add = true} : memref<4096xf32, #tpu.memory_space<vmem>>[vector<16xi32>], vector<16xf32>, vector<16xi1>
      %add3A_322 = arith.addf %scan3A_189, %convert_element_type3A_299 : vector<16xf32>
      scf.yield %add3A_220, %add3A_254, %add3A_288, %add3A_322 : vector<16xf32>, vector<16xf32>, vector<16xf32>, vector<16xf32>
    }
    %scan3A_147 = arith.constant 256 : i32
    %add3A_148 = arith.constant 114688 : i32
    %add3A_149 = arith.addi %add3A_47, %add3A_148 : i32
    %dma_start3A_150 = tpu.memref_slice %arg2[%add3A_149] : memref<4194304xf32, #tpu.memory_space<hbm>> -> memref<16384xf32, #tpu.memory_space<hbm>>
    %dma_start3A_151 = tpu.memref_slice %arg2[%add3A_149] : memref<4194304xf32, #tpu.memory_space<hbm>> -> memref<16384xf32, #tpu.memory_space<hbm>>
    tpu.enqueue_dma source(%dma_start3A_151 : memref<16384xf32, #tpu.memory_space<hbm>>) target(%arg8 : memref<16384xf32, #tpu.memory_space<vmem>>) target_semaphore(%arg17 : memref<!tpu.dma_semaphore, #tpu.memory_space<semaphore_mem>>)
    %dma_start3A_152 = tpu.memref_slice %arg3[%add3A_149] : memref<4194304xi32, #tpu.memory_space<hbm>> -> memref<16384xi32, #tpu.memory_space<hbm>>
    %dma_start3A_153 = tpu.memref_slice %arg3[%add3A_149] : memref<4194304xi32, #tpu.memory_space<hbm>> -> memref<16384xi32, #tpu.memory_space<hbm>>
    tpu.enqueue_dma source(%dma_start3A_153 : memref<16384xi32, #tpu.memory_space<hbm>>) target(%arg9 : memref<16384xi32, #tpu.memory_space<vmem>>) target_semaphore(%arg18 : memref<!tpu.dma_semaphore, #tpu.memory_space<semaphore_mem>>)
    %dma_wait3A_154 = tpu.memref_slice %arg2[%add3A_133] : memref<4194304xf32, #tpu.memory_space<hbm>> -> memref<16384xf32, #tpu.memory_space<hbm>>
    %dma_wait3A_155 = tpu.memref_slice %arg2[%add3A_133] : memref<4194304xf32, #tpu.memory_space<hbm>> -> memref<16384xf32, #tpu.memory_space<hbm>>
    tpu.wait_dma2 semaphore(%arg15 : memref<!tpu.dma_semaphore, #tpu.memory_space<semaphore_mem>>) src(%dma_wait3A_155 : memref<16384xf32, #tpu.memory_space<hbm>>) dst(%arg6 : memref<16384xf32, #tpu.memory_space<vmem>>)
    %dma_wait3A_156 = tpu.memref_slice %arg3[%add3A_133] : memref<4194304xi32, #tpu.memory_space<hbm>> -> memref<16384xi32, #tpu.memory_space<hbm>>
    %dma_wait3A_157 = tpu.memref_slice %arg3[%add3A_133] : memref<4194304xi32, #tpu.memory_space<hbm>> -> memref<16384xi32, #tpu.memory_space<hbm>>
    tpu.wait_dma2 semaphore(%arg16 : memref<!tpu.dma_semaphore, #tpu.memory_space<semaphore_mem>>) src(%dma_wait3A_157 : memref<16384xi32, #tpu.memory_space<hbm>>) dst(%arg7 : memref<16384xi32, #tpu.memory_space<vmem>>)
    %scan3A_158 = arith.constant 0 : i32
    %scan3A_159 = arith.constant 256 : i32
    %scan3A_160 = arith.addi %scan3A_158, %scan3A_159 : i32
    %scan3A_161 = arith.constant 1 : i32
    %scan3A_162:4 = scf.for %scan3A_185 = %scan3A_158 to %scan3A_160 step %scan3A_161 iter_args(%scan3A_186 = %scan3A_146#0, %scan3A_187 = %scan3A_146#1, %scan3A_188 = %scan3A_146#2, %scan3A_189 = %scan3A_146#3) -> (vector<16xf32>, vector<16xf32>, vector<16xf32>, vector<16xf32>)  : i32 {
      %mul3A_190 = arith.constant 4 : i32
      %mul3A_191 = arith.muli %scan3A_185, %mul3A_190 : i32
      %mul3A_192 = arith.constant 16 : i32
      %mul3A_193 = arith.muli %mul3A_191, %mul3A_192 : i32
      %get3A = arith.index_cast %mul3A_193 : i32 to index
      %get3A_194 = tpu.vector_load %arg6[%get3A] {strides = array<i32>} : memref<16384xf32, #tpu.memory_space<vmem>>, vector<16xf32>,
      %mul3A_195 = arith.constant 16 : i32
      %mul3A_196 = arith.muli %mul3A_191, %mul3A_195 : i32
      %get3A_197 = arith.index_cast %mul3A_196 : i32 to index
      %get3A_198 = tpu.vector_load %arg7[%get3A_197] {strides = array<i32>} : memref<16384xi32, #tpu.memory_space<vmem>>, vector<16xi32>,
      %convert_element_type3A_199 = arith.sitofp %get3A_198 : vector<16xi32> to vector<16xf32>
      %add3A_200 = arith.constant 1.000000e+00 : f32
      %add3A_201 = vector.broadcast %add3A_200 : f32 to vector<16xf32>
      %add3A_202 = arith.addf %add3A_201, %get3A_194 : vector<16xf32>
      %mul3A_203 = arith.mulf %get3A_194, %convert_element_type3A_199 : vector<16xf32>
      %mul3A_204 = arith.constant 2.000000e+00 : f32
      %mul3A_205 = vector.broadcast %mul3A_204 : f32 to vector<16xf32>
      %mul3A_206 = arith.mulf %mul3A_205, %mul3A_203 : vector<16xf32>
      %sub3A_207 = arith.subf %add3A_202, %mul3A_206 : vector<16xf32>
      %gt3A = arith.constant 0.000000e+00 : f32
      %gt3A_208 = vector.broadcast %gt3A : f32 to vector<16xf32>
      %gt3A_209 = arith.cmpf ogt, %sub3A_207, %gt3A_208 : vector<16xf32>
      %mul3A_210 = arith.constant 2.560000e+02 : f32
      %mul3A_211 = vector.broadcast %mul3A_210 : f32 to vector<16xf32>
      %mul3A_212 = arith.mulf %sub3A_207, %mul3A_211 : vector<16xf32>
      %convert_element_type3A_213 = arith.fptosi %mul3A_212 : vector<16xf32> to vector<16xi32>
      %min3A = arith.constant 4095 : i32
      %min3A_214 = vector.broadcast %min3A : i32 to vector<16xi32>
      %min3A_215 = arith.minsi %convert_element_type3A_213, %min3A_214 : vector<16xi32>
      tpu.vector_store_idx %arg10[%min3A_215], %broadcast_in_dim3A_36 masked %gt3A_209 {add = true} : memref<4096xf32, #tpu.memory_space<vmem>>[vector<16xi32>], vector<16xf32>, vector<16xi1>
      %gt3A_216 = arith.constant 5.000000e-01 : f32
      %gt3A_217 = vector.broadcast %gt3A_216 : f32 to vector<16xf32>
      %gt3A_218 = arith.cmpf ogt, %convert_element_type3A_199, %gt3A_217 : vector<16xf32>
      %and3A_219 = arith.andi %gt3A_209, %gt3A_218 : vector<16xi1>
      tpu.vector_store_idx %arg11[%min3A_215], %broadcast_in_dim3A_36 masked %and3A_219 {add = true} : memref<4096xf32, #tpu.memory_space<vmem>>[vector<16xi32>], vector<16xf32>, vector<16xi1>
      tpu.vector_store_idx %arg12[%min3A_215], %sub3A_207 masked %gt3A_209 {add = true} : memref<4096xf32, #tpu.memory_space<vmem>>[vector<16xi32>], vector<16xf32>, vector<16xi1>
      %add3A_220 = arith.addf %scan3A_186, %convert_element_type3A_199 : vector<16xf32>
      %add3A_221 = arith.constant 1 : i32
      %add3A_222 = arith.addi %mul3A_191, %add3A_221 : i32
      %mul3A_223 = arith.constant 16 : i32
      %mul3A_224 = arith.muli %add3A_222, %mul3A_223 : i32
      %get3A_225 = arith.index_cast %mul3A_224 : i32 to index
      %get3A_226 = tpu.vector_load %arg6[%get3A_225] {strides = array<i32>} : memref<16384xf32, #tpu.memory_space<vmem>>, vector<16xf32>,
      %mul3A_227 = arith.constant 16 : i32
      %mul3A_228 = arith.muli %add3A_222, %mul3A_227 : i32
      %get3A_229 = arith.index_cast %mul3A_228 : i32 to index
      %get3A_230 = tpu.vector_load %arg7[%get3A_229] {strides = array<i32>} : memref<16384xi32, #tpu.memory_space<vmem>>, vector<16xi32>,
      %convert_element_type3A_231 = arith.sitofp %get3A_230 : vector<16xi32> to vector<16xf32>
      %add3A_232 = arith.constant 1.000000e+00 : f32
      %add3A_233 = vector.broadcast %add3A_232 : f32 to vector<16xf32>
      %add3A_234 = arith.addf %add3A_233, %get3A_226 : vector<16xf32>
      %mul3A_235 = arith.mulf %get3A_226, %convert_element_type3A_231 : vector<16xf32>
      %mul3A_236 = arith.constant 2.000000e+00 : f32
      %mul3A_237 = vector.broadcast %mul3A_236 : f32 to vector<16xf32>
      %mul3A_238 = arith.mulf %mul3A_237, %mul3A_235 : vector<16xf32>
      %sub3A_239 = arith.subf %add3A_234, %mul3A_238 : vector<16xf32>
      %gt3A_240 = arith.constant 0.000000e+00 : f32
      %gt3A_241 = vector.broadcast %gt3A_240 : f32 to vector<16xf32>
      %gt3A_242 = arith.cmpf ogt, %sub3A_239, %gt3A_241 : vector<16xf32>
      %mul3A_243 = arith.constant 2.560000e+02 : f32
      %mul3A_244 = vector.broadcast %mul3A_243 : f32 to vector<16xf32>
      %mul3A_245 = arith.mulf %sub3A_239, %mul3A_244 : vector<16xf32>
      %convert_element_type3A_246 = arith.fptosi %mul3A_245 : vector<16xf32> to vector<16xi32>
      %min3A_247 = arith.constant 4095 : i32
      %min3A_248 = vector.broadcast %min3A_247 : i32 to vector<16xi32>
      %min3A_249 = arith.minsi %convert_element_type3A_246, %min3A_248 : vector<16xi32>
      tpu.vector_store_idx %arg10[%min3A_249], %broadcast_in_dim3A_36 masked %gt3A_242 {add = true} : memref<4096xf32, #tpu.memory_space<vmem>>[vector<16xi32>], vector<16xf32>, vector<16xi1>
      %gt3A_250 = arith.constant 5.000000e-01 : f32
      %gt3A_251 = vector.broadcast %gt3A_250 : f32 to vector<16xf32>
      %gt3A_252 = arith.cmpf ogt, %convert_element_type3A_231, %gt3A_251 : vector<16xf32>
      %and3A_253 = arith.andi %gt3A_242, %gt3A_252 : vector<16xi1>
      tpu.vector_store_idx %arg11[%min3A_249], %broadcast_in_dim3A_36 masked %and3A_253 {add = true} : memref<4096xf32, #tpu.memory_space<vmem>>[vector<16xi32>], vector<16xf32>, vector<16xi1>
      tpu.vector_store_idx %arg12[%min3A_249], %sub3A_239 masked %gt3A_242 {add = true} : memref<4096xf32, #tpu.memory_space<vmem>>[vector<16xi32>], vector<16xf32>, vector<16xi1>
      %add3A_254 = arith.addf %scan3A_187, %convert_element_type3A_231 : vector<16xf32>
      %add3A_255 = arith.constant 2 : i32
      %add3A_256 = arith.addi %mul3A_191, %add3A_255 : i32
      %mul3A_257 = arith.constant 16 : i32
      %mul3A_258 = arith.muli %add3A_256, %mul3A_257 : i32
      %get3A_259 = arith.index_cast %mul3A_258 : i32 to index
      %get3A_260 = tpu.vector_load %arg6[%get3A_259] {strides = array<i32>} : memref<16384xf32, #tpu.memory_space<vmem>>, vector<16xf32>,
      %mul3A_261 = arith.constant 16 : i32
      %mul3A_262 = arith.muli %add3A_256, %mul3A_261 : i32
      %get3A_263 = arith.index_cast %mul3A_262 : i32 to index
      %get3A_264 = tpu.vector_load %arg7[%get3A_263] {strides = array<i32>} : memref<16384xi32, #tpu.memory_space<vmem>>, vector<16xi32>,
      %convert_element_type3A_265 = arith.sitofp %get3A_264 : vector<16xi32> to vector<16xf32>
      %add3A_266 = arith.constant 1.000000e+00 : f32
      %add3A_267 = vector.broadcast %add3A_266 : f32 to vector<16xf32>
      %add3A_268 = arith.addf %add3A_267, %get3A_260 : vector<16xf32>
      %mul3A_269 = arith.mulf %get3A_260, %convert_element_type3A_265 : vector<16xf32>
      %mul3A_270 = arith.constant 2.000000e+00 : f32
      %mul3A_271 = vector.broadcast %mul3A_270 : f32 to vector<16xf32>
      %mul3A_272 = arith.mulf %mul3A_271, %mul3A_269 : vector<16xf32>
      %sub3A_273 = arith.subf %add3A_268, %mul3A_272 : vector<16xf32>
      %gt3A_274 = arith.constant 0.000000e+00 : f32
      %gt3A_275 = vector.broadcast %gt3A_274 : f32 to vector<16xf32>
      %gt3A_276 = arith.cmpf ogt, %sub3A_273, %gt3A_275 : vector<16xf32>
      %mul3A_277 = arith.constant 2.560000e+02 : f32
      %mul3A_278 = vector.broadcast %mul3A_277 : f32 to vector<16xf32>
      %mul3A_279 = arith.mulf %sub3A_273, %mul3A_278 : vector<16xf32>
      %convert_element_type3A_280 = arith.fptosi %mul3A_279 : vector<16xf32> to vector<16xi32>
      %min3A_281 = arith.constant 4095 : i32
      %min3A_282 = vector.broadcast %min3A_281 : i32 to vector<16xi32>
      %min3A_283 = arith.minsi %convert_element_type3A_280, %min3A_282 : vector<16xi32>
      tpu.vector_store_idx %arg10[%min3A_283], %broadcast_in_dim3A_36 masked %gt3A_276 {add = true} : memref<4096xf32, #tpu.memory_space<vmem>>[vector<16xi32>], vector<16xf32>, vector<16xi1>
      %gt3A_284 = arith.constant 5.000000e-01 : f32
      %gt3A_285 = vector.broadcast %gt3A_284 : f32 to vector<16xf32>
      %gt3A_286 = arith.cmpf ogt, %convert_element_type3A_265, %gt3A_285 : vector<16xf32>
      %and3A_287 = arith.andi %gt3A_276, %gt3A_286 : vector<16xi1>
      tpu.vector_store_idx %arg11[%min3A_283], %broadcast_in_dim3A_36 masked %and3A_287 {add = true} : memref<4096xf32, #tpu.memory_space<vmem>>[vector<16xi32>], vector<16xf32>, vector<16xi1>
      tpu.vector_store_idx %arg12[%min3A_283], %sub3A_273 masked %gt3A_276 {add = true} : memref<4096xf32, #tpu.memory_space<vmem>>[vector<16xi32>], vector<16xf32>, vector<16xi1>
      %add3A_288 = arith.addf %scan3A_188, %convert_element_type3A_265 : vector<16xf32>
      %add3A_289 = arith.constant 3 : i32
      %add3A_290 = arith.addi %mul3A_191, %add3A_289 : i32
      %mul3A_291 = arith.constant 16 : i32
      %mul3A_292 = arith.muli %add3A_290, %mul3A_291 : i32
      %get3A_293 = arith.index_cast %mul3A_292 : i32 to index
      %get3A_294 = tpu.vector_load %arg6[%get3A_293] {strides = array<i32>} : memref<16384xf32, #tpu.memory_space<vmem>>, vector<16xf32>,
      %mul3A_295 = arith.constant 16 : i32
      %mul3A_296 = arith.muli %add3A_290, %mul3A_295 : i32
      %get3A_297 = arith.index_cast %mul3A_296 : i32 to index
      %get3A_298 = tpu.vector_load %arg7[%get3A_297] {strides = array<i32>} : memref<16384xi32, #tpu.memory_space<vmem>>, vector<16xi32>,
      %convert_element_type3A_299 = arith.sitofp %get3A_298 : vector<16xi32> to vector<16xf32>
      %add3A_300 = arith.constant 1.000000e+00 : f32
      %add3A_301 = vector.broadcast %add3A_300 : f32 to vector<16xf32>
      %add3A_302 = arith.addf %add3A_301, %get3A_294 : vector<16xf32>
      %mul3A_303 = arith.mulf %get3A_294, %convert_element_type3A_299 : vector<16xf32>
      %mul3A_304 = arith.constant 2.000000e+00 : f32
      %mul3A_305 = vector.broadcast %mul3A_304 : f32 to vector<16xf32>
      %mul3A_306 = arith.mulf %mul3A_305, %mul3A_303 : vector<16xf32>
      %sub3A_307 = arith.subf %add3A_302, %mul3A_306 : vector<16xf32>
      %gt3A_308 = arith.constant 0.000000e+00 : f32
      %gt3A_309 = vector.broadcast %gt3A_308 : f32 to vector<16xf32>
      %gt3A_310 = arith.cmpf ogt, %sub3A_307, %gt3A_309 : vector<16xf32>
      %mul3A_311 = arith.constant 2.560000e+02 : f32
      %mul3A_312 = vector.broadcast %mul3A_311 : f32 to vector<16xf32>
      %mul3A_313 = arith.mulf %sub3A_307, %mul3A_312 : vector<16xf32>
      %convert_element_type3A_314 = arith.fptosi %mul3A_313 : vector<16xf32> to vector<16xi32>
      %min3A_315 = arith.constant 4095 : i32
      %min3A_316 = vector.broadcast %min3A_315 : i32 to vector<16xi32>
      %min3A_317 = arith.minsi %convert_element_type3A_314, %min3A_316 : vector<16xi32>
      tpu.vector_store_idx %arg10[%min3A_317], %broadcast_in_dim3A_36 masked %gt3A_310 {add = true} : memref<4096xf32, #tpu.memory_space<vmem>>[vector<16xi32>], vector<16xf32>, vector<16xi1>
      %gt3A_318 = arith.constant 5.000000e-01 : f32
      %gt3A_319 = vector.broadcast %gt3A_318 : f32 to vector<16xf32>
      %gt3A_320 = arith.cmpf ogt, %convert_element_type3A_299, %gt3A_319 : vector<16xf32>
      %and3A_321 = arith.andi %gt3A_310, %gt3A_320 : vector<16xi1>
      tpu.vector_store_idx %arg11[%min3A_317], %broadcast_in_dim3A_36 masked %and3A_321 {add = true} : memref<4096xf32, #tpu.memory_space<vmem>>[vector<16xi32>], vector<16xf32>, vector<16xi1>
      tpu.vector_store_idx %arg12[%min3A_317], %sub3A_307 masked %gt3A_310 {add = true} : memref<4096xf32, #tpu.memory_space<vmem>>[vector<16xi32>], vector<16xf32>, vector<16xi1>
      %add3A_322 = arith.addf %scan3A_189, %convert_element_type3A_299 : vector<16xf32>
      scf.yield %add3A_220, %add3A_254, %add3A_288, %add3A_322 : vector<16xf32>, vector<16xf32>, vector<16xf32>, vector<16xf32>
    }
    %scan3A_163 = arith.constant 256 : i32
    %dma_wait3A_164 = tpu.memref_slice %arg2[%add3A_149] : memref<4194304xf32, #tpu.memory_space<hbm>> -> memref<16384xf32, #tpu.memory_space<hbm>>
    %dma_wait3A_165 = tpu.memref_slice %arg2[%add3A_149] : memref<4194304xf32, #tpu.memory_space<hbm>> -> memref<16384xf32, #tpu.memory_space<hbm>>
    tpu.wait_dma2 semaphore(%arg17 : memref<!tpu.dma_semaphore, #tpu.memory_space<semaphore_mem>>) src(%dma_wait3A_165 : memref<16384xf32, #tpu.memory_space<hbm>>) dst(%arg8 : memref<16384xf32, #tpu.memory_space<vmem>>)
    %dma_wait3A_166 = tpu.memref_slice %arg3[%add3A_149] : memref<4194304xi32, #tpu.memory_space<hbm>> -> memref<16384xi32, #tpu.memory_space<hbm>>
    %dma_wait3A_167 = tpu.memref_slice %arg3[%add3A_149] : memref<4194304xi32, #tpu.memory_space<hbm>> -> memref<16384xi32, #tpu.memory_space<hbm>>
    tpu.wait_dma2 semaphore(%arg18 : memref<!tpu.dma_semaphore, #tpu.memory_space<semaphore_mem>>) src(%dma_wait3A_167 : memref<16384xi32, #tpu.memory_space<hbm>>) dst(%arg9 : memref<16384xi32, #tpu.memory_space<vmem>>)
    %scan3A_168 = arith.constant 0 : i32
    %scan3A_169 = arith.constant 256 : i32
    %scan3A_170 = arith.addi %scan3A_168, %scan3A_169 : i32
    %scan3A_171 = arith.constant 1 : i32
    %scan3A_172:4 = scf.for %scan3A_185 = %scan3A_168 to %scan3A_170 step %scan3A_171 iter_args(%scan3A_186 = %scan3A_162#0, %scan3A_187 = %scan3A_162#1, %scan3A_188 = %scan3A_162#2, %scan3A_189 = %scan3A_162#3) -> (vector<16xf32>, vector<16xf32>, vector<16xf32>, vector<16xf32>)  : i32 {
      %mul3A_190 = arith.constant 4 : i32
      %mul3A_191 = arith.muli %scan3A_185, %mul3A_190 : i32
      %mul3A_192 = arith.constant 16 : i32
      %mul3A_193 = arith.muli %mul3A_191, %mul3A_192 : i32
      %get3A = arith.index_cast %mul3A_193 : i32 to index
      %get3A_194 = tpu.vector_load %arg8[%get3A] {strides = array<i32>} : memref<16384xf32, #tpu.memory_space<vmem>>, vector<16xf32>,
      %mul3A_195 = arith.constant 16 : i32
      %mul3A_196 = arith.muli %mul3A_191, %mul3A_195 : i32
      %get3A_197 = arith.index_cast %mul3A_196 : i32 to index
      %get3A_198 = tpu.vector_load %arg9[%get3A_197] {strides = array<i32>} : memref<16384xi32, #tpu.memory_space<vmem>>, vector<16xi32>,
      %convert_element_type3A_199 = arith.sitofp %get3A_198 : vector<16xi32> to vector<16xf32>
      %add3A_200 = arith.constant 1.000000e+00 : f32
      %add3A_201 = vector.broadcast %add3A_200 : f32 to vector<16xf32>
      %add3A_202 = arith.addf %add3A_201, %get3A_194 : vector<16xf32>
      %mul3A_203 = arith.mulf %get3A_194, %convert_element_type3A_199 : vector<16xf32>
      %mul3A_204 = arith.constant 2.000000e+00 : f32
      %mul3A_205 = vector.broadcast %mul3A_204 : f32 to vector<16xf32>
      %mul3A_206 = arith.mulf %mul3A_205, %mul3A_203 : vector<16xf32>
      %sub3A_207 = arith.subf %add3A_202, %mul3A_206 : vector<16xf32>
      %gt3A = arith.constant 0.000000e+00 : f32
      %gt3A_208 = vector.broadcast %gt3A : f32 to vector<16xf32>
      %gt3A_209 = arith.cmpf ogt, %sub3A_207, %gt3A_208 : vector<16xf32>
      %mul3A_210 = arith.constant 2.560000e+02 : f32
      %mul3A_211 = vector.broadcast %mul3A_210 : f32 to vector<16xf32>
      %mul3A_212 = arith.mulf %sub3A_207, %mul3A_211 : vector<16xf32>
      %convert_element_type3A_213 = arith.fptosi %mul3A_212 : vector<16xf32> to vector<16xi32>
      %min3A = arith.constant 4095 : i32
      %min3A_214 = vector.broadcast %min3A : i32 to vector<16xi32>
      %min3A_215 = arith.minsi %convert_element_type3A_213, %min3A_214 : vector<16xi32>
      tpu.vector_store_idx %arg10[%min3A_215], %broadcast_in_dim3A_36 masked %gt3A_209 {add = true} : memref<4096xf32, #tpu.memory_space<vmem>>[vector<16xi32>], vector<16xf32>, vector<16xi1>
      %gt3A_216 = arith.constant 5.000000e-01 : f32
      %gt3A_217 = vector.broadcast %gt3A_216 : f32 to vector<16xf32>
      %gt3A_218 = arith.cmpf ogt, %convert_element_type3A_199, %gt3A_217 : vector<16xf32>
      %and3A_219 = arith.andi %gt3A_209, %gt3A_218 : vector<16xi1>
      tpu.vector_store_idx %arg11[%min3A_215], %broadcast_in_dim3A_36 masked %and3A_219 {add = true} : memref<4096xf32, #tpu.memory_space<vmem>>[vector<16xi32>], vector<16xf32>, vector<16xi1>
      tpu.vector_store_idx %arg12[%min3A_215], %sub3A_207 masked %gt3A_209 {add = true} : memref<4096xf32, #tpu.memory_space<vmem>>[vector<16xi32>], vector<16xf32>, vector<16xi1>
      %add3A_220 = arith.addf %scan3A_186, %convert_element_type3A_199 : vector<16xf32>
      %add3A_221 = arith.constant 1 : i32
      %add3A_222 = arith.addi %mul3A_191, %add3A_221 : i32
      %mul3A_223 = arith.constant 16 : i32
      %mul3A_224 = arith.muli %add3A_222, %mul3A_223 : i32
      %get3A_225 = arith.index_cast %mul3A_224 : i32 to index
      %get3A_226 = tpu.vector_load %arg8[%get3A_225] {strides = array<i32>} : memref<16384xf32, #tpu.memory_space<vmem>>, vector<16xf32>,
      %mul3A_227 = arith.constant 16 : i32
      %mul3A_228 = arith.muli %add3A_222, %mul3A_227 : i32
      %get3A_229 = arith.index_cast %mul3A_228 : i32 to index
      %get3A_230 = tpu.vector_load %arg9[%get3A_229] {strides = array<i32>} : memref<16384xi32, #tpu.memory_space<vmem>>, vector<16xi32>,
      %convert_element_type3A_231 = arith.sitofp %get3A_230 : vector<16xi32> to vector<16xf32>
      %add3A_232 = arith.constant 1.000000e+00 : f32
      %add3A_233 = vector.broadcast %add3A_232 : f32 to vector<16xf32>
      %add3A_234 = arith.addf %add3A_233, %get3A_226 : vector<16xf32>
      %mul3A_235 = arith.mulf %get3A_226, %convert_element_type3A_231 : vector<16xf32>
      %mul3A_236 = arith.constant 2.000000e+00 : f32
      %mul3A_237 = vector.broadcast %mul3A_236 : f32 to vector<16xf32>
      %mul3A_238 = arith.mulf %mul3A_237, %mul3A_235 : vector<16xf32>
      %sub3A_239 = arith.subf %add3A_234, %mul3A_238 : vector<16xf32>
      %gt3A_240 = arith.constant 0.000000e+00 : f32
      %gt3A_241 = vector.broadcast %gt3A_240 : f32 to vector<16xf32>
      %gt3A_242 = arith.cmpf ogt, %sub3A_239, %gt3A_241 : vector<16xf32>
      %mul3A_243 = arith.constant 2.560000e+02 : f32
      %mul3A_244 = vector.broadcast %mul3A_243 : f32 to vector<16xf32>
      %mul3A_245 = arith.mulf %sub3A_239, %mul3A_244 : vector<16xf32>
      %convert_element_type3A_246 = arith.fptosi %mul3A_245 : vector<16xf32> to vector<16xi32>
      %min3A_247 = arith.constant 4095 : i32
      %min3A_248 = vector.broadcast %min3A_247 : i32 to vector<16xi32>
      %min3A_249 = arith.minsi %convert_element_type3A_246, %min3A_248 : vector<16xi32>
      tpu.vector_store_idx %arg10[%min3A_249], %broadcast_in_dim3A_36 masked %gt3A_242 {add = true} : memref<4096xf32, #tpu.memory_space<vmem>>[vector<16xi32>], vector<16xf32>, vector<16xi1>
      %gt3A_250 = arith.constant 5.000000e-01 : f32
      %gt3A_251 = vector.broadcast %gt3A_250 : f32 to vector<16xf32>
      %gt3A_252 = arith.cmpf ogt, %convert_element_type3A_231, %gt3A_251 : vector<16xf32>
      %and3A_253 = arith.andi %gt3A_242, %gt3A_252 : vector<16xi1>
      tpu.vector_store_idx %arg11[%min3A_249], %broadcast_in_dim3A_36 masked %and3A_253 {add = true} : memref<4096xf32, #tpu.memory_space<vmem>>[vector<16xi32>], vector<16xf32>, vector<16xi1>
      tpu.vector_store_idx %arg12[%min3A_249], %sub3A_239 masked %gt3A_242 {add = true} : memref<4096xf32, #tpu.memory_space<vmem>>[vector<16xi32>], vector<16xf32>, vector<16xi1>
      %add3A_254 = arith.addf %scan3A_187, %convert_element_type3A_231 : vector<16xf32>
      %add3A_255 = arith.constant 2 : i32
      %add3A_256 = arith.addi %mul3A_191, %add3A_255 : i32
      %mul3A_257 = arith.constant 16 : i32
      %mul3A_258 = arith.muli %add3A_256, %mul3A_257 : i32
      %get3A_259 = arith.index_cast %mul3A_258 : i32 to index
      %get3A_260 = tpu.vector_load %arg8[%get3A_259] {strides = array<i32>} : memref<16384xf32, #tpu.memory_space<vmem>>, vector<16xf32>,
      %mul3A_261 = arith.constant 16 : i32
      %mul3A_262 = arith.muli %add3A_256, %mul3A_261 : i32
      %get3A_263 = arith.index_cast %mul3A_262 : i32 to index
      %get3A_264 = tpu.vector_load %arg9[%get3A_263] {strides = array<i32>} : memref<16384xi32, #tpu.memory_space<vmem>>, vector<16xi32>,
      %convert_element_type3A_265 = arith.sitofp %get3A_264 : vector<16xi32> to vector<16xf32>
      %add3A_266 = arith.constant 1.000000e+00 : f32
      %add3A_267 = vector.broadcast %add3A_266 : f32 to vector<16xf32>
      %add3A_268 = arith.addf %add3A_267, %get3A_260 : vector<16xf32>
      %mul3A_269 = arith.mulf %get3A_260, %convert_element_type3A_265 : vector<16xf32>
      %mul3A_270 = arith.constant 2.000000e+00 : f32
      %mul3A_271 = vector.broadcast %mul3A_270 : f32 to vector<16xf32>
      %mul3A_272 = arith.mulf %mul3A_271, %mul3A_269 : vector<16xf32>
      %sub3A_273 = arith.subf %add3A_268, %mul3A_272 : vector<16xf32>
      %gt3A_274 = arith.constant 0.000000e+00 : f32
      %gt3A_275 = vector.broadcast %gt3A_274 : f32 to vector<16xf32>
      %gt3A_276 = arith.cmpf ogt, %sub3A_273, %gt3A_275 : vector<16xf32>
      %mul3A_277 = arith.constant 2.560000e+02 : f32
      %mul3A_278 = vector.broadcast %mul3A_277 : f32 to vector<16xf32>
      %mul3A_279 = arith.mulf %sub3A_273, %mul3A_278 : vector<16xf32>
      %convert_element_type3A_280 = arith.fptosi %mul3A_279 : vector<16xf32> to vector<16xi32>
      %min3A_281 = arith.constant 4095 : i32
      %min3A_282 = vector.broadcast %min3A_281 : i32 to vector<16xi32>
      %min3A_283 = arith.minsi %convert_element_type3A_280, %min3A_282 : vector<16xi32>
      tpu.vector_store_idx %arg10[%min3A_283], %broadcast_in_dim3A_36 masked %gt3A_276 {add = true} : memref<4096xf32, #tpu.memory_space<vmem>>[vector<16xi32>], vector<16xf32>, vector<16xi1>
      %gt3A_284 = arith.constant 5.000000e-01 : f32
      %gt3A_285 = vector.broadcast %gt3A_284 : f32 to vector<16xf32>
      %gt3A_286 = arith.cmpf ogt, %convert_element_type3A_265, %gt3A_285 : vector<16xf32>
      %and3A_287 = arith.andi %gt3A_276, %gt3A_286 : vector<16xi1>
      tpu.vector_store_idx %arg11[%min3A_283], %broadcast_in_dim3A_36 masked %and3A_287 {add = true} : memref<4096xf32, #tpu.memory_space<vmem>>[vector<16xi32>], vector<16xf32>, vector<16xi1>
      tpu.vector_store_idx %arg12[%min3A_283], %sub3A_273 masked %gt3A_276 {add = true} : memref<4096xf32, #tpu.memory_space<vmem>>[vector<16xi32>], vector<16xf32>, vector<16xi1>
      %add3A_288 = arith.addf %scan3A_188, %convert_element_type3A_265 : vector<16xf32>
      %add3A_289 = arith.constant 3 : i32
      %add3A_290 = arith.addi %mul3A_191, %add3A_289 : i32
      %mul3A_291 = arith.constant 16 : i32
      %mul3A_292 = arith.muli %add3A_290, %mul3A_291 : i32
      %get3A_293 = arith.index_cast %mul3A_292 : i32 to index
      %get3A_294 = tpu.vector_load %arg8[%get3A_293] {strides = array<i32>} : memref<16384xf32, #tpu.memory_space<vmem>>, vector<16xf32>,
      %mul3A_295 = arith.constant 16 : i32
      %mul3A_296 = arith.muli %add3A_290, %mul3A_295 : i32
      %get3A_297 = arith.index_cast %mul3A_296 : i32 to index
      %get3A_298 = tpu.vector_load %arg9[%get3A_297] {strides = array<i32>} : memref<16384xi32, #tpu.memory_space<vmem>>, vector<16xi32>,
      %convert_element_type3A_299 = arith.sitofp %get3A_298 : vector<16xi32> to vector<16xf32>
      %add3A_300 = arith.constant 1.000000e+00 : f32
      %add3A_301 = vector.broadcast %add3A_300 : f32 to vector<16xf32>
      %add3A_302 = arith.addf %add3A_301, %get3A_294 : vector<16xf32>
      %mul3A_303 = arith.mulf %get3A_294, %convert_element_type3A_299 : vector<16xf32>
      %mul3A_304 = arith.constant 2.000000e+00 : f32
      %mul3A_305 = vector.broadcast %mul3A_304 : f32 to vector<16xf32>
      %mul3A_306 = arith.mulf %mul3A_305, %mul3A_303 : vector<16xf32>
      %sub3A_307 = arith.subf %add3A_302, %mul3A_306 : vector<16xf32>
      %gt3A_308 = arith.constant 0.000000e+00 : f32
      %gt3A_309 = vector.broadcast %gt3A_308 : f32 to vector<16xf32>
      %gt3A_310 = arith.cmpf ogt, %sub3A_307, %gt3A_309 : vector<16xf32>
      %mul3A_311 = arith.constant 2.560000e+02 : f32
      %mul3A_312 = vector.broadcast %mul3A_311 : f32 to vector<16xf32>
      %mul3A_313 = arith.mulf %sub3A_307, %mul3A_312 : vector<16xf32>
      %convert_element_type3A_314 = arith.fptosi %mul3A_313 : vector<16xf32> to vector<16xi32>
      %min3A_315 = arith.constant 4095 : i32
      %min3A_316 = vector.broadcast %min3A_315 : i32 to vector<16xi32>
      %min3A_317 = arith.minsi %convert_element_type3A_314, %min3A_316 : vector<16xi32>
      tpu.vector_store_idx %arg10[%min3A_317], %broadcast_in_dim3A_36 masked %gt3A_310 {add = true} : memref<4096xf32, #tpu.memory_space<vmem>>[vector<16xi32>], vector<16xf32>, vector<16xi1>
      %gt3A_318 = arith.constant 5.000000e-01 : f32
      %gt3A_319 = vector.broadcast %gt3A_318 : f32 to vector<16xf32>
      %gt3A_320 = arith.cmpf ogt, %convert_element_type3A_299, %gt3A_319 : vector<16xf32>
      %and3A_321 = arith.andi %gt3A_310, %gt3A_320 : vector<16xi1>
      tpu.vector_store_idx %arg11[%min3A_317], %broadcast_in_dim3A_36 masked %and3A_321 {add = true} : memref<4096xf32, #tpu.memory_space<vmem>>[vector<16xi32>], vector<16xf32>, vector<16xi1>
      tpu.vector_store_idx %arg12[%min3A_317], %sub3A_307 masked %gt3A_310 {add = true} : memref<4096xf32, #tpu.memory_space<vmem>>[vector<16xi32>], vector<16xf32>, vector<16xi1>
      %add3A_322 = arith.addf %scan3A_189, %convert_element_type3A_299 : vector<16xf32>
      scf.yield %add3A_220, %add3A_254, %add3A_288, %add3A_322 : vector<16xf32>, vector<16xf32>, vector<16xf32>, vector<16xf32>
    }
    %scan3A_173 = arith.constant 256 : i32
    %add3A_174 = arith.addf %scan3A_172#0, %scan3A_172#1 : vector<16xf32>
    %add3A_175 = arith.addf %scan3A_172#2, %scan3A_172#3 : vector<16xf32>
    %add3A_176 = arith.addf %add3A_174, %add3A_175 : vector<16xf32>
    %eq3A_177 = arith.constant 1 : i32
    %eq3A_178 = arith.cmpi eq, %select_n3A_30, %eq3A_177 : i32
    %convert_element_type3A = arith.extui %eq3A_178 : i1 to i32
    %cond3A = arith.constant 0 : i32
    %cond3A_179 = arith.cmpi ne, %convert_element_type3A, %cond3A : i32
    scf.if %cond3A_179 {
      "tpu.region"() ({
        %run_scoped3A = tpu.sem_alloc : memref<!tpu.dma_semaphore, #tpu.memory_space<semaphore_mem>>
        %dma_start3A_186 = arith.constant 0 : i32
        %dma_start3A_187 = tpu.memref_slice %arg5[%add3A_33, %dma_start3A_186] : memref<32x12304xf32, #tpu.memory_space<hbm>> -> memref<1x4096xf32, #tpu.memory_space<hbm>>
        %dma_start3A_188 = tpu.memref_squeeze %dma_start3A_187 : memref<1x4096xf32, #tpu.memory_space<hbm>> -> memref<4096xf32, #tpu.memory_space<hbm>>
        %dma_start3A_189 = arith.constant 0 : i32
        %dma_start3A_190 = tpu.memref_slice %arg5[%add3A_33, %dma_start3A_189] : memref<32x12304xf32, #tpu.memory_space<hbm>> -> memref<1x4096xf32, #tpu.memory_space<hbm>>
        %dma_start3A_191 = tpu.memref_squeeze %dma_start3A_190 : memref<1x4096xf32, #tpu.memory_space<hbm>> -> memref<4096xf32, #tpu.memory_space<hbm>>
        tpu.enqueue_dma source(%arg10 : memref<4096xf32, #tpu.memory_space<vmem>>) target(%dma_start3A_191 : memref<4096xf32, #tpu.memory_space<hbm>>) target_semaphore(%run_scoped3A : memref<!tpu.dma_semaphore, #tpu.memory_space<semaphore_mem>>)
        %dma_wait3A_192 = arith.constant 0 : i32
        %dma_wait3A_193 = tpu.memref_slice %arg5[%add3A_33, %dma_wait3A_192] : memref<32x12304xf32, #tpu.memory_space<hbm>> -> memref<1x4096xf32, #tpu.memory_space<hbm>>
        %dma_wait3A_194 = tpu.memref_squeeze %dma_wait3A_193 : memref<1x4096xf32, #tpu.memory_space<hbm>> -> memref<4096xf32, #tpu.memory_space<hbm>>
        %dma_wait3A_195 = arith.constant 0 : i32
        %dma_wait3A_196 = tpu.memref_slice %arg5[%add3A_33, %dma_wait3A_195] : memref<32x12304xf32, #tpu.memory_space<hbm>> -> memref<1x4096xf32, #tpu.memory_space<hbm>>
        %dma_wait3A_197 = tpu.memref_squeeze %dma_wait3A_196 : memref<1x4096xf32, #tpu.memory_space<hbm>> -> memref<4096xf32, #tpu.memory_space<hbm>>
        tpu.wait_dma2 semaphore(%run_scoped3A : memref<!tpu.dma_semaphore, #tpu.memory_space<semaphore_mem>>) src(%arg10 : memref<4096xf32, #tpu.memory_space<vmem>>) dst(%dma_wait3A_197 : memref<4096xf32, #tpu.memory_space<hbm>>)
        tpu.yield
      }) : () -> ()
      "tpu.region"() ({
        %run_scoped3A = tpu.sem_alloc : memref<!tpu.dma_semaphore, #tpu.memory_space<semaphore_mem>>
        %dma_start3A_186 = arith.constant 4096 : i32
        %dma_start3A_187 = tpu.memref_slice %arg5[%add3A_33, %dma_start3A_186] : memref<32x12304xf32, #tpu.memory_space<hbm>> -> memref<1x4096xf32, #tpu.memory_space<hbm>>
        %dma_start3A_188 = tpu.memref_squeeze %dma_start3A_187 : memref<1x4096xf32, #tpu.memory_space<hbm>> -> memref<4096xf32, #tpu.memory_space<hbm>>
        %dma_start3A_189 = arith.constant 4096 : i32
        %dma_start3A_190 = tpu.memref_slice %arg5[%add3A_33, %dma_start3A_189] : memref<32x12304xf32, #tpu.memory_space<hbm>> -> memref<1x4096xf32, #tpu.memory_space<hbm>>
        %dma_start3A_191 = tpu.memref_squeeze %dma_start3A_190 : memref<1x4096xf32, #tpu.memory_space<hbm>> -> memref<4096xf32, #tpu.memory_space<hbm>>
        tpu.enqueue_dma source(%arg11 : memref<4096xf32, #tpu.memory_space<vmem>>) target(%dma_start3A_191 : memref<4096xf32, #tpu.memory_space<hbm>>) target_semaphore(%run_scoped3A : memref<!tpu.dma_semaphore, #tpu.memory_space<semaphore_mem>>)
        %dma_wait3A_192 = arith.constant 4096 : i32
        %dma_wait3A_193 = tpu.memref_slice %arg5[%add3A_33, %dma_wait3A_192] : memref<32x12304xf32, #tpu.memory_space<hbm>> -> memref<1x4096xf32, #tpu.memory_space<hbm>>
        %dma_wait3A_194 = tpu.memref_squeeze %dma_wait3A_193 : memref<1x4096xf32, #tpu.memory_space<hbm>> -> memref<4096xf32, #tpu.memory_space<hbm>>
        %dma_wait3A_195 = arith.constant 4096 : i32
        %dma_wait3A_196 = tpu.memref_slice %arg5[%add3A_33, %dma_wait3A_195] : memref<32x12304xf32, #tpu.memory_space<hbm>> -> memref<1x4096xf32, #tpu.memory_space<hbm>>
        %dma_wait3A_197 = tpu.memref_squeeze %dma_wait3A_196 : memref<1x4096xf32, #tpu.memory_space<hbm>> -> memref<4096xf32, #tpu.memory_space<hbm>>
        tpu.wait_dma2 semaphore(%run_scoped3A : memref<!tpu.dma_semaphore, #tpu.memory_space<semaphore_mem>>) src(%arg11 : memref<4096xf32, #tpu.memory_space<vmem>>) dst(%dma_wait3A_197 : memref<4096xf32, #tpu.memory_space<hbm>>)
        tpu.yield
      }) : () -> ()
      "tpu.region"() ({
        %run_scoped3A = tpu.sem_alloc : memref<!tpu.dma_semaphore, #tpu.memory_space<semaphore_mem>>
        %dma_start3A_186 = arith.constant 8192 : i32
        %dma_start3A_187 = tpu.memref_slice %arg5[%add3A_33, %dma_start3A_186] : memref<32x12304xf32, #tpu.memory_space<hbm>> -> memref<1x4096xf32, #tpu.memory_space<hbm>>
        %dma_start3A_188 = tpu.memref_squeeze %dma_start3A_187 : memref<1x4096xf32, #tpu.memory_space<hbm>> -> memref<4096xf32, #tpu.memory_space<hbm>>
        %dma_start3A_189 = arith.constant 8192 : i32
        %dma_start3A_190 = tpu.memref_slice %arg5[%add3A_33, %dma_start3A_189] : memref<32x12304xf32, #tpu.memory_space<hbm>> -> memref<1x4096xf32, #tpu.memory_space<hbm>>
        %dma_start3A_191 = tpu.memref_squeeze %dma_start3A_190 : memref<1x4096xf32, #tpu.memory_space<hbm>> -> memref<4096xf32, #tpu.memory_space<hbm>>
        tpu.enqueue_dma source(%arg12 : memref<4096xf32, #tpu.memory_space<vmem>>) target(%dma_start3A_191 : memref<4096xf32, #tpu.memory_space<hbm>>) target_semaphore(%run_scoped3A : memref<!tpu.dma_semaphore, #tpu.memory_space<semaphore_mem>>)
        %dma_wait3A_192 = arith.constant 8192 : i32
        %dma_wait3A_193 = tpu.memref_slice %arg5[%add3A_33, %dma_wait3A_192] : memref<32x12304xf32, #tpu.memory_space<hbm>> -> memref<1x4096xf32, #tpu.memory_space<hbm>>
        %dma_wait3A_194 = tpu.memref_squeeze %dma_wait3A_193 : memref<1x4096xf32, #tpu.memory_space<hbm>> -> memref<4096xf32, #tpu.memory_space<hbm>>
        %dma_wait3A_195 = arith.constant 8192 : i32
        %dma_wait3A_196 = tpu.memref_slice %arg5[%add3A_33, %dma_wait3A_195] : memref<32x12304xf32, #tpu.memory_space<hbm>> -> memref<1x4096xf32, #tpu.memory_space<hbm>>
        %dma_wait3A_197 = tpu.memref_squeeze %dma_wait3A_196 : memref<1x4096xf32, #tpu.memory_space<hbm>> -> memref<4096xf32, #tpu.memory_space<hbm>>
        tpu.wait_dma2 semaphore(%run_scoped3A : memref<!tpu.dma_semaphore, #tpu.memory_space<semaphore_mem>>) src(%arg12 : memref<4096xf32, #tpu.memory_space<vmem>>) dst(%dma_wait3A_197 : memref<4096xf32, #tpu.memory_space<hbm>>)
        tpu.yield
      }) : () -> ()
      %swap3A = arith.constant 0 : index
      %swap3A_185 = tpu.vector_load %arg14[%swap3A] {strides = array<i32>} : memref<16xf32, #tpu.memory_space<vmem>>, vector<16xf32>,
      tpu.vector_store %arg14[%swap3A], %add3A_176 {strides = array<i32>} : memref<16xf32, #tpu.memory_space<vmem>>, vector<16xf32>,
      "tpu.region"() ({
        %run_scoped3A = tpu.sem_alloc : memref<!tpu.dma_semaphore, #tpu.memory_space<semaphore_mem>>
        %dma_start3A_186 = arith.constant 12288 : i32
        %dma_start3A_187 = tpu.memref_slice %arg5[%add3A_33, %dma_start3A_186] : memref<32x12304xf32, #tpu.memory_space<hbm>> -> memref<1x16xf32, #tpu.memory_space<hbm>>
        %dma_start3A_188 = tpu.memref_squeeze %dma_start3A_187 : memref<1x16xf32, #tpu.memory_space<hbm>> -> memref<16xf32, #tpu.memory_space<hbm>>
        %dma_start3A_189 = arith.constant 12288 : i32
        %dma_start3A_190 = tpu.memref_slice %arg5[%add3A_33, %dma_start3A_189] : memref<32x12304xf32, #tpu.memory_space<hbm>> -> memref<1x16xf32, #tpu.memory_space<hbm>>
        %dma_start3A_191 = tpu.memref_squeeze %dma_start3A_190 : memref<1x16xf32, #tpu.memory_space<hbm>> -> memref<16xf32, #tpu.memory_space<hbm>>
        tpu.enqueue_dma source(%arg14 : memref<16xf32, #tpu.memory_space<vmem>>) target(%dma_start3A_191 : memref<16xf32, #tpu.memory_space<hbm>>) target_semaphore(%run_scoped3A : memref<!tpu.dma_semaphore, #tpu.memory_space<semaphore_mem>>)
        %dma_wait3A_192 = arith.constant 12288 : i32
        %dma_wait3A_193 = tpu.memref_slice %arg5[%add3A_33, %dma_wait3A_192] : memref<32x12304xf32, #tpu.memory_space<hbm>> -> memref<1x16xf32, #tpu.memory_space<hbm>>
        %dma_wait3A_194 = tpu.memref_squeeze %dma_wait3A_193 : memref<1x16xf32, #tpu.memory_space<hbm>> -> memref<16xf32, #tpu.memory_space<hbm>>
        %dma_wait3A_195 = arith.constant 12288 : i32
        %dma_wait3A_196 = tpu.memref_slice %arg5[%add3A_33, %dma_wait3A_195] : memref<32x12304xf32, #tpu.memory_space<hbm>> -> memref<1x16xf32, #tpu.memory_space<hbm>>
        %dma_wait3A_197 = tpu.memref_squeeze %dma_wait3A_196 : memref<1x16xf32, #tpu.memory_space<hbm>> -> memref<16xf32, #tpu.memory_space<hbm>>
        tpu.wait_dma2 semaphore(%run_scoped3A : memref<!tpu.dma_semaphore, #tpu.memory_space<semaphore_mem>>) src(%arg14 : memref<16xf32, #tpu.memory_space<vmem>>) dst(%dma_wait3A_197 : memref<16xf32, #tpu.memory_space<hbm>>)
        tpu.yield
      }) : () -> ()
    } else {
    }
    %barrier3A = arith.constant 0 : index
    tpu.barrier barrier_id(%barrier3A)
    %eq3A_180 = arith.constant 0 : i32
    %eq3A_181 = arith.cmpi eq, %select_n3A_30, %eq3A_180 : i32
    %convert_element_type3A_182 = arith.extui %eq3A_181 : i1 to i32
    %cond3A_183 = arith.constant 0 : i32
    %cond3A_184 = arith.cmpi ne, %convert_element_type3A_182, %cond3A_183 : i32
    scf.if %cond3A_184 {
      %add3A_185 = arith.constant 1 : i32
      %add3A_186 = arith.addi %add3A_33, %add3A_185 : i32
      "tpu.region"() ({
        %run_scoped3A = tpu.sem_alloc : memref<!tpu.dma_semaphore, #tpu.memory_space<semaphore_mem>>
        %dma_start3A_237 = arith.constant 0 : i32
        %dma_start3A_238 = tpu.memref_slice %arg5[%add3A_186, %dma_start3A_237] : memref<32x12304xf32, #tpu.memory_space<hbm>> -> memref<1x4096xf32, #tpu.memory_space<hbm>>
        %dma_start3A_239 = tpu.memref_squeeze %dma_start3A_238 : memref<1x4096xf32, #tpu.memory_space<hbm>> -> memref<4096xf32, #tpu.memory_space<hbm>>
        %dma_start3A_240 = arith.constant 0 : i32
        %dma_start3A_241 = tpu.memref_slice %arg5[%add3A_186, %dma_start3A_240] : memref<32x12304xf32, #tpu.memory_space<hbm>> -> memref<1x4096xf32, #tpu.memory_space<hbm>>
        %dma_start3A_242 = tpu.memref_squeeze %dma_start3A_241 : memref<1x4096xf32, #tpu.memory_space<hbm>> -> memref<4096xf32, #tpu.memory_space<hbm>>
        tpu.enqueue_dma source(%dma_start3A_242 : memref<4096xf32, #tpu.memory_space<hbm>>) target(%arg13 : memref<4096xf32, #tpu.memory_space<vmem>>) target_semaphore(%run_scoped3A : memref<!tpu.dma_semaphore, #tpu.memory_space<semaphore_mem>>)
        %dma_wait3A_243 = arith.constant 0 : i32
        %dma_wait3A_244 = tpu.memref_slice %arg5[%add3A_186, %dma_wait3A_243] : memref<32x12304xf32, #tpu.memory_space<hbm>> -> memref<1x4096xf32, #tpu.memory_space<hbm>>
        %dma_wait3A_245 = tpu.memref_squeeze %dma_wait3A_244 : memref<1x4096xf32, #tpu.memory_space<hbm>> -> memref<4096xf32, #tpu.memory_space<hbm>>
        %dma_wait3A_246 = arith.constant 0 : i32
        %dma_wait3A_247 = tpu.memref_slice %arg5[%add3A_186, %dma_wait3A_246] : memref<32x12304xf32, #tpu.memory_space<hbm>> -> memref<1x4096xf32, #tpu.memory_space<hbm>>
        %dma_wait3A_248 = tpu.memref_squeeze %dma_wait3A_247 : memref<1x4096xf32, #tpu.memory_space<hbm>> -> memref<4096xf32, #tpu.memory_space<hbm>>
        tpu.wait_dma2 semaphore(%run_scoped3A : memref<!tpu.dma_semaphore, #tpu.memory_space<semaphore_mem>>) src(%dma_wait3A_248 : memref<4096xf32, #tpu.memory_space<hbm>>) dst(%arg13 : memref<4096xf32, #tpu.memory_space<vmem>>)
        tpu.yield
      }) : () -> ()
      %scan3A_187 = arith.constant 0 : i32
      %scan3A_188 = arith.constant 0 : i32
      %scan3A_189 = arith.constant 256 : i32
      %scan3A_190 = arith.addi %scan3A_188, %scan3A_189 : i32
      %scan3A_191 = arith.constant 4 : i32
      %scan3A_192 = scf.for %scan3A_237 = %scan3A_188 to %scan3A_190 step %scan3A_191 iter_args(%scan3A_238 = %scan3A_187) -> (i32)  : i32 {
        %mul3A_239 = arith.constant 16 : i32
        %mul3A_240 = arith.muli %scan3A_237, %mul3A_239 : i32
        %get3A_241 = arith.index_cast %mul3A_240 : i32 to index
        %get3A_242 = tpu.vector_load %arg10[%get3A_241] {strides = array<i32>} : memref<4096xf32, #tpu.memory_space<vmem>>, vector<16xf32>,
        %mul3A_243 = arith.constant 16 : i32
        %mul3A_244 = arith.muli %scan3A_237, %mul3A_243 : i32
        %get3A_245 = arith.index_cast %mul3A_244 : i32 to index
        %get3A_246 = tpu.vector_load %arg13[%get3A_245] {strides = array<i32>} : memref<4096xf32, #tpu.memory_space<vmem>>, vector<16xf32>,
        %add3A_247 = arith.addf %get3A_242, %get3A_246 : vector<16xf32>
        %mul3A_248 = arith.constant 16 : i32
        %mul3A_249 = arith.muli %scan3A_237, %mul3A_248 : i32
        %swap3A_250 = arith.index_cast %mul3A_249 : i32 to index
        %swap3A_251 = tpu.vector_load %arg10[%swap3A_250] {strides = array<i32>} : memref<4096xf32, #tpu.memory_space<vmem>>, vector<16xf32>,
        tpu.vector_store %arg10[%swap3A_250], %add3A_247 {strides = array<i32>} : memref<4096xf32, #tpu.memory_space<vmem>>, vector<16xf32>,
        %scan3A_252 = arith.constant 0 : i32
        %scan3A_253 = arith.constant 1 : i32
        %scan3A_254 = arith.addi %scan3A_237, %scan3A_253 : i32
        %mul3A_255 = arith.constant 16 : i32
        %mul3A_256 = arith.muli %scan3A_254, %mul3A_255 : i32
        %get3A_257 = arith.index_cast %mul3A_256 : i32 to index
        %get3A_258 = tpu.vector_load %arg10[%get3A_257] {strides = array<i32>} : memref<4096xf32, #tpu.memory_space<vmem>>, vector<16xf32>,
        %mul3A_259 = arith.constant 16 : i32
        %mul3A_260 = arith.muli %scan3A_254, %mul3A_259 : i32
        %get3A_261 = arith.index_cast %mul3A_260 : i32 to index
        %get3A_262 = tpu.vector_load %arg13[%get3A_261] {strides = array<i32>} : memref<4096xf32, #tpu.memory_space<vmem>>, vector<16xf32>,
        %add3A_263 = arith.addf %get3A_258, %get3A_262 : vector<16xf32>
        %mul3A_264 = arith.constant 16 : i32
        %mul3A_265 = arith.muli %scan3A_254, %mul3A_264 : i32
        %swap3A_266 = arith.index_cast %mul3A_265 : i32 to index
        %swap3A_267 = tpu.vector_load %arg10[%swap3A_266] {strides = array<i32>} : memref<4096xf32, #tpu.memory_space<vmem>>, vector<16xf32>,
        tpu.vector_store %arg10[%swap3A_266], %add3A_263 {strides = array<i32>} : memref<4096xf32, #tpu.memory_space<vmem>>, vector<16xf32>,
        %scan3A_268 = arith.constant 0 : i32
        %scan3A_269 = arith.constant 2 : i32
        %scan3A_270 = arith.addi %scan3A_237, %scan3A_269 : i32
        %mul3A_271 = arith.constant 16 : i32
        %mul3A_272 = arith.muli %scan3A_270, %mul3A_271 : i32
        %get3A_273 = arith.index_cast %mul3A_272 : i32 to index
        %get3A_274 = tpu.vector_load %arg10[%get3A_273] {strides = array<i32>} : memref<4096xf32, #tpu.memory_space<vmem>>, vector<16xf32>,
        %mul3A_275 = arith.constant 16 : i32
        %mul3A_276 = arith.muli %scan3A_270, %mul3A_275 : i32
        %get3A_277 = arith.index_cast %mul3A_276 : i32 to index
        %get3A_278 = tpu.vector_load %arg13[%get3A_277] {strides = array<i32>} : memref<4096xf32, #tpu.memory_space<vmem>>, vector<16xf32>,
        %add3A_279 = arith.addf %get3A_274, %get3A_278 : vector<16xf32>
        %mul3A_280 = arith.constant 16 : i32
        %mul3A_281 = arith.muli %scan3A_270, %mul3A_280 : i32
        %swap3A_282 = arith.index_cast %mul3A_281 : i32 to index
        %swap3A_283 = tpu.vector_load %arg10[%swap3A_282] {strides = array<i32>} : memref<4096xf32, #tpu.memory_space<vmem>>, vector<16xf32>,
        tpu.vector_store %arg10[%swap3A_282], %add3A_279 {strides = array<i32>} : memref<4096xf32, #tpu.memory_space<vmem>>, vector<16xf32>,
        %scan3A_284 = arith.constant 0 : i32
        %scan3A_285 = arith.constant 3 : i32
        %scan3A_286 = arith.addi %scan3A_237, %scan3A_285 : i32
        %mul3A_287 = arith.constant 16 : i32
        %mul3A_288 = arith.muli %scan3A_286, %mul3A_287 : i32
        %get3A_289 = arith.index_cast %mul3A_288 : i32 to index
        %get3A_290 = tpu.vector_load %arg10[%get3A_289] {strides = array<i32>} : memref<4096xf32, #tpu.memory_space<vmem>>, vector<16xf32>,
        %mul3A_291 = arith.constant 16 : i32
        %mul3A_292 = arith.muli %scan3A_286, %mul3A_291 : i32
        %get3A_293 = arith.index_cast %mul3A_292 : i32 to index
        %get3A_294 = tpu.vector_load %arg13[%get3A_293] {strides = array<i32>} : memref<4096xf32, #tpu.memory_space<vmem>>, vector<16xf32>,
        %add3A_295 = arith.addf %get3A_290, %get3A_294 : vector<16xf32>
        %mul3A_296 = arith.constant 16 : i32
        %mul3A_297 = arith.muli %scan3A_286, %mul3A_296 : i32
        %swap3A_298 = arith.index_cast %mul3A_297 : i32 to index
        %swap3A_299 = tpu.vector_load %arg10[%swap3A_298] {strides = array<i32>} : memref<4096xf32, #tpu.memory_space<vmem>>, vector<16xf32>,
        tpu.vector_store %arg10[%swap3A_298], %add3A_295 {strides = array<i32>} : memref<4096xf32, #tpu.memory_space<vmem>>, vector<16xf32>,
        %scan3A_300 = arith.constant 0 : i32
        scf.yield %scan3A_300 : i32
      }
      %scan3A_193 = arith.constant 256 : i32
      %add3A_194 = arith.constant 1 : i32
      %add3A_195 = arith.addi %add3A_33, %add3A_194 : i32
      "tpu.region"() ({
        %run_scoped3A = tpu.sem_alloc : memref<!tpu.dma_semaphore, #tpu.memory_space<semaphore_mem>>
        %dma_start3A_237 = arith.constant 4096 : i32
        %dma_start3A_238 = tpu.memref_slice %arg5[%add3A_195, %dma_start3A_237] : memref<32x12304xf32, #tpu.memory_space<hbm>> -> memref<1x4096xf32, #tpu.memory_space<hbm>>
        %dma_start3A_239 = tpu.memref_squeeze %dma_start3A_238 : memref<1x4096xf32, #tpu.memory_space<hbm>> -> memref<4096xf32, #tpu.memory_space<hbm>>
        %dma_start3A_240 = arith.constant 4096 : i32
        %dma_start3A_241 = tpu.memref_slice %arg5[%add3A_195, %dma_start3A_240] : memref<32x12304xf32, #tpu.memory_space<hbm>> -> memref<1x4096xf32, #tpu.memory_space<hbm>>
        %dma_start3A_242 = tpu.memref_squeeze %dma_start3A_241 : memref<1x4096xf32, #tpu.memory_space<hbm>> -> memref<4096xf32, #tpu.memory_space<hbm>>
        tpu.enqueue_dma source(%dma_start3A_242 : memref<4096xf32, #tpu.memory_space<hbm>>) target(%arg13 : memref<4096xf32, #tpu.memory_space<vmem>>) target_semaphore(%run_scoped3A : memref<!tpu.dma_semaphore, #tpu.memory_space<semaphore_mem>>)
        %dma_wait3A_243 = arith.constant 4096 : i32
        %dma_wait3A_244 = tpu.memref_slice %arg5[%add3A_195, %dma_wait3A_243] : memref<32x12304xf32, #tpu.memory_space<hbm>> -> memref<1x4096xf32, #tpu.memory_space<hbm>>
        %dma_wait3A_245 = tpu.memref_squeeze %dma_wait3A_244 : memref<1x4096xf32, #tpu.memory_space<hbm>> -> memref<4096xf32, #tpu.memory_space<hbm>>
        %dma_wait3A_246 = arith.constant 4096 : i32
        %dma_wait3A_247 = tpu.memref_slice %arg5[%add3A_195, %dma_wait3A_246] : memref<32x12304xf32, #tpu.memory_space<hbm>> -> memref<1x4096xf32, #tpu.memory_space<hbm>>
        %dma_wait3A_248 = tpu.memref_squeeze %dma_wait3A_247 : memref<1x4096xf32, #tpu.memory_space<hbm>> -> memref<4096xf32, #tpu.memory_space<hbm>>
        tpu.wait_dma2 semaphore(%run_scoped3A : memref<!tpu.dma_semaphore, #tpu.memory_space<semaphore_mem>>) src(%dma_wait3A_248 : memref<4096xf32, #tpu.memory_space<hbm>>) dst(%arg13 : memref<4096xf32, #tpu.memory_space<vmem>>)
        tpu.yield
      }) : () -> ()
      %scan3A_196 = arith.constant 0 : i32
      %scan3A_197 = arith.constant 0 : i32
      %scan3A_198 = arith.constant 256 : i32
      %scan3A_199 = arith.addi %scan3A_197, %scan3A_198 : i32
      %scan3A_200 = arith.constant 4 : i32
      %scan3A_201 = scf.for %scan3A_237 = %scan3A_197 to %scan3A_199 step %scan3A_200 iter_args(%scan3A_238 = %scan3A_196) -> (i32)  : i32 {
        %mul3A_239 = arith.constant 16 : i32
        %mul3A_240 = arith.muli %scan3A_237, %mul3A_239 : i32
        %get3A_241 = arith.index_cast %mul3A_240 : i32 to index
        %get3A_242 = tpu.vector_load %arg11[%get3A_241] {strides = array<i32>} : memref<4096xf32, #tpu.memory_space<vmem>>, vector<16xf32>,
        %mul3A_243 = arith.constant 16 : i32
        %mul3A_244 = arith.muli %scan3A_237, %mul3A_243 : i32
        %get3A_245 = arith.index_cast %mul3A_244 : i32 to index
        %get3A_246 = tpu.vector_load %arg13[%get3A_245] {strides = array<i32>} : memref<4096xf32, #tpu.memory_space<vmem>>, vector<16xf32>,
        %add3A_247 = arith.addf %get3A_242, %get3A_246 : vector<16xf32>
        %mul3A_248 = arith.constant 16 : i32
        %mul3A_249 = arith.muli %scan3A_237, %mul3A_248 : i32
        %swap3A_250 = arith.index_cast %mul3A_249 : i32 to index
        %swap3A_251 = tpu.vector_load %arg11[%swap3A_250] {strides = array<i32>} : memref<4096xf32, #tpu.memory_space<vmem>>, vector<16xf32>,
        tpu.vector_store %arg11[%swap3A_250], %add3A_247 {strides = array<i32>} : memref<4096xf32, #tpu.memory_space<vmem>>, vector<16xf32>,
        %scan3A_252 = arith.constant 0 : i32
        %scan3A_253 = arith.constant 1 : i32
        %scan3A_254 = arith.addi %scan3A_237, %scan3A_253 : i32
        %mul3A_255 = arith.constant 16 : i32
        %mul3A_256 = arith.muli %scan3A_254, %mul3A_255 : i32
        %get3A_257 = arith.index_cast %mul3A_256 : i32 to index
        %get3A_258 = tpu.vector_load %arg11[%get3A_257] {strides = array<i32>} : memref<4096xf32, #tpu.memory_space<vmem>>, vector<16xf32>,
        %mul3A_259 = arith.constant 16 : i32
        %mul3A_260 = arith.muli %scan3A_254, %mul3A_259 : i32
        %get3A_261 = arith.index_cast %mul3A_260 : i32 to index
        %get3A_262 = tpu.vector_load %arg13[%get3A_261] {strides = array<i32>} : memref<4096xf32, #tpu.memory_space<vmem>>, vector<16xf32>,
        %add3A_263 = arith.addf %get3A_258, %get3A_262 : vector<16xf32>
        %mul3A_264 = arith.constant 16 : i32
        %mul3A_265 = arith.muli %scan3A_254, %mul3A_264 : i32
        %swap3A_266 = arith.index_cast %mul3A_265 : i32 to index
        %swap3A_267 = tpu.vector_load %arg11[%swap3A_266] {strides = array<i32>} : memref<4096xf32, #tpu.memory_space<vmem>>, vector<16xf32>,
        tpu.vector_store %arg11[%swap3A_266], %add3A_263 {strides = array<i32>} : memref<4096xf32, #tpu.memory_space<vmem>>, vector<16xf32>,
        %scan3A_268 = arith.constant 0 : i32
        %scan3A_269 = arith.constant 2 : i32
        %scan3A_270 = arith.addi %scan3A_237, %scan3A_269 : i32
        %mul3A_271 = arith.constant 16 : i32
        %mul3A_272 = arith.muli %scan3A_270, %mul3A_271 : i32
        %get3A_273 = arith.index_cast %mul3A_272 : i32 to index
        %get3A_274 = tpu.vector_load %arg11[%get3A_273] {strides = array<i32>} : memref<4096xf32, #tpu.memory_space<vmem>>, vector<16xf32>,
        %mul3A_275 = arith.constant 16 : i32
        %mul3A_276 = arith.muli %scan3A_270, %mul3A_275 : i32
        %get3A_277 = arith.index_cast %mul3A_276 : i32 to index
        %get3A_278 = tpu.vector_load %arg13[%get3A_277] {strides = array<i32>} : memref<4096xf32, #tpu.memory_space<vmem>>, vector<16xf32>,
        %add3A_279 = arith.addf %get3A_274, %get3A_278 : vector<16xf32>
        %mul3A_280 = arith.constant 16 : i32
        %mul3A_281 = arith.muli %scan3A_270, %mul3A_280 : i32
        %swap3A_282 = arith.index_cast %mul3A_281 : i32 to index
        %swap3A_283 = tpu.vector_load %arg11[%swap3A_282] {strides = array<i32>} : memref<4096xf32, #tpu.memory_space<vmem>>, vector<16xf32>,
        tpu.vector_store %arg11[%swap3A_282], %add3A_279 {strides = array<i32>} : memref<4096xf32, #tpu.memory_space<vmem>>, vector<16xf32>,
        %scan3A_284 = arith.constant 0 : i32
        %scan3A_285 = arith.constant 3 : i32
        %scan3A_286 = arith.addi %scan3A_237, %scan3A_285 : i32
        %mul3A_287 = arith.constant 16 : i32
        %mul3A_288 = arith.muli %scan3A_286, %mul3A_287 : i32
        %get3A_289 = arith.index_cast %mul3A_288 : i32 to index
        %get3A_290 = tpu.vector_load %arg11[%get3A_289] {strides = array<i32>} : memref<4096xf32, #tpu.memory_space<vmem>>, vector<16xf32>,
        %mul3A_291 = arith.constant 16 : i32
        %mul3A_292 = arith.muli %scan3A_286, %mul3A_291 : i32
        %get3A_293 = arith.index_cast %mul3A_292 : i32 to index
        %get3A_294 = tpu.vector_load %arg13[%get3A_293] {strides = array<i32>} : memref<4096xf32, #tpu.memory_space<vmem>>, vector<16xf32>,
        %add3A_295 = arith.addf %get3A_290, %get3A_294 : vector<16xf32>
        %mul3A_296 = arith.constant 16 : i32
        %mul3A_297 = arith.muli %scan3A_286, %mul3A_296 : i32
        %swap3A_298 = arith.index_cast %mul3A_297 : i32 to index
        %swap3A_299 = tpu.vector_load %arg11[%swap3A_298] {strides = array<i32>} : memref<4096xf32, #tpu.memory_space<vmem>>, vector<16xf32>,
        tpu.vector_store %arg11[%swap3A_298], %add3A_295 {strides = array<i32>} : memref<4096xf32, #tpu.memory_space<vmem>>, vector<16xf32>,
        %scan3A_300 = arith.constant 0 : i32
        scf.yield %scan3A_300 : i32
      }
      %scan3A_202 = arith.constant 256 : i32
      %add3A_203 = arith.constant 1 : i32
      %add3A_204 = arith.addi %add3A_33, %add3A_203 : i32
      "tpu.region"() ({
        %run_scoped3A = tpu.sem_alloc : memref<!tpu.dma_semaphore, #tpu.memory_space<semaphore_mem>>
        %dma_start3A_237 = arith.constant 8192 : i32
        %dma_start3A_238 = tpu.memref_slice %arg5[%add3A_204, %dma_start3A_237] : memref<32x12304xf32, #tpu.memory_space<hbm>> -> memref<1x4096xf32, #tpu.memory_space<hbm>>
        %dma_start3A_239 = tpu.memref_squeeze %dma_start3A_238 : memref<1x4096xf32, #tpu.memory_space<hbm>> -> memref<4096xf32, #tpu.memory_space<hbm>>
        %dma_start3A_240 = arith.constant 8192 : i32
        %dma_start3A_241 = tpu.memref_slice %arg5[%add3A_204, %dma_start3A_240] : memref<32x12304xf32, #tpu.memory_space<hbm>> -> memref<1x4096xf32, #tpu.memory_space<hbm>>
        %dma_start3A_242 = tpu.memref_squeeze %dma_start3A_241 : memref<1x4096xf32, #tpu.memory_space<hbm>> -> memref<4096xf32, #tpu.memory_space<hbm>>
        tpu.enqueue_dma source(%dma_start3A_242 : memref<4096xf32, #tpu.memory_space<hbm>>) target(%arg13 : memref<4096xf32, #tpu.memory_space<vmem>>) target_semaphore(%run_scoped3A : memref<!tpu.dma_semaphore, #tpu.memory_space<semaphore_mem>>)
        %dma_wait3A_243 = arith.constant 8192 : i32
        %dma_wait3A_244 = tpu.memref_slice %arg5[%add3A_204, %dma_wait3A_243] : memref<32x12304xf32, #tpu.memory_space<hbm>> -> memref<1x4096xf32, #tpu.memory_space<hbm>>
        %dma_wait3A_245 = tpu.memref_squeeze %dma_wait3A_244 : memref<1x4096xf32, #tpu.memory_space<hbm>> -> memref<4096xf32, #tpu.memory_space<hbm>>
        %dma_wait3A_246 = arith.constant 8192 : i32
        %dma_wait3A_247 = tpu.memref_slice %arg5[%add3A_204, %dma_wait3A_246] : memref<32x12304xf32, #tpu.memory_space<hbm>> -> memref<1x4096xf32, #tpu.memory_space<hbm>>
        %dma_wait3A_248 = tpu.memref_squeeze %dma_wait3A_247 : memref<1x4096xf32, #tpu.memory_space<hbm>> -> memref<4096xf32, #tpu.memory_space<hbm>>
        tpu.wait_dma2 semaphore(%run_scoped3A : memref<!tpu.dma_semaphore, #tpu.memory_space<semaphore_mem>>) src(%dma_wait3A_248 : memref<4096xf32, #tpu.memory_space<hbm>>) dst(%arg13 : memref<4096xf32, #tpu.memory_space<vmem>>)
        tpu.yield
      }) : () -> ()
      %scan3A_205 = arith.constant 0 : i32
      %scan3A_206 = arith.constant 0 : i32
      %scan3A_207 = arith.constant 256 : i32
      %scan3A_208 = arith.addi %scan3A_206, %scan3A_207 : i32
      %scan3A_209 = arith.constant 4 : i32
      %scan3A_210 = scf.for %scan3A_237 = %scan3A_206 to %scan3A_208 step %scan3A_209 iter_args(%scan3A_238 = %scan3A_205) -> (i32)  : i32 {
        %mul3A_239 = arith.constant 16 : i32
        %mul3A_240 = arith.muli %scan3A_237, %mul3A_239 : i32
        %get3A_241 = arith.index_cast %mul3A_240 : i32 to index
        %get3A_242 = tpu.vector_load %arg12[%get3A_241] {strides = array<i32>} : memref<4096xf32, #tpu.memory_space<vmem>>, vector<16xf32>,
        %mul3A_243 = arith.constant 16 : i32
        %mul3A_244 = arith.muli %scan3A_237, %mul3A_243 : i32
        %get3A_245 = arith.index_cast %mul3A_244 : i32 to index
        %get3A_246 = tpu.vector_load %arg13[%get3A_245] {strides = array<i32>} : memref<4096xf32, #tpu.memory_space<vmem>>, vector<16xf32>,
        %add3A_247 = arith.addf %get3A_242, %get3A_246 : vector<16xf32>
        %mul3A_248 = arith.constant 16 : i32
        %mul3A_249 = arith.muli %scan3A_237, %mul3A_248 : i32
        %swap3A_250 = arith.index_cast %mul3A_249 : i32 to index
        %swap3A_251 = tpu.vector_load %arg12[%swap3A_250] {strides = array<i32>} : memref<4096xf32, #tpu.memory_space<vmem>>, vector<16xf32>,
        tpu.vector_store %arg12[%swap3A_250], %add3A_247 {strides = array<i32>} : memref<4096xf32, #tpu.memory_space<vmem>>, vector<16xf32>,
        %scan3A_252 = arith.constant 0 : i32
        %scan3A_253 = arith.constant 1 : i32
        %scan3A_254 = arith.addi %scan3A_237, %scan3A_253 : i32
        %mul3A_255 = arith.constant 16 : i32
        %mul3A_256 = arith.muli %scan3A_254, %mul3A_255 : i32
        %get3A_257 = arith.index_cast %mul3A_256 : i32 to index
        %get3A_258 = tpu.vector_load %arg12[%get3A_257] {strides = array<i32>} : memref<4096xf32, #tpu.memory_space<vmem>>, vector<16xf32>,
        %mul3A_259 = arith.constant 16 : i32
        %mul3A_260 = arith.muli %scan3A_254, %mul3A_259 : i32
        %get3A_261 = arith.index_cast %mul3A_260 : i32 to index
        %get3A_262 = tpu.vector_load %arg13[%get3A_261] {strides = array<i32>} : memref<4096xf32, #tpu.memory_space<vmem>>, vector<16xf32>,
        %add3A_263 = arith.addf %get3A_258, %get3A_262 : vector<16xf32>
        %mul3A_264 = arith.constant 16 : i32
        %mul3A_265 = arith.muli %scan3A_254, %mul3A_264 : i32
        %swap3A_266 = arith.index_cast %mul3A_265 : i32 to index
        %swap3A_267 = tpu.vector_load %arg12[%swap3A_266] {strides = array<i32>} : memref<4096xf32, #tpu.memory_space<vmem>>, vector<16xf32>,
        tpu.vector_store %arg12[%swap3A_266], %add3A_263 {strides = array<i32>} : memref<4096xf32, #tpu.memory_space<vmem>>, vector<16xf32>,
        %scan3A_268 = arith.constant 0 : i32
        %scan3A_269 = arith.constant 2 : i32
        %scan3A_270 = arith.addi %scan3A_237, %scan3A_269 : i32
        %mul3A_271 = arith.constant 16 : i32
        %mul3A_272 = arith.muli %scan3A_270, %mul3A_271 : i32
        %get3A_273 = arith.index_cast %mul3A_272 : i32 to index
        %get3A_274 = tpu.vector_load %arg12[%get3A_273] {strides = array<i32>} : memref<4096xf32, #tpu.memory_space<vmem>>, vector<16xf32>,
        %mul3A_275 = arith.constant 16 : i32
        %mul3A_276 = arith.muli %scan3A_270, %mul3A_275 : i32
        %get3A_277 = arith.index_cast %mul3A_276 : i32 to index
        %get3A_278 = tpu.vector_load %arg13[%get3A_277] {strides = array<i32>} : memref<4096xf32, #tpu.memory_space<vmem>>, vector<16xf32>,
        %add3A_279 = arith.addf %get3A_274, %get3A_278 : vector<16xf32>
        %mul3A_280 = arith.constant 16 : i32
        %mul3A_281 = arith.muli %scan3A_270, %mul3A_280 : i32
        %swap3A_282 = arith.index_cast %mul3A_281 : i32 to index
        %swap3A_283 = tpu.vector_load %arg12[%swap3A_282] {strides = array<i32>} : memref<4096xf32, #tpu.memory_space<vmem>>, vector<16xf32>,
        tpu.vector_store %arg12[%swap3A_282], %add3A_279 {strides = array<i32>} : memref<4096xf32, #tpu.memory_space<vmem>>, vector<16xf32>,
        %scan3A_284 = arith.constant 0 : i32
        %scan3A_285 = arith.constant 3 : i32
        %scan3A_286 = arith.addi %scan3A_237, %scan3A_285 : i32
        %mul3A_287 = arith.constant 16 : i32
        %mul3A_288 = arith.muli %scan3A_286, %mul3A_287 : i32
        %get3A_289 = arith.index_cast %mul3A_288 : i32 to index
        %get3A_290 = tpu.vector_load %arg12[%get3A_289] {strides = array<i32>} : memref<4096xf32, #tpu.memory_space<vmem>>, vector<16xf32>,
        %mul3A_291 = arith.constant 16 : i32
        %mul3A_292 = arith.muli %scan3A_286, %mul3A_291 : i32
        %get3A_293 = arith.index_cast %mul3A_292 : i32 to index
        %get3A_294 = tpu.vector_load %arg13[%get3A_293] {strides = array<i32>} : memref<4096xf32, #tpu.memory_space<vmem>>, vector<16xf32>,
        %add3A_295 = arith.addf %get3A_290, %get3A_294 : vector<16xf32>
        %mul3A_296 = arith.constant 16 : i32
        %mul3A_297 = arith.muli %scan3A_286, %mul3A_296 : i32
        %swap3A_298 = arith.index_cast %mul3A_297 : i32 to index
        %swap3A_299 = tpu.vector_load %arg12[%swap3A_298] {strides = array<i32>} : memref<4096xf32, #tpu.memory_space<vmem>>, vector<16xf32>,
        tpu.vector_store %arg12[%swap3A_298], %add3A_295 {strides = array<i32>} : memref<4096xf32, #tpu.memory_space<vmem>>, vector<16xf32>,
        %scan3A_300 = arith.constant 0 : i32
        scf.yield %scan3A_300 : i32
      }
      %scan3A_211 = arith.constant 256 : i32
      %add3A_212 = arith.constant 1 : i32
      %add3A_213 = arith.addi %add3A_33, %add3A_212 : i32
      "tpu.region"() ({
        %run_scoped3A = tpu.sem_alloc : memref<!tpu.dma_semaphore, #tpu.memory_space<semaphore_mem>>
        %dma_start3A_237 = arith.constant 12288 : i32
        %dma_start3A_238 = tpu.memref_slice %arg5[%add3A_213, %dma_start3A_237] : memref<32x12304xf32, #tpu.memory_space<hbm>> -> memref<1x16xf32, #tpu.memory_space<hbm>>
        %dma_start3A_239 = tpu.memref_squeeze %dma_start3A_238 : memref<1x16xf32, #tpu.memory_space<hbm>> -> memref<16xf32, #tpu.memory_space<hbm>>
        %dma_start3A_240 = arith.constant 12288 : i32
        %dma_start3A_241 = tpu.memref_slice %arg5[%add3A_213, %dma_start3A_240] : memref<32x12304xf32, #tpu.memory_space<hbm>> -> memref<1x16xf32, #tpu.memory_space<hbm>>
        %dma_start3A_242 = tpu.memref_squeeze %dma_start3A_241 : memref<1x16xf32, #tpu.memory_space<hbm>> -> memref<16xf32, #tpu.memory_space<hbm>>
        tpu.enqueue_dma source(%dma_start3A_242 : memref<16xf32, #tpu.memory_space<hbm>>) target(%arg14 : memref<16xf32, #tpu.memory_space<vmem>>) target_semaphore(%run_scoped3A : memref<!tpu.dma_semaphore, #tpu.memory_space<semaphore_mem>>)
        %dma_wait3A_243 = arith.constant 12288 : i32
        %dma_wait3A_244 = tpu.memref_slice %arg5[%add3A_213, %dma_wait3A_243] : memref<32x12304xf32, #tpu.memory_space<hbm>> -> memref<1x16xf32, #tpu.memory_space<hbm>>
        %dma_wait3A_245 = tpu.memref_squeeze %dma_wait3A_244 : memref<1x16xf32, #tpu.memory_space<hbm>> -> memref<16xf32, #tpu.memory_space<hbm>>
        %dma_wait3A_246 = arith.constant 12288 : i32
        %dma_wait3A_247 = tpu.memref_slice %arg5[%add3A_213, %dma_wait3A_246] : memref<32x12304xf32, #tpu.memory_space<hbm>> -> memref<1x16xf32, #tpu.memory_space<hbm>>
        %dma_wait3A_248 = tpu.memref_squeeze %dma_wait3A_247 : memref<1x16xf32, #tpu.memory_space<hbm>> -> memref<16xf32, #tpu.memory_space<hbm>>
        tpu.wait_dma2 semaphore(%run_scoped3A : memref<!tpu.dma_semaphore, #tpu.memory_space<semaphore_mem>>) src(%dma_wait3A_248 : memref<16xf32, #tpu.memory_space<hbm>>) dst(%arg14 : memref<16xf32, #tpu.memory_space<vmem>>)
        tpu.yield
      }) : () -> ()
      %reduce_sum3A = arith.constant true
      %reduce_sum3A_214 = vector.broadcast %reduce_sum3A : i1 to vector<16xi1>
      %reduce_sum3A_215 = tpu.scan <sum>, %add3A_176 masked %reduce_sum3A_214 : vector<16xf32>, vector<16xi1> -> vector<16xf32>
      %reduce_sum3A_216 = vector.extract %reduce_sum3A_215[15] : f32 from vector<16xf32>
      %get3A = arith.constant 0 : index
      %get3A_217 = tpu.vector_load %arg14[%get3A] {strides = array<i32>} : memref<16xf32, #tpu.memory_space<vmem>>, vector<16xf32>,
      %reduce_sum3A_218 = arith.constant true
      %reduce_sum3A_219 = vector.broadcast %reduce_sum3A_218 : i1 to vector<16xi1>
      %reduce_sum3A_220 = tpu.scan <sum>, %get3A_217 masked %reduce_sum3A_219 : vector<16xf32>, vector<16xi1> -> vector<16xf32>
      %reduce_sum3A_221 = vector.extract %reduce_sum3A_220[15] : f32 from vector<16xf32>
      %add3A_222 = arith.addf %reduce_sum3A_216, %reduce_sum3A_221 : f32
      %scan3A_223 = arith.constant 0.000000e+00 : f32
      %scan3A_224 = arith.constant 0.000000e+00 : f32
      %scan3A_225 = arith.constant 0 : i32
      %scan3A_226 = arith.constant 256 : i32
      %scan3A_227 = arith.addi %scan3A_225, %scan3A_226 : i32
      %scan3A_228 = arith.constant 2 : i32
      %scan3A_229:3 = scf.for %scan3A_237 = %scan3A_225 to %scan3A_227 step %scan3A_228 iter_args(%scan3A_238 = %scan3A_223, %scan3A_239 = %scan3A_224, %scan3A_240 = %broadcast_in_dim3A_34) -> (f32, f32, vector<16xf32>)  : i32 {
        %add3A_241 = arith.constant 1 : i32
        %add3A_242 = arith.addi %scan3A_237, %add3A_241 : i32
        %mul3A_243 = arith.constant 16 : i32
        %mul3A_244 = arith.muli %add3A_242, %mul3A_243 : i32
        %sub3A_245 = arith.constant 4096 : i32
        %sub3A_246 = arith.subi %sub3A_245, %mul3A_244 : i32
        %get3A_247 = arith.index_cast %sub3A_246 : i32 to index
        %get3A_248 = tpu.vector_load %arg10[%get3A_247] {strides = array<i32>} : memref<4096xf32, #tpu.memory_space<vmem>>, vector<16xf32>,
        %get3A_249 = arith.index_cast %sub3A_246 : i32 to index
        %get3A_250 = tpu.vector_load %arg11[%get3A_249] {strides = array<i32>} : memref<4096xf32, #tpu.memory_space<vmem>>, vector<16xf32>,
        %get3A_251 = arith.index_cast %sub3A_246 : i32 to index
        %get3A_252 = tpu.vector_load %arg12[%get3A_251] {strides = array<i32>} : memref<4096xf32, #tpu.memory_space<vmem>>, vector<16xf32>,
        %broadcast_in_dim3A_253 = arith.constant true
        %broadcast_in_dim3A_254 = vector.broadcast %broadcast_in_dim3A_253 : i1 to vector<16xi1>
        %masked_cumsum3A = tpu.scan <sum>, %get3A_248 masked %broadcast_in_dim3A_254 : vector<16xf32>, vector<16xi1> -> vector<16xf32>
        %broadcast_in_dim3A_255 = arith.constant true
        %broadcast_in_dim3A_256 = vector.broadcast %broadcast_in_dim3A_255 : i1 to vector<16xi1>
        %masked_cumsum3A_257 = tpu.scan <sum>, %get3A_250 masked %broadcast_in_dim3A_256 : vector<16xf32>, vector<16xi1> -> vector<16xf32>
        %reduce_sum3A_258 = arith.constant true
        %reduce_sum3A_259 = vector.broadcast %reduce_sum3A_258 : i1 to vector<16xi1>
        %reduce_sum3A_260 = tpu.scan <sum>, %get3A_248 masked %reduce_sum3A_259 : vector<16xf32>, vector<16xi1> -> vector<16xf32>
        %reduce_sum3A_261 = vector.extract %reduce_sum3A_260[15] : f32 from vector<16xf32>
        %reduce_sum3A_262 = arith.constant true
        %reduce_sum3A_263 = vector.broadcast %reduce_sum3A_262 : i1 to vector<16xi1>
        %reduce_sum3A_264 = tpu.scan <sum>, %get3A_250 masked %reduce_sum3A_263 : vector<16xf32>, vector<16xi1> -> vector<16xf32>
        %reduce_sum3A_265 = vector.extract %reduce_sum3A_264[15] : f32 from vector<16xf32>
        %sub3A_266 = vector.broadcast %reduce_sum3A_261 : f32 to vector<16xf32>
        %sub3A_267 = arith.subf %sub3A_266, %masked_cumsum3A : vector<16xf32>
        %add3A_268 = vector.broadcast %scan3A_238 : f32 to vector<16xf32>
        %add3A_269 = arith.addf %add3A_268, %sub3A_267 : vector<16xf32>
        %sub3A_270 = vector.broadcast %reduce_sum3A_265 : f32 to vector<16xf32>
        %sub3A_271 = arith.subf %sub3A_270, %masked_cumsum3A_257 : vector<16xf32>
        %add3A_272 = vector.broadcast %scan3A_239 : f32 to vector<16xf32>
        %add3A_273 = arith.addf %add3A_272, %sub3A_271 : vector<16xf32>
        %add3A_274 = arith.addf %add3A_269, %get3A_248 : vector<16xf32>
        %add3A_275 = arith.addf %add3A_273, %get3A_250 : vector<16xf32>
        %lt3A_276 = arith.constant 5.000000e-01 : f32
        %lt3A_277 = vector.broadcast %lt3A_276 : f32 to vector<16xf32>
        %lt3A_278 = arith.cmpf olt, %add3A_269, %lt3A_277 : vector<16xf32>
        %sub3A_279 = vector.broadcast %add3A_222 : f32 to vector<16xf32>
        %sub3A_280 = arith.subf %sub3A_279, %add3A_273 : vector<16xf32>
        %add3A_281 = vector.broadcast %add3A_222 : f32 to vector<16xf32>
        %add3A_282 = arith.addf %add3A_281, %add3A_269 : vector<16xf32>
        %sub3A_283 = arith.subf %add3A_282, %add3A_273 : vector<16xf32>
        %max3A = arith.constant 1.000000e+00 : f32
        %max3A_284 = vector.broadcast %max3A : f32 to vector<16xf32>
        %max3A_285 = arith.maximumf %sub3A_283, %max3A_284 : vector<16xf32>
        %div3A_286 = arith.divf %sub3A_280, %max3A_285 : vector<16xf32>
        %sub3A_287 = arith.constant 1.000000e+00 : f32
        %sub3A_288 = vector.broadcast %sub3A_287 : f32 to vector<16xf32>
        %sub3A_289 = arith.subf %sub3A_288, %div3A_286 : vector<16xf32>
        %jit3A_290 = arith.constant 0.000000e+00 : f32
        %broadcast_in_dim3A_291 = vector.broadcast %jit3A_290 : f32 to vector<16xf32>
        %select_n3A_292 = arith.select %lt3A_278, %broadcast_in_dim3A_291, %sub3A_289 : vector<16xi1>, vector<16xf32>
        %lt3A_293 = arith.constant 5.000000e-01 : f32
        %lt3A_294 = vector.broadcast %lt3A_293 : f32 to vector<16xf32>
        %lt3A_295 = arith.cmpf olt, %add3A_274, %lt3A_294 : vector<16xf32>
        %sub3A_296 = vector.broadcast %add3A_222 : f32 to vector<16xf32>
        %sub3A_297 = arith.subf %sub3A_296, %add3A_275 : vector<16xf32>
        %add3A_298 = vector.broadcast %add3A_222 : f32 to vector<16xf32>
        %add3A_299 = arith.addf %add3A_298, %add3A_274 : vector<16xf32>
        %sub3A_300 = arith.subf %add3A_299, %add3A_275 : vector<16xf32>
        %max3A_301 = arith.constant 1.000000e+00 : f32
        %max3A_302 = vector.broadcast %max3A_301 : f32 to vector<16xf32>
        %max3A_303 = arith.maximumf %sub3A_300, %max3A_302 : vector<16xf32>
        %div3A_304 = arith.divf %sub3A_297, %max3A_303 : vector<16xf32>
        %sub3A_305 = arith.constant 1.000000e+00 : f32
        %sub3A_306 = vector.broadcast %sub3A_305 : f32 to vector<16xf32>
        %sub3A_307 = arith.subf %sub3A_306, %div3A_304 : vector<16xf32>
        %jit3A_308 = arith.constant 0.000000e+00 : f32
        %broadcast_in_dim3A_309 = vector.broadcast %jit3A_308 : f32 to vector<16xf32>
        %select_n3A_310 = arith.select %lt3A_295, %broadcast_in_dim3A_309, %sub3A_307 : vector<16xi1>, vector<16xf32>
        %max3A_311 = arith.constant 1.000000e+00 : f32
        %max3A_312 = vector.broadcast %max3A_311 : f32 to vector<16xf32>
        %max3A_313 = arith.maximumf %get3A_248, %max3A_312 : vector<16xf32>
        %div3A_314 = arith.divf %get3A_252, %max3A_313 : vector<16xf32>
        %sub3A_315 = arith.subf %select_n3A_310, %select_n3A_292 : vector<16xf32>
        %mul3A_316 = arith.mulf %div3A_314, %sub3A_315 : vector<16xf32>
        %add3A_317 = arith.addf %scan3A_240, %mul3A_316 : vector<16xf32>
        %add3A_318 = arith.addf %scan3A_238, %reduce_sum3A_261 : f32
        %add3A_319 = arith.addf %scan3A_239, %reduce_sum3A_265 : f32
        %scan3A_320 = arith.constant 1 : i32
        %scan3A_321 = arith.addi %scan3A_237, %scan3A_320 : i32
        %add3A_322 = arith.constant 1 : i32
        %add3A_323 = arith.addi %scan3A_321, %add3A_322 : i32
        %mul3A_324 = arith.constant 16 : i32
        %mul3A_325 = arith.muli %add3A_323, %mul3A_324 : i32
        %sub3A_326 = arith.constant 4096 : i32
        %sub3A_327 = arith.subi %sub3A_326, %mul3A_325 : i32
        %get3A_328 = arith.index_cast %sub3A_327 : i32 to index
        %get3A_329 = tpu.vector_load %arg10[%get3A_328] {strides = array<i32>} : memref<4096xf32, #tpu.memory_space<vmem>>, vector<16xf32>,
        %get3A_330 = arith.index_cast %sub3A_327 : i32 to index
        %get3A_331 = tpu.vector_load %arg11[%get3A_330] {strides = array<i32>} : memref<4096xf32, #tpu.memory_space<vmem>>, vector<16xf32>,
        %get3A_332 = arith.index_cast %sub3A_327 : i32 to index
        %get3A_333 = tpu.vector_load %arg12[%get3A_332] {strides = array<i32>} : memref<4096xf32, #tpu.memory_space<vmem>>, vector<16xf32>,
        %broadcast_in_dim3A_334 = arith.constant true
        %broadcast_in_dim3A_335 = vector.broadcast %broadcast_in_dim3A_334 : i1 to vector<16xi1>
        %masked_cumsum3A_336 = tpu.scan <sum>, %get3A_329 masked %broadcast_in_dim3A_335 : vector<16xf32>, vector<16xi1> -> vector<16xf32>
        %broadcast_in_dim3A_337 = arith.constant true
        %broadcast_in_dim3A_338 = vector.broadcast %broadcast_in_dim3A_337 : i1 to vector<16xi1>
        %masked_cumsum3A_339 = tpu.scan <sum>, %get3A_331 masked %broadcast_in_dim3A_338 : vector<16xf32>, vector<16xi1> -> vector<16xf32>
        %reduce_sum3A_340 = arith.constant true
        %reduce_sum3A_341 = vector.broadcast %reduce_sum3A_340 : i1 to vector<16xi1>
        %reduce_sum3A_342 = tpu.scan <sum>, %get3A_329 masked %reduce_sum3A_341 : vector<16xf32>, vector<16xi1> -> vector<16xf32>
        %reduce_sum3A_343 = vector.extract %reduce_sum3A_342[15] : f32 from vector<16xf32>
        %reduce_sum3A_344 = arith.constant true
        %reduce_sum3A_345 = vector.broadcast %reduce_sum3A_344 : i1 to vector<16xi1>
        %reduce_sum3A_346 = tpu.scan <sum>, %get3A_331 masked %reduce_sum3A_345 : vector<16xf32>, vector<16xi1> -> vector<16xf32>
        %reduce_sum3A_347 = vector.extract %reduce_sum3A_346[15] : f32 from vector<16xf32>
        %sub3A_348 = vector.broadcast %reduce_sum3A_343 : f32 to vector<16xf32>
        %sub3A_349 = arith.subf %sub3A_348, %masked_cumsum3A_336 : vector<16xf32>
        %add3A_350 = vector.broadcast %add3A_318 : f32 to vector<16xf32>
        %add3A_351 = arith.addf %add3A_350, %sub3A_349 : vector<16xf32>
        %sub3A_352 = vector.broadcast %reduce_sum3A_347 : f32 to vector<16xf32>
        %sub3A_353 = arith.subf %sub3A_352, %masked_cumsum3A_339 : vector<16xf32>
        %add3A_354 = vector.broadcast %add3A_319 : f32 to vector<16xf32>
        %add3A_355 = arith.addf %add3A_354, %sub3A_353 : vector<16xf32>
        %add3A_356 = arith.addf %add3A_351, %get3A_329 : vector<16xf32>
        %add3A_357 = arith.addf %add3A_355, %get3A_331 : vector<16xf32>
        %lt3A_358 = arith.constant 5.000000e-01 : f32
        %lt3A_359 = vector.broadcast %lt3A_358 : f32 to vector<16xf32>
        %lt3A_360 = arith.cmpf olt, %add3A_351, %lt3A_359 : vector<16xf32>
        %sub3A_361 = vector.broadcast %add3A_222 : f32 to vector<16xf32>
        %sub3A_362 = arith.subf %sub3A_361, %add3A_355 : vector<16xf32>
        %add3A_363 = vector.broadcast %add3A_222 : f32 to vector<16xf32>
        %add3A_364 = arith.addf %add3A_363, %add3A_351 : vector<16xf32>
        %sub3A_365 = arith.subf %add3A_364, %add3A_355 : vector<16xf32>
        %max3A_366 = arith.constant 1.000000e+00 : f32
        %max3A_367 = vector.broadcast %max3A_366 : f32 to vector<16xf32>
        %max3A_368 = arith.maximumf %sub3A_365, %max3A_367 : vector<16xf32>
        %div3A_369 = arith.divf %sub3A_362, %max3A_368 : vector<16xf32>
        %sub3A_370 = arith.constant 1.000000e+00 : f32
        %sub3A_371 = vector.broadcast %sub3A_370 : f32 to vector<16xf32>
        %sub3A_372 = arith.subf %sub3A_371, %div3A_369 : vector<16xf32>
        %jit3A_373 = arith.constant 0.000000e+00 : f32
        %broadcast_in_dim3A_374 = vector.broadcast %jit3A_373 : f32 to vector<16xf32>
        %select_n3A_375 = arith.select %lt3A_360, %broadcast_in_dim3A_374, %sub3A_372 : vector<16xi1>, vector<16xf32>
        %lt3A_376 = arith.constant 5.000000e-01 : f32
        %lt3A_377 = vector.broadcast %lt3A_376 : f32 to vector<16xf32>
        %lt3A_378 = arith.cmpf olt, %add3A_356, %lt3A_377 : vector<16xf32>
        %sub3A_379 = vector.broadcast %add3A_222 : f32 to vector<16xf32>
        %sub3A_380 = arith.subf %sub3A_379, %add3A_357 : vector<16xf32>
        %add3A_381 = vector.broadcast %add3A_222 : f32 to vector<16xf32>
        %add3A_382 = arith.addf %add3A_381, %add3A_356 : vector<16xf32>
        %sub3A_383 = arith.subf %add3A_382, %add3A_357 : vector<16xf32>
        %max3A_384 = arith.constant 1.000000e+00 : f32
        %max3A_385 = vector.broadcast %max3A_384 : f32 to vector<16xf32>
        %max3A_386 = arith.maximumf %sub3A_383, %max3A_385 : vector<16xf32>
        %div3A_387 = arith.divf %sub3A_380, %max3A_386 : vector<16xf32>
        %sub3A_388 = arith.constant 1.000000e+00 : f32
        %sub3A_389 = vector.broadcast %sub3A_388 : f32 to vector<16xf32>
        %sub3A_390 = arith.subf %sub3A_389, %div3A_387 : vector<16xf32>
        %jit3A_391 = arith.constant 0.000000e+00 : f32
        %broadcast_in_dim3A_392 = vector.broadcast %jit3A_391 : f32 to vector<16xf32>
        %select_n3A_393 = arith.select %lt3A_378, %broadcast_in_dim3A_392, %sub3A_390 : vector<16xi1>, vector<16xf32>
        %max3A_394 = arith.constant 1.000000e+00 : f32
        %max3A_395 = vector.broadcast %max3A_394 : f32 to vector<16xf32>
        %max3A_396 = arith.maximumf %get3A_329, %max3A_395 : vector<16xf32>
        %div3A_397 = arith.divf %get3A_333, %max3A_396 : vector<16xf32>
        %sub3A_398 = arith.subf %select_n3A_393, %select_n3A_375 : vector<16xf32>
        %mul3A_399 = arith.mulf %div3A_397, %sub3A_398 : vector<16xf32>
        %add3A_400 = arith.addf %add3A_317, %mul3A_399 : vector<16xf32>
        %add3A_401 = arith.addf %add3A_318, %reduce_sum3A_343 : f32
        %add3A_402 = arith.addf %add3A_319, %reduce_sum3A_347 : f32
        scf.yield %add3A_401, %add3A_402, %add3A_400 : f32, f32, vector<16xf32>
      }
      %scan3A_230 = arith.constant 256 : i32
      %reduce_sum3A_231 = arith.constant true
      %reduce_sum3A_232 = vector.broadcast %reduce_sum3A_231 : i1 to vector<16xi1>
      %reduce_sum3A_233 = tpu.scan <sum>, %scan3A_229#2 masked %reduce_sum3A_232 : vector<16xf32>, vector<16xi1> -> vector<16xf32>
      %reduce_sum3A_234 = vector.extract %reduce_sum3A_233[15] : f32 from vector<16xf32>
      %broadcast_in_dim3A_235 = vector.broadcast %reduce_sum3A_234 : f32 to vector<16xf32>
      %swap3A = arith.constant 0 : index
      %swap3A_236 = tpu.vector_load %arg14[%swap3A] {strides = array<i32>} : memref<16xf32, #tpu.memory_space<vmem>>, vector<16xf32>,
      tpu.vector_store %arg14[%swap3A], %broadcast_in_dim3A_235 {strides = array<i32>} : memref<16xf32, #tpu.memory_space<vmem>>, vector<16xf32>,
      "tpu.region"() ({
        %run_scoped3A = tpu.sem_alloc : memref<!tpu.dma_semaphore, #tpu.memory_space<semaphore_mem>>
        %dma_start3A_237 = arith.constant 0 : i32
        %dma_start3A_238 = tpu.memref_slice %arg4[%add3A, %dma_start3A_237] : memref<16x16xf32, #tpu.memory_space<hbm>> -> memref<1x16xf32, #tpu.memory_space<hbm>>
        %dma_start3A_239 = tpu.memref_squeeze %dma_start3A_238 : memref<1x16xf32, #tpu.memory_space<hbm>> -> memref<16xf32, #tpu.memory_space<hbm>>
        %dma_start3A_240 = arith.constant 0 : i32
        %dma_start3A_241 = tpu.memref_slice %arg4[%add3A, %dma_start3A_240] : memref<16x16xf32, #tpu.memory_space<hbm>> -> memref<1x16xf32, #tpu.memory_space<hbm>>
        %dma_start3A_242 = tpu.memref_squeeze %dma_start3A_241 : memref<1x16xf32, #tpu.memory_space<hbm>> -> memref<16xf32, #tpu.memory_space<hbm>>
        tpu.enqueue_dma source(%arg14 : memref<16xf32, #tpu.memory_space<vmem>>) target(%dma_start3A_242 : memref<16xf32, #tpu.memory_space<hbm>>) target_semaphore(%run_scoped3A : memref<!tpu.dma_semaphore, #tpu.memory_space<semaphore_mem>>)
        %dma_wait3A_243 = arith.constant 0 : i32
        %dma_wait3A_244 = tpu.memref_slice %arg4[%add3A, %dma_wait3A_243] : memref<16x16xf32, #tpu.memory_space<hbm>> -> memref<1x16xf32, #tpu.memory_space<hbm>>
        %dma_wait3A_245 = tpu.memref_squeeze %dma_wait3A_244 : memref<1x16xf32, #tpu.memory_space<hbm>> -> memref<16xf32, #tpu.memory_space<hbm>>
        %dma_wait3A_246 = arith.constant 0 : i32
        %dma_wait3A_247 = tpu.memref_slice %arg4[%add3A, %dma_wait3A_246] : memref<16x16xf32, #tpu.memory_space<hbm>> -> memref<1x16xf32, #tpu.memory_space<hbm>>
        %dma_wait3A_248 = tpu.memref_squeeze %dma_wait3A_247 : memref<1x16xf32, #tpu.memory_space<hbm>> -> memref<16xf32, #tpu.memory_space<hbm>>
        tpu.wait_dma2 semaphore(%run_scoped3A : memref<!tpu.dma_semaphore, #tpu.memory_space<semaphore_mem>>) src(%arg14 : memref<16xf32, #tpu.memory_space<vmem>>) dst(%dma_wait3A_248 : memref<16xf32, #tpu.memory_space<hbm>>)
        tpu.yield
      }) : () -> ()
    } else {
    }
    return
  }
}

</mosaic_0001>

<sc_bundles>
// kernel: kernel.3.cloned.1.call-start
scs
__scs_entry_jumppad:
0x0: {  	(pc) =	sbr.rel $0x88, $3  }
0x1: {  	(tag) =	ssettag $0x0;
	lr =	simm.s32 $0x1  }
0x2: {  	[smem:$0x3F9F] =	sst lr;
	_ =	strace $0xD0000000  }
0x3: {  	_ = 	snop  }
0x4: {  	_ = 	snop  }
0x5: {  	_ = 	snop  }
0x6: {  	_ = 	snop  }
0x7: {  	_ = 	snop  }
__scs_overlays_trampoline_lowered:
0x8: {  	[smem:$0x3FAE] =	sst s0  }
0x9: {  	[smem:$0x3FAF] =	sst s1  }
0xa: {  	[smem:$0x3FB0] =	sst s2  }
0xb: {  	[smem:$0x3FB1] =	sst s3  }
0xc: {  	[smem:$0x3FB2] =	sst s4  }
0xd: {  	[smem:$0x3FB3] =	sst s5  }
0xe: {  	[smem:$0x3FB4] =	sst s6  }
0xf: {  	[smem:$0x3FB5] =	sst s7  }
0x10: {  	[smem:$0x3FB6] =	sst s8  }
0x11: {  	[smem:$0x3FB7] =	sst s9;
	s0 =	simm.s32 @!p0 $0x0  }
0x12: {  	s1 =	sld [smem:$0x3F9D];
	s0 =	simm.s32 @p0 $0x1  }
0x13: {  	[smem:$0x3FB8] =	sst s0;
	s0 =	simm.s32 @!p1 $0x0  }
0x14: {  	s2 =	sld [smem:$0x3F9C];
	s0 =	simm.s32 @p1 $0x1  }
0x15: {  	[smem:$0x3FB9] =	sst s0;
	s0 =	simm.s32 @!p2 $0x0  }
0x16: {  	s3 =	sld [smem:$0x3FDB];
	s0 =	simm.s32 @p2 $0x1  }
0x17: {  	s4 =	simm.s32 $0x1BF5;
	[smem:$0x3FBB] =	sst s0  }
0x18: {  	s0 =	sld [smem:$0x3F9E];
	_ =	swait.ge [sflag:s4], $0x0  }
0x19: {  	s7 =	sld [smem:$0x3F9F]  }
0x1a: {  	s8 =	sadd.s32 $0xFFFFE003, lr  }
0x1b: {  	s9 =	sadd.s32 $0xFFFFFEF7, lr;
	s5 =	simm.s32 $0xFFFFFFFF;
	p2 =	slt.u32 s8, $0xFFFFF086  }
0x1c: {  	p1 =	slt.u32 s9, $0xF7A;
	s5 =	simm.s32 @!p2 $0x0  }
0x1d: {  	s5 =	simm.s32 @p1 $0x1;
	p0 =	seq.s32 s7, s2  }
0x1e: {  	s7 =	smul.u32 @!p0 $0xF7A, s2;
	p2 =	seq.s32 @!p0 s5, $0x0  }
0x1f: {  	s9 =	smul.u32 $0xF7A, s1;
	s8 =	simm.s32 @!p0 $0x1BF5;
	p2 =	por !p2, p0  }
0x20: {  	[sflag:s8] =	ssyncset.s32 @!p0 $0xFFFFF086;
	s6 =	sadd.s32 @!p0 s3, s7;
	s7 =	simm.s32 @!p0 $0x108  }
0x21: {  	s3 =	sadd.s32 s3, s9;
	s6 =	sadd.s32 @!p0 $0x88, s6;
	s7 =	simm.s32 @p2 $0x1082  }
0x22: {  	[simem:s7], [sflag:s8] =	dma.local @!p0 [hbm:s6], $0xF7A  }
0x23: {  	s9 =	sor.u32 $0xD0000000, s2;
	s6 =	simm.s32 $0x108;
	_ =	swait.ge @!p0 [sflag:s8], $0x0  }
0x24: {  	s3 =	sadd.s32 $0x88, s3;
	s6 =	simm.s32 @!p1 $0x1082;
	[sflag:s4] =	ssyncset.s32 $0xFFFFF086  }
0x25: {  	[simem:s6], [sflag:s4] =	dma.local [hbm:s3], $0xF7A  }
0x26: {  	[smem:$0x3F9F] =	sst s1;
	(tag) =	ssettag s2;
	_ =	strace s9  }
0x27: {  	s1 =	sld [smem:$0x3FAF]  }
0x28: {  	s2 =	sld [smem:$0x3FB0]  }
0x29: {  	s4 =	sld [smem:$0x3FB2]  }
0x2a: {  	p0 =	seq.s32 s5, $0x0;
	s5 =	sld [smem:$0x3FB3]  }
0x2b: {  	s6 =	sld [smem:$0x3FB4]  }
0x2c: {  	s7 =	sld [smem:$0x3FB5]  }
0x2d: {  	s3 =	simm.s32 $0x108;
	s8 =	sld [smem:$0x3FB6]  }
0x2e: {  	s3 =	simm.s32 @!p0 $0x1082;
	s9 =	sld [smem:$0x3FB7]  }
0x2f: {  	lr =	sadd.s32 s0, s3;
	s0 =	sld [smem:$0x3FAE]  }
0x30: {  	s3 =	sld [smem:$0x3FB1]  }
0x31: {  	[smem:$0x3FBA] =	sst s10  }
0x32: {  	s10 =	sld [smem:$0x3FB8];
	_ =	sdelay $0x3  }
0x33: {  	p0 =	seq.s32 s10, $0x1;
	s10 =	sld [smem:$0x3FBA];
	_ =	sdelay $0x3  }
0x34: {  	[smem:$0x3FBA] =	sst s10  }
0x35: {  	s10 =	sld [smem:$0x3FB9];
	_ =	sdelay $0x3  }
0x36: {  	p1 =	seq.s32 s10, $0x1;
	s10 =	sld [smem:$0x3FBA];
	_ =	sdelay $0x3  }
0x37: {  	[smem:$0x3FBA] =	sst s10  }
0x38: {  	s10 =	sld [smem:$0x3FBB]  }
0x39: {  	_ = 	snop;
	(pc) =	sbr.ind lr, $3  }
0x3a: {  	_ = 	snop  }
0x3b: {  	_ = 	snop  }
0x3c: {  	p2 =	seq.s32 s10, $0x1;
	s10 =	sld [smem:$0x3FBA]  }
0x3d: {  	_ =	shalt  }
0x3e: {  	_ =	shalt  }
0x3f: {  	_ =	shalt  }
0x40: {  	_ =	shalt  }
0x41: {  	_ =	shalt  }
0x42: {  	_ =	shalt  }
0x43: {  	_ =	shalt  }
0x44: {  	_ =	shalt  }
0x45: {  	_ =	shalt  }
0x46: {  	_ =	shalt  }
0x47: {  	_ =	shalt  }
0x48: {  	_ =	shalt  }
0x49: {  	_ =	shalt  }
0x4a: {  	_ =	shalt  }
0x4b: {  	_ =	shalt  }
0x4c: {  	_ =	shalt  }
0x4d: {  	_ =	shalt  }
0x4e: {  	_ =	shalt  }
0x4f: {  	_ =	shalt  }
0x50: {  	_ =	shalt  }
0x51: {  	_ =	shalt  }
0x52: {  	_ =	shalt  }
0x53: {  	_ =	shalt  }
0x54: {  	_ =	shalt  }
0x55: {  	_ =	shalt  }
0x56: {  	_ =	shalt  }
0x57: {  	_ =	shalt  }
0x58: {  	_ =	shalt  }
0x59: {  	_ =	shalt  }
0x5a: {  	_ =	shalt  }
0x5b: {  	_ =	shalt  }
0x5c: {  	_ =	shalt  }
0x5d: {  	_ =	shalt  }
0x5e: {  	_ =	shalt  }
0x5f: {  	_ =	shalt  }
0x60: {  	_ =	shalt  }
0x61: {  	_ =	shalt  }
0x62: {  	_ =	shalt  }
0x63: {  	_ =	shalt  }
0x64: {  	_ =	shalt  }
0x65: {  	_ =	shalt  }
0x66: {  	_ =	shalt  }
0x67: {  	_ =	shalt  }
0x68: {  	_ =	shalt  }
0x69: {  	_ =	shalt  }
0x6a: {  	_ =	shalt  }
0x6b: {  	_ =	shalt  }
0x6c: {  	_ =	shalt  }
0x6d: {  	_ =	shalt  }
0x6e: {  	_ =	shalt  }
0x6f: {  	_ =	shalt  }
0x70: {  	_ =	shalt  }
0x71: {  	_ =	shalt  }
0x72: {  	_ =	shalt  }
0x73: {  	_ =	shalt  }
0x74: {  	_ =	shalt  }
0x75: {  	_ =	shalt  }
0x76: {  	_ =	shalt  }
0x77: {  	_ =	shalt  }
0x78: {  	_ =	shalt  }
0x79: {  	_ =	shalt  }
0x7a: {  	_ =	shalt  }
0x7b: {  	_ =	shalt  }
0x7c: {  	_ =	shalt  }
0x7d: {  	_ =	shalt  }
0x7e: {  	_ =	shalt  }
0x7f: {  	_ =	shalt  }
0x80: {  	_ =	shalt  }
0x81: {  	_ =	shalt  }
0x82: {  	_ =	shalt  }
0x83: {  	_ =	shalt  }
0x84: {  	_ =	shalt  }
0x85: {  	_ =	shalt  }
0x86: {  	_ =	shalt  }
0x87: {  	_ =	shalt  }
.Lfunc_end0:
.L_simem_size_0:
called_computation_lowered:
.L_overlay_start_0:
0x88: {  	s2 =	sld [smem:$0x3FD9]  }
0x89: {  	s3 =	sld [smem:$0x3FFE];
	_ =	sdelay $0x1  }
0x8a: {  	s1 =	srdreg.scid  }
0x8b: {  	s0 =	sand.u32 $0x1, s1  }
0x8c: {  	s16 =	sshll.u32 s0, $0xA;
	s2 =	sadd.s32 s3, s2  }
0x8d: {  	s2 =	sadd.s32 s2, s16  }
0x8e: {  	[smem:$0x3FC6] =	sst s2  }
0x8f: {  	_ = 	snop  }
0x90: {  	(tm) =	ssettm $0x1  }
0x91: {  	s17 =	sld [smem:$0x3FFB];
	_ =	sdelay $0x3  }
0x92: {  	_ =	strace s17  }
0x93: {  	s2 =	sld [smem:$0x3FFC];
	_ =	sdelay $0x3  }
0x94: {  	_ =	strace s2  }
0x95: {  	s2 =	sld [smem:$0x3FFD];
	_ =	sdelay $0x3  }
0x96: {  	_ =	strace s2  }
0x97: {  	_ =	strace $0x8FFFFFFF  }
0x98: {  	s18 =	sld [smem:$0x3FDB];
	_ =	sdelay $0x1  }
0x99: {  	s19 =	simm.s32 $_scs_section_size  }
0x9a: {  	s4 =	simm.s32 $_size__tile_overlayer_lowered;
	s5 =	simm.s32 $_tile_overlayer_lowered  }
0x9b: {  	s22 =	simm.s32 $0x1BFF;
	s21 =	sshll.u32 s5, $0x1;
	s2 =	sadd.s32 s19, s18  }
0x9c: {  	s6 =	simm.s32 $0x0;
	s20 =	sshll.u32 s4, $0x1;
	s4 =	sadd.s32 s21, s2  }
0x9d: {  	[timem:s6], [sflag:s22] =	dma.local [hbm:s4], s20  }
0x9e: {  	_ =	swait.ge [sflag:s22], s20  }
0x9f: {  	s3 =	ssub.s32 $0x0, s20;
	[sflag:s22] =	ssyncset.done $0x0  }
0xa0: {  	[sflag:s22] =	ssyncadd.s32 s3;
	_ =	sdelay $0x1  }
0xa1: {  	s23 =	simm.s32 $0x1B8B  }
0xa2: {  	_ =	swait.ge [sflag:s23], $0x1  }
0xa3: {  	[sflag:s23] =	ssyncset.done $0x0  }
0xa4: {  	s25 =	simm.s32 $0x1B8E;
	s24 =	sld [smem:$0x3FFE];
	[sflag:s23] =	ssyncadd.s32 $0xFFFFFFFF  }
0xa5: {  	s26 =	simm.s32 $execute0_lowered;
	[smem:$0x3FD2] =	sst s25  }
0xa6: {  	s4 =	sshll.u32 s26, $0x1;
	_ =	strace $0x80000046;
	[dreg:$0x1] =	wrdreg $0xFFFFFFFF  }
0xa7: {  	s28 =	simm.s32 $_size_execute0_lowered;
	s2 =	sadd.s32 s2, s4;
	[dreg:$0x0] =	wrdreg $0x0  }
0xa8: {  	s4 =	sshll.u32 s28, $0x1;
	[dreg:$0x2] =	wrdreg s2  }
0xa9: {  	[dreg:$0x3] =	wrdreg s4  }
0xaa: {  	[dreg:$0x4] =	wrdreg $0xC0  }
0xab: {  	_ =	task [dreg:s6], $0x5FFFF  }
0xac: {  	[dreg:$0x1] =	wrdreg $0xFFFFFFFF  }
0xad: {  	[dreg:$0x0] =	wrdreg $0x60  }
0xae: {  	[dreg:$0x2] =	wrdreg s24  }
0xaf: {  	[dreg:$0x3] =	wrdreg $0x9  }
0xb0: {  	_ =	task.clear_ibuf [dreg:s6], $0x4FFFF;
	_ =	strace $0x90000046  }
0xb1: {  	s29 =	simm.s32 $0x9;
	_ =	strace $0x80000048  }
0xb2: {  	_ =	swait.ge [sflag:s29], $0x1  }
0xb3: {  	[sflag:s29] =	ssyncadd.s32 $0xFFFFFFFF  }
0xb4: {  	_ =	strace $0x90000048  }
0xb5: {  	_ =	sfence  }
0xb6: {  	s30 =	sld [smem:$0x0];
	_ =	sdelay $0x2  }
0xb7: {  	s31 =	sshll.u32 s1, $0xD;
	s1 =	sshrl.u32 s1, $0x2  }
0xb8: {  	s3 =	sand.u32 $0x4000, s31;
	s1 =	sadd.s32 s1, s30  }
0xb9: {  	s0 =	sor.u32 s3, s0;
	s1 =	sshll.u32 s1, $0x11  }
0xba: {  	s0 =	sor.u32 s1, s0  }
0xbb: {  	s0 =	sadd.s32 $0x8F2B, s0  }
0xbc: {  	[sflag:s0] =	ssyncadd.remote.s32 $0x1  }
0xbd: {  	_ =	sfence.sel $0xFFFF  }
0xbe: {  	[dreg:$0x0] =	wrdreg $0xFFFFFFFF;
	(pc) =	sbr.abs _section_cstart, $3  }
0xbf: {  	[dreg:$0x1] =	wrdreg $0xFFFFFFFF  }
0xc0: {  	_ =	task.clear_ibuf [dreg:s6], $0x2FFFF;
	_ =	strace $0x9FFFFFFF  }
0xc1: {  	(tm) =	ssettm $0x7FFFFFFF  }
tec
execute0_lowered:
.L_overlay_start_1:
0x0: {  	(tag) =	ssettag $0x1  }
0x1: {  	s3 =	rddreg [dreg:$0x0]  }
0x2: {  	s0 =	srdreg.scid;
	s17 =	stileid.u32  }
0x3: {  	s26 =	simm.s32 $0x0;
	s30 =	simm.s32 $0x4000;
	s31 =	simm.s32 $0x8000  }
0x4: {  	s28 =	simm.s32 $0x0;
	s4 =	sadd.s32 $0x600, s3;
	s5 =	sadd.s32 $0x80600, s3  }
0x5: {  	s6 =	sand.u32 $0x1, s0;
	s1 =	sshrl.u32 s17, $0x1;
	s0 =	sand.u32 $0x1, s17  }
0x6: {  	[smem:$0x7FF] =	sst s26;
	s7 =	sshll.u32 s6, $0x7;
	s2 =	ssub.s32 $0x2, s6  }
0x7: {  	s8 =	sshll.u32 s6, $0x12;
	s9 =	sshll.u32 s1, $0xF;
	s15 =	sshll.u32 s0, $0xE  }
0x8: {  	s6 =	sshll.u32 s6, $0x4;
	s1 =	sshll.u32 s1, $0x4;
	p0 =	seq.s32 s0, $0x0  }
0x9: {  	s0 =	simm.s32 $0x1;
	s10 =	sshrl.u32 s2, $0x1;
	s8 =	sor.u32 s9, s8  }
0xa: {  	s6 =	sor.u32 s17, s6;
	s17 =	sshll.u32 s17, $0x7;
	s7 =	sadd.s32 s7, s3  }
0xb: {  	s3 =	sadd.s32 $0x100600, s3;
	s2 =	ssub.s32 s2, s10;
	s14 =	sor.u32 s15, s8  }
0xc: {  	s6 =	sshrl.u32 s6, $0x3;
	s24 =	sand.u32 $0x380, s17;
	s17 =	sand.u32 $0x300, s17  }
0xd: {  	s1 =	sadd.s32 s1, s7;
	s7 =	simm.s32 $0x13000;
	s8 =	sadd.s32 s4, s14  }
0xe: {  	s16 =	sor.u32 $0x800, s14;
	s9 =	sadd.s32 s5, s14;
	s19 =	sor.u32 $0x1000, s14  }
0xf: {  	s21 =	sor.u32 $0x1800, s14;
	s23 =	sor.u32 $0x2000, s14;
	s12 =	sor.u32 $0x2800, s14  }
0x10: {  	s15 =	sor.u32 $0x3000, s14;
	s6 =	smul.u32 $0x18400, s6;
	[dreg:$0x2] =	wrdreg s8  }
0x11: {  	s17 =	sor.u32 $0x80, s17;
	s26 =	sadd.s32 $0x10C800, s1;
	[dreg:$0x3] =	wrdreg s9  }
0x12: {  	s18 =	sadd.s32 s4, s16;
	s8 =	sadd.s32 s5, s16;
	s20 =	sadd.s32 s4, s19  }
0x13: {  	s9 =	sadd.s32 s5, s19;
	s22 =	sadd.s32 s4, s21;
	[dreg:$0x4] =	wrdreg s18  }
0x14: {  	s10 =	sadd.s32 s5, s23;
	s11 =	sadd.s32 s4, s12;
	[dreg:$0x5] =	wrdreg s8  }
0x15: {  	s12 =	sadd.s32 s5, s12;
	s13 =	sadd.s32 s4, s15;
	[dreg:$0x6] =	wrdreg s20  }
0x16: {  	s16 =	sor.u32 $0x3800, s14;
	s14 =	sadd.s32 s5, s15;
	[dreg:$0x7] =	wrdreg s9  }
0x17: {  	[dreg:$0x8] =	wrdreg s22;
	s8 =	sadd.s32 s5, s21;
	s9 =	sadd.s32 s4, s23  }
0x18: {  	s15 =	sadd.s32 s4, s16;
	s29 =	sadd.s32 s5, s16;
	s25 =	sor.u32 s24, s6  }
0x19: {  	s18 =	sadd.s32 $0x8000, s6;
	s19 =	sadd.s32 $0x10000, s6;
	s22 =	sadd.s32 $0x18000, s6  }
0x1a: {  	s6 =	sor.u32 s17, s6;
	s20 =	sor.u32 s24, s18;
	s21 =	sor.u32 s24, s19  }
0x1b: {  	s4 =	sor.u32 s24, s22;
	s18 =	sor.u32 s17, s18;
	s5 =	sshrl.u32 s25, $0x3  }
0x1c: {  	s19 =	sor.u32 s17, s19;
	s17 =	sor.u32 s17, s22;
	s5 =	sadd.s32 s3, s5  }
0x1d: {  	s16 =	sshrl.u32 s20, $0x3;
	s20 =	sshrl.u32 s21, $0x3;
	s4 =	sshrl.u32 s4, $0x3  }
0x1e: {  	s21 =	sshrl.u32 s6, $0x3;
	s22 =	sshrl.u32 s18, $0x3;
	s23 =	sshrl.u32 s19, $0x3  }
0x1f: {  	s25 =	sshrl.u32 s17, $0x3;
	s18 =	simm.s32 $0x2;
	s19 =	simm.s32 $0x10000  }
0x20: {  	s6 =	simm.s32 $0x80;
	[dreg:$0x9] =	wrdreg s5;
	s5 =	sadd.s32 s3, s16  }
0x21: {  	s17 =	simm.s32 $0x5;
	s4 =	sadd.s32 s3, s4;
	[dreg:$0xa] =	wrdreg s5  }
0x22: {  	s24 =	sadd.s32 s3, s23;
	s23 =	simm.s32 $0xC000;
	[dreg:$0xc] =	wrdreg s4  }
0x23: {  	s5 =	sadd.s32 s3, s20;
	s4 =	sadd.s32 s3, s21;
	[dreg:$0xf] =	wrdreg s24  }
.Ltmp0:
0x24: {  	s20 =	simm.s32 $0x11000;
	[dreg:$0xb] =	wrdreg s5;
	(pc) =	sbr.rel .LBB2_1-.Ltmp0, $4  }
0x25: {  	s21 =	simm.s32 $0x12000;
	[dreg:$0xd] =	wrdreg s4;
	s4 =	sadd.s32 s3, s22  }
0x26: {  	s24 =	simm.s32 $0x4;
	s3 =	sadd.s32 s3, s25;
	[dreg:$0xe] =	wrdreg s4  }
0x27: {  	s25 =	smax.u32 s2, $0x1;
	s22 =	simm.s32 $0x3;
	[dreg:$0x10] =	wrdreg s3  }
0x28: {  	v0 =	vimm.f32 $0.0e+00;
	v1 =	vimm.f32 $1.000000000e+00;
	_ =	strace $0x80000047;
	[dreg:$0x11] =	wrdreg s26;
	s26 =	simm.s32 $0x400  }
.LBB2_20:
0x29: {  	s1 =	rddreg [dreg:$0x9]  }
0x2a: {  	[hbm4b:s1+s6] =	stream.strided.scatter [tilespmem:s19], [sflag:$0x5], $0x1000, s26, s6, $0x38;
	[tilespmem:$0x14080] =	vst v63  }
0x2b: {  	_ =	swait.ge [sflag:s17], $0x1000  }
0x2c: {  	[sflag:s17] =	ssyncset.done $0x0  }
0x2d: {  	s4 =	rddreg [dreg:$0xa];
	[sflag:s17] =	ssyncadd.s32 $0xFFFFF000  }
0x2e: {  	[hbm4b:s4+s6] =	stream.strided.scatter [tilespmem:s20], [sflag:$0x5], $0x1000, s26, s6, $0x38;
	[tilespmem:$0x14080] =	vst v63  }
0x2f: {  	_ =	swait.ge [sflag:s17], $0x1000  }
0x30: {  	[sflag:s17] =	ssyncset.done $0x0  }
0x31: {  	s5 =	rddreg [dreg:$0xb];
	[sflag:s17] =	ssyncadd.s32 $0xFFFFF000  }
0x32: {  	[hbm4b:s5+s6] =	stream.strided.scatter [tilespmem:s21], [sflag:$0x5], $0x1000, s26, s6, $0x38;
	[tilespmem:$0x14080] =	vst v63  }
0x33: {  	_ =	swait.ge [sflag:s17], $0x1000  }
0x34: {  	[sflag:s17] =	ssyncset.done $0x0  }
0x35: {  	[sflag:s17] =	ssyncadd.s32 $0xFFFFF000  }
0x36: {  	s16 =	simm.s32 $0x0;
	s3 =	simm.s32 $0x14000;
	s2 =	rddreg [dreg:$0xc];
	[tilespmem:$0x14000] =	vst v2  }
0x37: {  	[hbm4b:s2+s16] =	stream.linear.scatter [tilespmem:s3], [sflag:$0x5], $0x80, $0x38;
	[tilespmem:$0x14080] =	vst v63  }
0x38: {  	_ =	swait.ge [sflag:s17], $0x80  }
0x39: {  	[sflag:s17] =	ssyncset.done $0x0  }
0x3a: {  	[sflag:s17] =	ssyncadd.s32 $0xFFFFFF80  }
0x3b: {  	[bflag:$0x0] =	sbarrier.arrive $0xFFFF  }
.LBB2_30:
0x3c: {  	s28 =	sadd.s32 $0x1, s28  }
0x3d: {  	p1 =	sne.s32 s28, s25  }
.Ltmp1:
0x3e: {  	_ = 	snop;
	(pc) =	sbr.rel @!p1 .LBB2_31-.Ltmp1, $1  }
0x3f: {  	_ =	sdelay $0x3  }
.LBB2_1:
0x40: {  	s3 =	simm.s32 $0x10020  }
0x41: {  	s1 =	simm.s32 $0x11020;
	[tilespmem:s3+$0xFFFFFFE0] =	vst v0  }
0x42: {  	s2 =	simm.s32 $0x12020;
	[tilespmem:s1+$0xFFFFFFE0] =	vst v0  }
0x43: {  	[tilespmem:s2+$0xFFFFFFE0] =	vst v0  }
0x44: {  	[tilespmem:s3+$0xFFFFFFF0] =	vst v0  }
0x45: {  	[tilespmem:s1+$0xFFFFFFF0] =	vst v0  }
0x46: {  	[tilespmem:s2+$0xFFFFFFF0] =	vst v0  }
0x47: {  	[tilespmem:s3+$0x0] =	vst v0  }
0x48: {  	[tilespmem:s1+$0x0] =	vst v0  }
0x49: {  	[tilespmem:s2+$0x0] =	vst v0  }
0x4a: {  	[tilespmem:s3+$0x10] =	vst v0  }
0x4b: {  	[tilespmem:s1+$0x10] =	vst v0  }
0x4c: {  	s4 =	simm.s32 $0x10060;
	s3 =	simm.s32 $0x0;
	[tilespmem:s2+$0x10] =	vst v0  }
.LBB2_2:
0x4d: {  	[tilespmem:s4+$0xFFFFFFE0] =	vst v0;
	s1 =	sadd.s32 $0x40, s1  }
0x4e: {  	s2 =	sadd.s32 $0x40, s2;
	[tilespmem:s1+$0xFFFFFFE0] =	vst v0  }
0x4f: {  	[tilespmem:s2+$0xFFFFFFE0] =	vst v0  }
0x50: {  	[tilespmem:s4+$0xFFFFFFF0] =	vst v0  }
0x51: {  	[tilespmem:s1+$0xFFFFFFF0] =	vst v0  }
0x52: {  	s3 =	sadd.s32 $0x4, s3;
	[tilespmem:s2+$0xFFFFFFF0] =	vst v0  }
0x53: {  	p1 =	slt.u32 s3, $0xFC;
	[tilespmem:s4+$0x0] =	vst v0  }
.Ltmp2:
0x54: {  	[tilespmem:s1+$0x0] =	vst v0;
	(pc) =	sbr.rel @p1 .LBB2_2-.Ltmp2, $4  }
0x55: {  	[tilespmem:s2+$0x0] =	vst v0  }
0x56: {  	[tilespmem:s4+$0x10] =	vst v0  }
0x57: {  	[tilespmem:s1+$0x10] =	vst v0  }
0x58: {  	s4 =	sadd.s32 $0x40, s4;
	[tilespmem:s2+$0x10] =	vst v0  }
0x59: {  	s1 =	simm.s32 $0x0;
	s2 =	rddreg [dreg:$0x2]  }
0x5a: {  	[tilespmem:s1], [sflag:$0x1] =	stream.linear.gather [hbm4b:s2+s1], $0x4000, $0x38;
	[tilespmem:$0x14080] =	vst v63  }
0x5b: {  	s4 =	rddreg [dreg:$0x3]  }
0x5c: {  	[tilespmem:s30], [sflag:$0x2] =	stream.linear.gather [hbm4b:s4+s1], $0x4000, $0x38;
	[tilespmem:$0x14080] =	vst v63  }
0x5d: {  	s5 =	rddreg [dreg:$0x4]  }
0x5e: {  	[tilespmem:s31], [sflag:$0x3] =	stream.linear.gather [hbm4b:s5+s1], $0x4000, $0x38;
	[tilespmem:$0x14080] =	vst v63  }
0x5f: {  	s16 =	rddreg [dreg:$0x5]  }
0x60: {  	[tilespmem:s23], [sflag:$0x4] =	stream.linear.gather [hbm4b:s16+s1], $0x4000, $0x38;
	[tilespmem:$0x14080] =	vst v63  }
0x61: {  	_ =	swait.ge [sflag:s0], $0x4000  }
0x62: {  	[sflag:s0] =	ssyncset.done $0x0  }
0x63: {  	[sflag:s0] =	ssyncadd.s32 $0xFFFFC000  }
0x64: {  	_ =	swait.ge [sflag:s18], $0x4000  }
0x65: {  	v2 =	vimm.f32 $0.0e+00;
	[sflag:s18] =	ssyncset.done $0x0  }
0x66: {  	v3 =	vimm.f32 $0.0e+00;
	v4 =	vimm.f32 $0.0e+00;
	v5 =	vimm.f32 $0.0e+00;
	[sflag:s18] =	ssyncadd.s32 $0xFFFFC000  }
.LBB2_4:
0x67: {  	s2 =	sshra.s32 s1, $0x2  }
0x68: {  	v6 =	vld [tilespmem:s2+$0x4000];
	_ =	sdelay $0x1  }
0x69: {  	v7 =	vld [tilespmem:s2+$0x0];
	_ =	sdelay $0x2  }
0x6a: {  	v8 =	vcvt.s32.f32 v6;
	_ =	sdelay $0x1  }
0x6b: {  	v9 =	vmul.f32 v8, v7;
	_ =	sdelay $0x1  }
0x6c: {  	v7 =	vadd.f32 $1.000000000e+00, v7;
	v9 =	vadd.f32 v9, v9;
	_ =	sdelay $0x1  }
0x6d: {  	v7 =	vsub.f32 v7, v9;
	_ =	sdelay $0x1  }
0x6e: {  	v9 =	vmul.f32 $2.560000000e+02, v7;
	_ =	sdelay $0x1  }
0x6f: {  	v9 =	vtrunc.f32 v9  }
0x70: {  	v9 =	vcvt.f32.s32 v9;
	_ =	sdelay $0x1  }
0x71: {  	vm2 =	vgt.s32 v6, $0x0;
	vm0 =	vgt.f32 v7, $0.0e+00;
	vm1 =	vlt.s32 v9, $0xFFF  }
0x72: {  	vm4 =	vmand vm2, vm0;
	v6 =	vnsel vm1, $0xFFF, v9;
	_ =	sdelay $0x4  }
0x73: {  	[tilespmem:v6+s19+$0x0] =	vst.idx.add.f32.msk vm0, v1  }
0x74: {  	[tilespmem:v6+s20+$0x0] =	vst.idx.add.f32.msk vm4, v1  }
0x75: {  	[tilespmem:v6+s21+$0x0] =	vst.idx.add.f32.msk vm0, v7  }
0x76: {  	v6 =	vld [tilespmem:s2+$0x4010];
	_ =	sdelay $0x1  }
0x77: {  	v7 =	vld [tilespmem:s2+$0x10];
	_ =	sdelay $0x2  }
0x78: {  	v61 =	vcvt.s32.f32 v6;
	_ =	sdelay $0x1  }
0x79: {  	v10 =	vmul.f32 v61, v7;
	_ =	sdelay $0x1  }
0x7a: {  	v7 =	vadd.f32 $1.000000000e+00, v7;
	v10 =	vadd.f32 v10, v10;
	_ =	sdelay $0x1  }
0x7b: {  	v7 =	vsub.f32 v7, v10;
	_ =	sdelay $0x1  }
0x7c: {  	v10 =	vmul.f32 $2.560000000e+02, v7;
	_ =	sdelay $0x1  }
0x7d: {  	v10 =	vtrunc.f32 v10  }
0x7e: {  	v10 =	vcvt.f32.s32 v10;
	_ =	sdelay $0x1  }
0x7f: {  	vm7 =	vgt.s32 v6, $0x0;
	vm5 =	vgt.f32 v7, $0.0e+00;
	vm6 =	vlt.s32 v10, $0xFFF  }
0x80: {  	vm8 =	vmand vm7, vm5;
	v6 =	vnsel vm6, $0xFFF, v10;
	_ =	sdelay $0x4  }
0x81: {  	[tilespmem:v6+s19+$0x0] =	vst.idx.add.f32.msk vm5, v1  }
0x82: {  	[tilespmem:v6+s20+$0x0] =	vst.idx.add.f32.msk vm8, v1  }
0x83: {  	[tilespmem:v6+s21+$0x0] =	vst.idx.add.f32.msk vm5, v7  }
0x84: {  	v6 =	vld [tilespmem:s2+$0x4020];
	_ =	sdelay $0x1  }
0x85: {  	v7 =	vld [tilespmem:s2+$0x20];
	_ =	sdelay $0x2  }
0x86: {  	v62 =	vcvt.s32.f32 v6;
	_ =	sdelay $0x1  }
0x87: {  	v11 =	vmul.f32 v62, v7;
	_ =	sdelay $0x1  }
0x88: {  	v7 =	vadd.f32 $1.000000000e+00, v7;
	v11 =	vadd.f32 v11, v11;
	_ =	sdelay $0x1  }
0x89: {  	v7 =	vsub.f32 v7, v11;
	_ =	sdelay $0x1  }
0x8a: {  	v11 =	vmul.f32 $2.560000000e+02, v7;
	_ =	sdelay $0x1  }
0x8b: {  	v11 =	vtrunc.f32 v11  }
0x8c: {  	v11 =	vcvt.f32.s32 v11;
	_ =	sdelay $0x1  }
0x8d: {  	vm11 =	vgt.s32 v6, $0x0;
	vm9 =	vgt.f32 v7, $0.0e+00;
	vm10 =	vlt.s32 v11, $0xFFF  }
0x8e: {  	vm12 =	vmand vm11, vm9;
	v6 =	vnsel vm10, $0xFFF, v11;
	_ =	sdelay $0x4  }
0x8f: {  	[tilespmem:v6+s19+$0x0] =	vst.idx.add.f32.msk vm9, v1  }
0x90: {  	[tilespmem:v6+s20+$0x0] =	vst.idx.add.f32.msk vm12, v1  }
0x91: {  	[tilespmem:v6+s21+$0x0] =	vst.idx.add.f32.msk vm9, v7  }
0x92: {  	v6 =	vld [tilespmem:s2+$0x4030];
	_ =	sdelay $0x1  }
0x93: {  	v7 =	vld [tilespmem:s2+$0x30];
	_ =	sdelay $0x2  }
0x94: {  	v63 =	vcvt.s32.f32 v6;
	_ =	sdelay $0x1  }
0x95: {  	v12 =	vmul.f32 v63, v7;
	_ =	sdelay $0x1  }
0x96: {  	v7 =	vadd.f32 $1.000000000e+00, v7;
	v12 =	vadd.f32 v12, v12;
	_ =	sdelay $0x1  }
0x97: {  	v7 =	vsub.f32 v7, v12;
	_ =	sdelay $0x1  }
0x98: {  	v12 =	vmul.f32 $2.560000000e+02, v7;
	_ =	sdelay $0x1  }
0x99: {  	v12 =	vtrunc.f32 v12  }
0x9a: {  	v12 =	vcvt.f32.s32 v12;
	_ =	sdelay $0x1  }
0x9b: {  	vm13 =	vgt.s32 v6, $0x0;
	vm14 =	vgt.f32 v7, $0.0e+00;
	vm15 =	vlt.s32 v12, $0xFFF  }
0x9c: {  	vm0 =	vmand vm13, vm14;
	v6 =	vnsel vm15, $0xFFF, v12;
	_ =	sdelay $0x1  }
0x9d: {  	p1 =	sne.s32 s1, $0xFF00  }
.Ltmp3:
0x9e: {  	_ = 	snop;
	(pc) =	sbr.rel @p1 .LBB2_4-.Ltmp3, $4  }
0x9f: {  	_ = 	snop  }
0xa0: {  	[tilespmem:v6+s19+$0x0] =	vst.idx.add.f32.msk vm14, v1  }
0xa1: {  	v5 =	vadd.f32 v8, v5;
	v4 =	vadd.f32 v61, v4;
	[tilespmem:v6+s20+$0x0] =	vst.idx.add.f32.msk vm0, v1  }
0xa2: {  	s1 =	sadd.s32 $0x100, s1;
	v3 =	vadd.f32 v62, v3;
	v2 =	vadd.f32 v63, v2;
	[tilespmem:v6+s21+$0x0] =	vst.idx.add.f32.msk vm14, v7  }
0xa3: {  	s1 =	simm.s32 $0x0;
	s2 =	rddreg [dreg:$0x6]  }
0xa4: {  	[tilespmem:s1], [sflag:$0x1] =	stream.linear.gather [hbm4b:s2+s1], $0x4000, $0x38;
	[tilespmem:$0x14080] =	vst v63  }
0xa5: {  	s16 =	rddreg [dreg:$0x7]  }
0xa6: {  	[tilespmem:s30], [sflag:$0x2] =	stream.linear.gather [hbm4b:s16+s1], $0x4000, $0x38;
	[tilespmem:$0x14080] =	vst v63  }
0xa7: {  	_ =	swait.ge [sflag:s22], $0x4000  }
0xa8: {  	[sflag:s22] =	ssyncset.done $0x0  }
0xa9: {  	[sflag:s22] =	ssyncadd.s32 $0xFFFFC000  }
0xaa: {  	_ =	swait.ge [sflag:s24], $0x4000  }
0xab: {  	[sflag:s24] =	ssyncset.done $0x0  }
0xac: {  	[sflag:s24] =	ssyncadd.s32 $0xFFFFC000  }
.LBB2_6:
0xad: {  	s2 =	sshra.s32 s1, $0x2  }
0xae: {  	v6 =	vld [tilespmem:s2+$0xC000];
	_ =	sdelay $0x1  }
0xaf: {  	v7 =	vld [tilespmem:s2+$0x8000];
	_ =	sdelay $0x2  }
0xb0: {  	v8 =	vcvt.s32.f32 v6;
	_ =	sdelay $0x1  }
0xb1: {  	v9 =	vmul.f32 v8, v7;
	_ =	sdelay $0x1  }
0xb2: {  	v7 =	vadd.f32 $1.000000000e+00, v7;
	v9 =	vadd.f32 v9, v9;
	_ =	sdelay $0x1  }
0xb3: {  	v7 =	vsub.f32 v7, v9;
	_ =	sdelay $0x1  }
0xb4: {  	v9 =	vmul.f32 $2.560000000e+02, v7;
	_ =	sdelay $0x1  }
0xb5: {  	v9 =	vtrunc.f32 v9  }
0xb6: {  	v9 =	vcvt.f32.s32 v9;
	_ =	sdelay $0x1  }
0xb7: {  	vm2 =	vgt.s32 v6, $0x0;
	vm0 =	vgt.f32 v7, $0.0e+00;
	vm1 =	vlt.s32 v9, $0xFFF  }
0xb8: {  	vm4 =	vmand vm2, vm0;
	v6 =	vnsel vm1, $0xFFF, v9;
	_ =	sdelay $0x4  }
0xb9: {  	[tilespmem:v6+s19+$0x0] =	vst.idx.add.f32.msk vm0, v1  }
0xba: {  	[tilespmem:v6+s20+$0x0] =	vst.idx.add.f32.msk vm4, v1  }
0xbb: {  	[tilespmem:v6+s21+$0x0] =	vst.idx.add.f32.msk vm0, v7  }
0xbc: {  	v6 =	vld [tilespmem:s2+$0xC010];
	_ =	sdelay $0x1  }
0xbd: {  	v7 =	vld [tilespmem:s2+$0x8010];
	_ =	sdelay $0x2  }
0xbe: {  	v61 =	vcvt.s32.f32 v6;
	_ =	sdelay $0x1  }
0xbf: {  	v10 =	vmul.f32 v61, v7;
	_ =	sdelay $0x1  }
0xc0: {  	v7 =	vadd.f32 $1.000000000e+00, v7;
	v10 =	vadd.f32 v10, v10;
	_ =	sdelay $0x1  }
0xc1: {  	v7 =	vsub.f32 v7, v10;
	_ =	sdelay $0x1  }
0xc2: {  	v10 =	vmul.f32 $2.560000000e+02, v7;
	_ =	sdelay $0x1  }
0xc3: {  	v10 =	vtrunc.f32 v10  }
0xc4: {  	v10 =	vcvt.f32.s32 v10;
	_ =	sdelay $0x1  }
0xc5: {  	vm7 =	vgt.s32 v6, $0x0;
	vm5 =	vgt.f32 v7, $0.0e+00;
	vm6 =	vlt.s32 v10, $0xFFF  }
0xc6: {  	vm8 =	vmand vm7, vm5;
	v6 =	vnsel vm6, $0xFFF, v10;
	_ =	sdelay $0x4  }
0xc7: {  	[tilespmem:v6+s19+$0x0] =	vst.idx.add.f32.msk vm5, v1  }
0xc8: {  	[tilespmem:v6+s20+$0x0] =	vst.idx.add.f32.msk vm8, v1  }
0xc9: {  	[tilespmem:v6+s21+$0x0] =	vst.idx.add.f32.msk vm5, v7  }
0xca: {  	v6 =	vld [tilespmem:s2+$0xC020];
	_ =	sdelay $0x1  }
0xcb: {  	v7 =	vld [tilespmem:s2+$0x8020];
	_ =	sdelay $0x2  }
0xcc: {  	v62 =	vcvt.s32.f32 v6;
	_ =	sdelay $0x1  }
0xcd: {  	v11 =	vmul.f32 v62, v7;
	_ =	sdelay $0x1  }
0xce: {  	v7 =	vadd.f32 $1.000000000e+00, v7;
	v11 =	vadd.f32 v11, v11;
	_ =	sdelay $0x1  }
0xcf: {  	v7 =	vsub.f32 v7, v11;
	_ =	sdelay $0x1  }
0xd0: {  	v11 =	vmul.f32 $2.560000000e+02, v7;
	_ =	sdelay $0x1  }
0xd1: {  	v11 =	vtrunc.f32 v11  }
0xd2: {  	v11 =	vcvt.f32.s32 v11;
	_ =	sdelay $0x1  }
0xd3: {  	vm11 =	vgt.s32 v6, $0x0;
	vm9 =	vgt.f32 v7, $0.0e+00;
	vm10 =	vlt.s32 v11, $0xFFF  }
0xd4: {  	vm12 =	vmand vm11, vm9;
	v6 =	vnsel vm10, $0xFFF, v11;
	_ =	sdelay $0x4  }
0xd5: {  	[tilespmem:v6+s19+$0x0] =	vst.idx.add.f32.msk vm9, v1  }
0xd6: {  	[tilespmem:v6+s20+$0x0] =	vst.idx.add.f32.msk vm12, v1  }
0xd7: {  	[tilespmem:v6+s21+$0x0] =	vst.idx.add.f32.msk vm9, v7  }
0xd8: {  	v6 =	vld [tilespmem:s2+$0xC030];
	_ =	sdelay $0x1  }
0xd9: {  	v7 =	vld [tilespmem:s2+$0x8030];
	_ =	sdelay $0x2  }
0xda: {  	v63 =	vcvt.s32.f32 v6;
	_ =	sdelay $0x1  }
0xdb: {  	v12 =	vmul.f32 v63, v7;
	_ =	sdelay $0x1  }
0xdc: {  	v7 =	vadd.f32 $1.000000000e+00, v7;
	v12 =	vadd.f32 v12, v12;
	_ =	sdelay $0x1  }
0xdd: {  	v7 =	vsub.f32 v7, v12;
	_ =	sdelay $0x1  }
0xde: {  	v12 =	vmul.f32 $2.560000000e+02, v7;
	_ =	sdelay $0x1  }
0xdf: {  	v12 =	vtrunc.f32 v12  }
0xe0: {  	v12 =	vcvt.f32.s32 v12;
	_ =	sdelay $0x1  }
0xe1: {  	vm13 =	vgt.s32 v6, $0x0;
	vm14 =	vgt.f32 v7, $0.0e+00;
	vm15 =	vlt.s32 v12, $0xFFF  }
0xe2: {  	vm0 =	vmand vm13, vm14;
	v6 =	vnsel vm15, $0xFFF, v12;
	_ =	sdelay $0x1  }
0xe3: {  	p1 =	sne.s32 s1, $0xFF00  }
.Ltmp4:
0xe4: {  	_ = 	snop;
	(pc) =	sbr.rel @p1 .LBB2_6-.Ltmp4, $4  }
0xe5: {  	_ = 	snop  }
0xe6: {  	[tilespmem:v6+s19+$0x0] =	vst.idx.add.f32.msk vm14, v1  }
0xe7: {  	v5 =	vadd.f32 v8, v5;
	v4 =	vadd.f32 v61, v4;
	[tilespmem:v6+s20+$0x0] =	vst.idx.add.f32.msk vm0, v1  }
0xe8: {  	s1 =	sadd.s32 $0x100, s1;
	v3 =	vadd.f32 v62, v3;
	v2 =	vadd.f32 v63, v2;
	[tilespmem:v6+s21+$0x0] =	vst.idx.add.f32.msk vm14, v7  }
0xe9: {  	s1 =	simm.s32 $0x0;
	s2 =	rddreg [dreg:$0x8]  }
0xea: {  	[tilespmem:s31], [sflag:$0x3] =	stream.linear.gather [hbm4b:s2+s1], $0x4000, $0x38;
	[tilespmem:$0x14080] =	vst v63  }
0xeb: {  	_ = 	snop  }
0xec: {  	[tilespmem:s23], [sflag:$0x4] =	stream.linear.gather [hbm4b:s8+s1], $0x4000, $0x38;
	[tilespmem:$0x14080] =	vst v63  }
0xed: {  	_ =	swait.ge [sflag:s0], $0x4000  }
0xee: {  	[sflag:s0] =	ssyncset.done $0x0  }
0xef: {  	[sflag:s0] =	ssyncadd.s32 $0xFFFFC000  }
0xf0: {  	_ =	swait.ge [sflag:s18], $0x4000  }
0xf1: {  	[sflag:s18] =	ssyncset.done $0x0  }
0xf2: {  	[sflag:s18] =	ssyncadd.s32 $0xFFFFC000  }
.LBB2_8:
0xf3: {  	s2 =	sshra.s32 s1, $0x2  }
0xf4: {  	v6 =	vld [tilespmem:s2+$0x4000];
	_ =	sdelay $0x1  }
0xf5: {  	v7 =	vld [tilespmem:s2+$0x0];
	_ =	sdelay $0x2  }
0xf6: {  	v8 =	vcvt.s32.f32 v6;
	_ =	sdelay $0x1  }
0xf7: {  	v9 =	vmul.f32 v8, v7;
	_ =	sdelay $0x1  }
0xf8: {  	v7 =	vadd.f32 $1.000000000e+00, v7;
	v9 =	vadd.f32 v9, v9;
	_ =	sdelay $0x1  }
0xf9: {  	v7 =	vsub.f32 v7, v9;
	_ =	sdelay $0x1  }
0xfa: {  	v9 =	vmul.f32 $2.560000000e+02, v7;
	_ =	sdelay $0x1  }
0xfb: {  	v9 =	vtrunc.f32 v9  }
0xfc: {  	v9 =	vcvt.f32.s32 v9;
	_ =	sdelay $0x1  }
0xfd: {  	vm2 =	vgt.s32 v6, $0x0;
	vm0 =	vgt.f32 v7, $0.0e+00;
	vm1 =	vlt.s32 v9, $0xFFF  }
0xfe: {  	vm4 =	vmand vm2, vm0;
	v6 =	vnsel vm1, $0xFFF, v9;
	_ =	sdelay $0x4  }
0xff: {  	[tilespmem:v6+s19+$0x0] =	vst.idx.add.f32.msk vm0, v1  }
0x100: {  	[tilespmem:v6+s20+$0x0] =	vst.idx.add.f32.msk vm4, v1  }
0x101: {  	[tilespmem:v6+s21+$0x0] =	vst.idx.add.f32.msk vm0, v7  }
0x102: {  	v6 =	vld [tilespmem:s2+$0x4010];
	_ =	sdelay $0x1  }
0x103: {  	v7 =	vld [tilespmem:s2+$0x10];
	_ =	sdelay $0x2  }
0x104: {  	v61 =	vcvt.s32.f32 v6;
	_ =	sdelay $0x1  }
0x105: {  	v10 =	vmul.f32 v61, v7;
	_ =	sdelay $0x1  }
0x106: {  	v7 =	vadd.f32 $1.000000000e+00, v7;
	v10 =	vadd.f32 v10, v10;
	_ =	sdelay $0x1  }
0x107: {  	v7 =	vsub.f32 v7, v10;
	_ =	sdelay $0x1  }
0x108: {  	v10 =	vmul.f32 $2.560000000e+02, v7;
	_ =	sdelay $0x1  }
0x109: {  	v10 =	vtrunc.f32 v10  }
0x10a: {  	v10 =	vcvt.f32.s32 v10;
	_ =	sdelay $0x1  }
0x10b: {  	vm7 =	vgt.s32 v6, $0x0;
	vm5 =	vgt.f32 v7, $0.0e+00;
	vm6 =	vlt.s32 v10, $0xFFF  }
0x10c: {  	vm8 =	vmand vm7, vm5;
	v6 =	vnsel vm6, $0xFFF, v10;
	_ =	sdelay $0x4  }
0x10d: {  	[tilespmem:v6+s19+$0x0] =	vst.idx.add.f32.msk vm5, v1  }
0x10e: {  	[tilespmem:v6+s20+$0x0] =	vst.idx.add.f32.msk vm8, v1  }
0x10f: {  	[tilespmem:v6+s21+$0x0] =	vst.idx.add.f32.msk vm5, v7  }
0x110: {  	v6 =	vld [tilespmem:s2+$0x4020];
	_ =	sdelay $0x1  }
0x111: {  	v7 =	vld [tilespmem:s2+$0x20];
	_ =	sdelay $0x2  }
0x112: {  	v62 =	vcvt.s32.f32 v6;
	_ =	sdelay $0x1  }
0x113: {  	v11 =	vmul.f32 v62, v7;
	_ =	sdelay $0x1  }
0x114: {  	v7 =	vadd.f32 $1.000000000e+00, v7;
	v11 =	vadd.f32 v11, v11;
	_ =	sdelay $0x1  }
0x115: {  	v7 =	vsub.f32 v7, v11;
	_ =	sdelay $0x1  }
0x116: {  	v11 =	vmul.f32 $2.560000000e+02, v7;
	_ =	sdelay $0x1  }
0x117: {  	v11 =	vtrunc.f32 v11  }
0x118: {  	v11 =	vcvt.f32.s32 v11;
	_ =	sdelay $0x1  }
0x119: {  	vm11 =	vgt.s32 v6, $0x0;
	vm9 =	vgt.f32 v7, $0.0e+00;
	vm10 =	vlt.s32 v11, $0xFFF  }
0x11a: {  	vm12 =	vmand vm11, vm9;
	v6 =	vnsel vm10, $0xFFF, v11;
	_ =	sdelay $0x4  }
0x11b: {  	[tilespmem:v6+s19+$0x0] =	vst.idx.add.f32.msk vm9, v1  }
0x11c: {  	[tilespmem:v6+s20+$0x0] =	vst.idx.add.f32.msk vm12, v1  }
0x11d: {  	[tilespmem:v6+s21+$0x0] =	vst.idx.add.f32.msk vm9, v7  }
0x11e: {  	v6 =	vld [tilespmem:s2+$0x4030];
	_ =	sdelay $0x1  }
0x11f: {  	v7 =	vld [tilespmem:s2+$0x30];
	_ =	sdelay $0x2  }
0x120: {  	v63 =	vcvt.s32.f32 v6;
	_ =	sdelay $0x1  }
0x121: {  	v12 =	vmul.f32 v63, v7;
	_ =	sdelay $0x1  }
0x122: {  	v7 =	vadd.f32 $1.000000000e+00, v7;
	v12 =	vadd.f32 v12, v12;
	_ =	sdelay $0x1  }
0x123: {  	v7 =	vsub.f32 v7, v12;
	_ =	sdelay $0x1  }
0x124: {  	v12 =	vmul.f32 $2.560000000e+02, v7;
	_ =	sdelay $0x1  }
0x125: {  	v12 =	vtrunc.f32 v12  }
0x126: {  	v12 =	vcvt.f32.s32 v12;
	_ =	sdelay $0x1  }
0x127: {  	vm13 =	vgt.s32 v6, $0x0;
	vm14 =	vgt.f32 v7, $0.0e+00;
	vm15 =	vlt.s32 v12, $0xFFF  }
0x128: {  	vm0 =	vmand vm13, vm14;
	v6 =	vnsel vm15, $0xFFF, v12;
	_ =	sdelay $0x1  }
0x129: {  	p1 =	sne.s32 s1, $0xFF00  }
.Ltmp5:
0x12a: {  	_ = 	snop;
	(pc) =	sbr.rel @p1 .LBB2_8-.Ltmp5, $4  }
0x12b: {  	_ = 	snop  }
0x12c: {  	[tilespmem:v6+s19+$0x0] =	vst.idx.add.f32.msk vm14, v1  }
0x12d: {  	v5 =	vadd.f32 v8, v5;
	v4 =	vadd.f32 v61, v4;
	[tilespmem:v6+s20+$0x0] =	vst.idx.add.f32.msk vm0, v1  }
0x12e: {  	s1 =	sadd.s32 $0x100, s1;
	v3 =	vadd.f32 v62, v3;
	v2 =	vadd.f32 v63, v2;
	[tilespmem:v6+s21+$0x0] =	vst.idx.add.f32.msk vm14, v7  }
0x12f: {  	s1 =	simm.s32 $0x0  }
0x130: {  	[tilespmem:s1], [sflag:$0x1] =	stream.linear.gather [hbm4b:s9+s1], $0x4000, $0x38;
	[tilespmem:$0x14080] =	vst v63  }
0x131: {  	_ = 	snop  }
0x132: {  	[tilespmem:s30], [sflag:$0x2] =	stream.linear.gather [hbm4b:s10+s1], $0x4000, $0x38;
	[tilespmem:$0x14080] =	vst v63  }
0x133: {  	_ =	swait.ge [sflag:s22], $0x4000  }
0x134: {  	[sflag:s22] =	ssyncset.done $0x0  }
0x135: {  	[sflag:s22] =	ssyncadd.s32 $0xFFFFC000  }
0x136: {  	_ =	swait.ge [sflag:s24], $0x4000  }
0x137: {  	[sflag:s24] =	ssyncset.done $0x0  }
0x138: {  	[sflag:s24] =	ssyncadd.s32 $0xFFFFC000  }
.LBB2_10:
0x139: {  	s2 =	sshra.s32 s1, $0x2  }
0x13a: {  	v6 =	vld [tilespmem:s2+$0xC000];
	_ =	sdelay $0x1  }
0x13b: {  	v7 =	vld [tilespmem:s2+$0x8000];
	_ =	sdelay $0x2  }
0x13c: {  	v8 =	vcvt.s32.f32 v6;
	_ =	sdelay $0x1  }
0x13d: {  	v9 =	vmul.f32 v8, v7;
	_ =	sdelay $0x1  }
0x13e: {  	v7 =	vadd.f32 $1.000000000e+00, v7;
	v9 =	vadd.f32 v9, v9;
	_ =	sdelay $0x1  }
0x13f: {  	v7 =	vsub.f32 v7, v9;
	_ =	sdelay $0x1  }
0x140: {  	v9 =	vmul.f32 $2.560000000e+02, v7;
	_ =	sdelay $0x1  }
0x141: {  	v9 =	vtrunc.f32 v9  }
0x142: {  	v9 =	vcvt.f32.s32 v9;
	_ =	sdelay $0x1  }
0x143: {  	vm2 =	vgt.s32 v6, $0x0;
	vm0 =	vgt.f32 v7, $0.0e+00;
	vm1 =	vlt.s32 v9, $0xFFF  }
0x144: {  	vm4 =	vmand vm2, vm0;
	v6 =	vnsel vm1, $0xFFF, v9;
	_ =	sdelay $0x4  }
0x145: {  	[tilespmem:v6+s19+$0x0] =	vst.idx.add.f32.msk vm0, v1  }
0x146: {  	[tilespmem:v6+s20+$0x0] =	vst.idx.add.f32.msk vm4, v1  }
0x147: {  	[tilespmem:v6+s21+$0x0] =	vst.idx.add.f32.msk vm0, v7  }
0x148: {  	v6 =	vld [tilespmem:s2+$0xC010];
	_ =	sdelay $0x1  }
0x149: {  	v7 =	vld [tilespmem:s2+$0x8010];
	_ =	sdelay $0x2  }
0x14a: {  	v61 =	vcvt.s32.f32 v6;
	_ =	sdelay $0x1  }
0x14b: {  	v10 =	vmul.f32 v61, v7;
	_ =	sdelay $0x1  }
0x14c: {  	v7 =	vadd.f32 $1.000000000e+00, v7;
	v10 =	vadd.f32 v10, v10;
	_ =	sdelay $0x1  }
0x14d: {  	v7 =	vsub.f32 v7, v10;
	_ =	sdelay $0x1  }
0x14e: {  	v10 =	vmul.f32 $2.560000000e+02, v7;
	_ =	sdelay $0x1  }
0x14f: {  	v10 =	vtrunc.f32 v10  }
0x150: {  	v10 =	vcvt.f32.s32 v10;
	_ =	sdelay $0x1  }
0x151: {  	vm7 =	vgt.s32 v6, $0x0;
	vm5 =	vgt.f32 v7, $0.0e+00;
	vm6 =	vlt.s32 v10, $0xFFF  }
0x152: {  	vm8 =	vmand vm7, vm5;
	v6 =	vnsel vm6, $0xFFF, v10;
	_ =	sdelay $0x4  }
0x153: {  	[tilespmem:v6+s19+$0x0] =	vst.idx.add.f32.msk vm5, v1  }
0x154: {  	[tilespmem:v6+s20+$0x0] =	vst.idx.add.f32.msk vm8, v1  }
0x155: {  	[tilespmem:v6+s21+$0x0] =	vst.idx.add.f32.msk vm5, v7  }
0x156: {  	v6 =	vld [tilespmem:s2+$0xC020];
	_ =	sdelay $0x1  }
0x157: {  	v7 =	vld [tilespmem:s2+$0x8020];
	_ =	sdelay $0x2  }
0x158: {  	v62 =	vcvt.s32.f32 v6;
	_ =	sdelay $0x1  }
0x159: {  	v11 =	vmul.f32 v62, v7;
	_ =	sdelay $0x1  }
0x15a: {  	v7 =	vadd.f32 $1.000000000e+00, v7;
	v11 =	vadd.f32 v11, v11;
	_ =	sdelay $0x1  }
0x15b: {  	v7 =	vsub.f32 v7, v11;
	_ =	sdelay $0x1  }
0x15c: {  	v11 =	vmul.f32 $2.560000000e+02, v7;
	_ =	sdelay $0x1  }
0x15d: {  	v11 =	vtrunc.f32 v11  }
0x15e: {  	v11 =	vcvt.f32.s32 v11;
	_ =	sdelay $0x1  }
0x15f: {  	vm11 =	vgt.s32 v6, $0x0;
	vm9 =	vgt.f32 v7, $0.0e+00;
	vm10 =	vlt.s32 v11, $0xFFF  }
0x160: {  	vm12 =	vmand vm11, vm9;
	v6 =	vnsel vm10, $0xFFF, v11;
	_ =	sdelay $0x4  }
0x161: {  	[tilespmem:v6+s19+$0x0] =	vst.idx.add.f32.msk vm9, v1  }
0x162: {  	[tilespmem:v6+s20+$0x0] =	vst.idx.add.f32.msk vm12, v1  }
0x163: {  	[tilespmem:v6+s21+$0x0] =	vst.idx.add.f32.msk vm9, v7  }
0x164: {  	v6 =	vld [tilespmem:s2+$0xC030];
	_ =	sdelay $0x1  }
0x165: {  	v7 =	vld [tilespmem:s2+$0x8030];
	_ =	sdelay $0x2  }
0x166: {  	v63 =	vcvt.s32.f32 v6;
	_ =	sdelay $0x1  }
0x167: {  	v12 =	vmul.f32 v63, v7;
	_ =	sdelay $0x1  }
0x168: {  	v7 =	vadd.f32 $1.000000000e+00, v7;
	v12 =	vadd.f32 v12, v12;
	_ =	sdelay $0x1  }
0x169: {  	v7 =	vsub.f32 v7, v12;
	_ =	sdelay $0x1  }
0x16a: {  	v12 =	vmul.f32 $2.560000000e+02, v7;
	_ =	sdelay $0x1  }
0x16b: {  	v12 =	vtrunc.f32 v12  }
0x16c: {  	v12 =	vcvt.f32.s32 v12;
	_ =	sdelay $0x1  }
0x16d: {  	vm13 =	vgt.s32 v6, $0x0;
	vm14 =	vgt.f32 v7, $0.0e+00;
	vm15 =	vlt.s32 v12, $0xFFF  }
0x16e: {  	vm0 =	vmand vm13, vm14;
	v6 =	vnsel vm15, $0xFFF, v12;
	_ =	sdelay $0x1  }
0x16f: {  	p1 =	sne.s32 s1, $0xFF00  }
.Ltmp6:
0x170: {  	_ = 	snop;
	(pc) =	sbr.rel @p1 .LBB2_10-.Ltmp6, $4  }
0x171: {  	_ = 	snop  }
0x172: {  	[tilespmem:v6+s19+$0x0] =	vst.idx.add.f32.msk vm14, v1  }
0x173: {  	v5 =	vadd.f32 v8, v5;
	v4 =	vadd.f32 v61, v4;
	[tilespmem:v6+s20+$0x0] =	vst.idx.add.f32.msk vm0, v1  }
0x174: {  	s1 =	sadd.s32 $0x100, s1;
	v3 =	vadd.f32 v62, v3;
	v2 =	vadd.f32 v63, v2;
	[tilespmem:v6+s21+$0x0] =	vst.idx.add.f32.msk vm14, v7  }
0x175: {  	s1 =	simm.s32 $0x0  }
0x176: {  	[tilespmem:s31], [sflag:$0x3] =	stream.linear.gather [hbm4b:s11+s1], $0x4000, $0x38;
	[tilespmem:$0x14080] =	vst v63  }
0x177: {  	_ = 	snop  }
0x178: {  	[tilespmem:s23], [sflag:$0x4] =	stream.linear.gather [hbm4b:s12+s1], $0x4000, $0x38;
	[tilespmem:$0x14080] =	vst v63  }
0x179: {  	_ =	swait.ge [sflag:s0], $0x4000  }
0x17a: {  	[sflag:s0] =	ssyncset.done $0x0  }
0x17b: {  	[sflag:s0] =	ssyncadd.s32 $0xFFFFC000  }
0x17c: {  	_ =	swait.ge [sflag:s18], $0x4000  }
0x17d: {  	[sflag:s18] =	ssyncset.done $0x0  }
0x17e: {  	[sflag:s18] =	ssyncadd.s32 $0xFFFFC000  }
.LBB2_12:
0x17f: {  	s2 =	sshra.s32 s1, $0x2  }
0x180: {  	v6 =	vld [tilespmem:s2+$0x4000];
	_ =	sdelay $0x1  }
0x181: {  	v7 =	vld [tilespmem:s2+$0x0];
	_ =	sdelay $0x2  }
0x182: {  	v8 =	vcvt.s32.f32 v6;
	_ =	sdelay $0x1  }
0x183: {  	v9 =	vmul.f32 v8, v7;
	_ =	sdelay $0x1  }
0x184: {  	v7 =	vadd.f32 $1.000000000e+00, v7;
	v9 =	vadd.f32 v9, v9;
	_ =	sdelay $0x1  }
0x185: {  	v7 =	vsub.f32 v7, v9;
	_ =	sdelay $0x1  }
0x186: {  	v9 =	vmul.f32 $2.560000000e+02, v7;
	_ =	sdelay $0x1  }
0x187: {  	v9 =	vtrunc.f32 v9  }
0x188: {  	v9 =	vcvt.f32.s32 v9;
	_ =	sdelay $0x1  }
0x189: {  	vm2 =	vgt.s32 v6, $0x0;
	vm0 =	vgt.f32 v7, $0.0e+00;
	vm1 =	vlt.s32 v9, $0xFFF  }
0x18a: {  	vm4 =	vmand vm2, vm0;
	v6 =	vnsel vm1, $0xFFF, v9;
	_ =	sdelay $0x4  }
0x18b: {  	[tilespmem:v6+s19+$0x0] =	vst.idx.add.f32.msk vm0, v1  }
0x18c: {  	[tilespmem:v6+s20+$0x0] =	vst.idx.add.f32.msk vm4, v1  }
0x18d: {  	[tilespmem:v6+s21+$0x0] =	vst.idx.add.f32.msk vm0, v7  }
0x18e: {  	v6 =	vld [tilespmem:s2+$0x4010];
	_ =	sdelay $0x1  }
0x18f: {  	v7 =	vld [tilespmem:s2+$0x10];
	_ =	sdelay $0x2  }
0x190: {  	v61 =	vcvt.s32.f32 v6;
	_ =	sdelay $0x1  }
0x191: {  	v10 =	vmul.f32 v61, v7;
	_ =	sdelay $0x1  }
0x192: {  	v7 =	vadd.f32 $1.000000000e+00, v7;
	v10 =	vadd.f32 v10, v10;
	_ =	sdelay $0x1  }
0x193: {  	v7 =	vsub.f32 v7, v10;
	_ =	sdelay $0x1  }
0x194: {  	v10 =	vmul.f32 $2.560000000e+02, v7;
	_ =	sdelay $0x1  }
0x195: {  	v10 =	vtrunc.f32 v10  }
0x196: {  	v10 =	vcvt.f32.s32 v10;
	_ =	sdelay $0x1  }
0x197: {  	vm7 =	vgt.s32 v6, $0x0;
	vm5 =	vgt.f32 v7, $0.0e+00;
	vm6 =	vlt.s32 v10, $0xFFF  }
0x198: {  	vm8 =	vmand vm7, vm5;
	v6 =	vnsel vm6, $0xFFF, v10;
	_ =	sdelay $0x4  }
0x199: {  	[tilespmem:v6+s19+$0x0] =	vst.idx.add.f32.msk vm5, v1  }
0x19a: {  	[tilespmem:v6+s20+$0x0] =	vst.idx.add.f32.msk vm8, v1  }
0x19b: {  	[tilespmem:v6+s21+$0x0] =	vst.idx.add.f32.msk vm5, v7  }
0x19c: {  	v6 =	vld [tilespmem:s2+$0x4020];
	_ =	sdelay $0x1  }
0x19d: {  	v7 =	vld [tilespmem:s2+$0x20];
	_ =	sdelay $0x2  }
0x19e: {  	v62 =	vcvt.s32.f32 v6;
	_ =	sdelay $0x1  }
0x19f: {  	v11 =	vmul.f32 v62, v7;
	_ =	sdelay $0x1  }
0x1a0: {  	v7 =	vadd.f32 $1.000000000e+00, v7;
	v11 =	vadd.f32 v11, v11;
	_ =	sdelay $0x1  }
0x1a1: {  	v7 =	vsub.f32 v7, v11;
	_ =	sdelay $0x1  }
0x1a2: {  	v11 =	vmul.f32 $2.560000000e+02, v7;
	_ =	sdelay $0x1  }
0x1a3: {  	v11 =	vtrunc.f32 v11  }
0x1a4: {  	v11 =	vcvt.f32.s32 v11;
	_ =	sdelay $0x1  }
0x1a5: {  	vm11 =	vgt.s32 v6, $0x0;
	vm9 =	vgt.f32 v7, $0.0e+00;
	vm10 =	vlt.s32 v11, $0xFFF  }
0x1a6: {  	vm12 =	vmand vm11, vm9;
	v6 =	vnsel vm10, $0xFFF, v11;
	_ =	sdelay $0x4  }
0x1a7: {  	[tilespmem:v6+s19+$0x0] =	vst.idx.add.f32.msk vm9, v1  }
0x1a8: {  	[tilespmem:v6+s20+$0x0] =	vst.idx.add.f32.msk vm12, v1  }
0x1a9: {  	[tilespmem:v6+s21+$0x0] =	vst.idx.add.f32.msk vm9, v7  }
0x1aa: {  	v6 =	vld [tilespmem:s2+$0x4030];
	_ =	sdelay $0x1  }
0x1ab: {  	v7 =	vld [tilespmem:s2+$0x30];
	_ =	sdelay $0x2  }
0x1ac: {  	v63 =	vcvt.s32.f32 v6;
	_ =	sdelay $0x1  }
0x1ad: {  	v12 =	vmul.f32 v63, v7;
	_ =	sdelay $0x1  }
0x1ae: {  	v7 =	vadd.f32 $1.000000000e+00, v7;
	v12 =	vadd.f32 v12, v12;
	_ =	sdelay $0x1  }
0x1af: {  	v7 =	vsub.f32 v7, v12;
	_ =	sdelay $0x1  }
0x1b0: {  	v12 =	vmul.f32 $2.560000000e+02, v7;
	_ =	sdelay $0x1  }
0x1b1: {  	v12 =	vtrunc.f32 v12  }
0x1b2: {  	v12 =	vcvt.f32.s32 v12;
	_ =	sdelay $0x1  }
0x1b3: {  	vm13 =	vgt.s32 v6, $0x0;
	vm14 =	vgt.f32 v7, $0.0e+00;
	vm15 =	vlt.s32 v12, $0xFFF  }
0x1b4: {  	vm0 =	vmand vm13, vm14;
	v6 =	vnsel vm15, $0xFFF, v12;
	_ =	sdelay $0x1  }
0x1b5: {  	p1 =	sne.s32 s1, $0xFF00  }
.Ltmp7:
0x1b6: {  	_ = 	snop;
	(pc) =	sbr.rel @p1 .LBB2_12-.Ltmp7, $4  }
0x1b7: {  	_ = 	snop  }
0x1b8: {  	[tilespmem:v6+s19+$0x0] =	vst.idx.add.f32.msk vm14, v1  }
0x1b9: {  	v5 =	vadd.f32 v8, v5;
	v4 =	vadd.f32 v61, v4;
	[tilespmem:v6+s20+$0x0] =	vst.idx.add.f32.msk vm0, v1  }
0x1ba: {  	s1 =	sadd.s32 $0x100, s1;
	v3 =	vadd.f32 v62, v3;
	v2 =	vadd.f32 v63, v2;
	[tilespmem:v6+s21+$0x0] =	vst.idx.add.f32.msk vm14, v7  }
0x1bb: {  	s1 =	simm.s32 $0x0  }
0x1bc: {  	[tilespmem:s1], [sflag:$0x1] =	stream.linear.gather [hbm4b:s13+s1], $0x4000, $0x38;
	[tilespmem:$0x14080] =	vst v63  }
0x1bd: {  	_ = 	snop  }
0x1be: {  	[tilespmem:s30], [sflag:$0x2] =	stream.linear.gather [hbm4b:s14+s1], $0x4000, $0x38;
	[tilespmem:$0x14080] =	vst v63  }
0x1bf: {  	_ =	swait.ge [sflag:s22], $0x4000  }
0x1c0: {  	[sflag:s22] =	ssyncset.done $0x0  }
0x1c1: {  	[sflag:s22] =	ssyncadd.s32 $0xFFFFC000  }
0x1c2: {  	_ =	swait.ge [sflag:s24], $0x4000  }
0x1c3: {  	[sflag:s24] =	ssyncset.done $0x0  }
0x1c4: {  	[sflag:s24] =	ssyncadd.s32 $0xFFFFC000  }
.LBB2_14:
0x1c5: {  	s2 =	sshra.s32 s1, $0x2  }
0x1c6: {  	v6 =	vld [tilespmem:s2+$0xC000];
	_ =	sdelay $0x1  }
0x1c7: {  	v7 =	vld [tilespmem:s2+$0x8000];
	_ =	sdelay $0x2  }
0x1c8: {  	v8 =	vcvt.s32.f32 v6;
	_ =	sdelay $0x1  }
0x1c9: {  	v9 =	vmul.f32 v8, v7;
	_ =	sdelay $0x1  }
0x1ca: {  	v7 =	vadd.f32 $1.000000000e+00, v7;
	v9 =	vadd.f32 v9, v9;
	_ =	sdelay $0x1  }
0x1cb: {  	v7 =	vsub.f32 v7, v9;
	_ =	sdelay $0x1  }
0x1cc: {  	v9 =	vmul.f32 $2.560000000e+02, v7;
	_ =	sdelay $0x1  }
0x1cd: {  	v9 =	vtrunc.f32 v9  }
0x1ce: {  	v9 =	vcvt.f32.s32 v9;
	_ =	sdelay $0x1  }
0x1cf: {  	vm2 =	vgt.s32 v6, $0x0;
	vm0 =	vgt.f32 v7, $0.0e+00;
	vm1 =	vlt.s32 v9, $0xFFF  }
0x1d0: {  	vm4 =	vmand vm2, vm0;
	v6 =	vnsel vm1, $0xFFF, v9;
	_ =	sdelay $0x4  }
0x1d1: {  	[tilespmem:v6+s19+$0x0] =	vst.idx.add.f32.msk vm0, v1  }
0x1d2: {  	[tilespmem:v6+s20+$0x0] =	vst.idx.add.f32.msk vm4, v1  }
0x1d3: {  	[tilespmem:v6+s21+$0x0] =	vst.idx.add.f32.msk vm0, v7  }
0x1d4: {  	v6 =	vld [tilespmem:s2+$0xC010];
	_ =	sdelay $0x1  }
0x1d5: {  	v7 =	vld [tilespmem:s2+$0x8010];
	_ =	sdelay $0x2  }
0x1d6: {  	v61 =	vcvt.s32.f32 v6;
	_ =	sdelay $0x1  }
0x1d7: {  	v10 =	vmul.f32 v61, v7;
	_ =	sdelay $0x1  }
0x1d8: {  	v7 =	vadd.f32 $1.000000000e+00, v7;
	v10 =	vadd.f32 v10, v10;
	_ =	sdelay $0x1  }
0x1d9: {  	v7 =	vsub.f32 v7, v10;
	_ =	sdelay $0x1  }
0x1da: {  	v10 =	vmul.f32 $2.560000000e+02, v7;
	_ =	sdelay $0x1  }
0x1db: {  	v10 =	vtrunc.f32 v10  }
0x1dc: {  	v10 =	vcvt.f32.s32 v10;
	_ =	sdelay $0x1  }
0x1dd: {  	vm7 =	vgt.s32 v6, $0x0;
	vm5 =	vgt.f32 v7, $0.0e+00;
	vm6 =	vlt.s32 v10, $0xFFF  }
0x1de: {  	vm8 =	vmand vm7, vm5;
	v6 =	vnsel vm6, $0xFFF, v10;
	_ =	sdelay $0x4  }
0x1df: {  	[tilespmem:v6+s19+$0x0] =	vst.idx.add.f32.msk vm5, v1  }
0x1e0: {  	[tilespmem:v6+s20+$0x0] =	vst.idx.add.f32.msk vm8, v1  }
0x1e1: {  	[tilespmem:v6+s21+$0x0] =	vst.idx.add.f32.msk vm5, v7  }
0x1e2: {  	v6 =	vld [tilespmem:s2+$0xC020];
	_ =	sdelay $0x1  }
0x1e3: {  	v7 =	vld [tilespmem:s2+$0x8020];
	_ =	sdelay $0x2  }
0x1e4: {  	v62 =	vcvt.s32.f32 v6;
	_ =	sdelay $0x1  }
0x1e5: {  	v11 =	vmul.f32 v62, v7;
	_ =	sdelay $0x1  }
0x1e6: {  	v7 =	vadd.f32 $1.000000000e+00, v7;
	v11 =	vadd.f32 v11, v11;
	_ =	sdelay $0x1  }
0x1e7: {  	v7 =	vsub.f32 v7, v11;
	_ =	sdelay $0x1  }
0x1e8: {  	v11 =	vmul.f32 $2.560000000e+02, v7;
	_ =	sdelay $0x1  }
0x1e9: {  	v11 =	vtrunc.f32 v11  }
0x1ea: {  	v11 =	vcvt.f32.s32 v11;
	_ =	sdelay $0x1  }
0x1eb: {  	vm11 =	vgt.s32 v6, $0x0;
	vm9 =	vgt.f32 v7, $0.0e+00;
	vm10 =	vlt.s32 v11, $0xFFF  }
0x1ec: {  	vm12 =	vmand vm11, vm9;
	v6 =	vnsel vm10, $0xFFF, v11;
	_ =	sdelay $0x4  }
0x1ed: {  	[tilespmem:v6+s19+$0x0] =	vst.idx.add.f32.msk vm9, v1  }
0x1ee: {  	[tilespmem:v6+s20+$0x0] =	vst.idx.add.f32.msk vm12, v1  }
0x1ef: {  	[tilespmem:v6+s21+$0x0] =	vst.idx.add.f32.msk vm9, v7  }
0x1f0: {  	v6 =	vld [tilespmem:s2+$0xC030];
	_ =	sdelay $0x1  }
0x1f1: {  	v7 =	vld [tilespmem:s2+$0x8030];
	_ =	sdelay $0x2  }
0x1f2: {  	v63 =	vcvt.s32.f32 v6;
	_ =	sdelay $0x1  }
0x1f3: {  	v12 =	vmul.f32 v63, v7;
	_ =	sdelay $0x1  }
0x1f4: {  	v7 =	vadd.f32 $1.000000000e+00, v7;
	v12 =	vadd.f32 v12, v12;
	_ =	sdelay $0x1  }
0x1f5: {  	v7 =	vsub.f32 v7, v12;
	_ =	sdelay $0x1  }
0x1f6: {  	v12 =	vmul.f32 $2.560000000e+02, v7;
	_ =	sdelay $0x1  }
0x1f7: {  	v12 =	vtrunc.f32 v12  }
0x1f8: {  	v12 =	vcvt.f32.s32 v12;
	_ =	sdelay $0x1  }
0x1f9: {  	vm13 =	vgt.s32 v6, $0x0;
	vm14 =	vgt.f32 v7, $0.0e+00;
	vm15 =	vlt.s32 v12, $0xFFF  }
0x1fa: {  	vm0 =	vmand vm13, vm14;
	v6 =	vnsel vm15, $0xFFF, v12;
	_ =	sdelay $0x1  }
0x1fb: {  	p1 =	sne.s32 s1, $0xFF00  }
.Ltmp8:
0x1fc: {  	_ = 	snop;
	(pc) =	sbr.rel @p1 .LBB2_14-.Ltmp8, $4  }
0x1fd: {  	_ = 	snop  }
0x1fe: {  	[tilespmem:v6+s19+$0x0] =	vst.idx.add.f32.msk vm14, v1  }
0x1ff: {  	v5 =	vadd.f32 v8, v5;
	v4 =	vadd.f32 v61, v4;
	[tilespmem:v6+s20+$0x0] =	vst.idx.add.f32.msk vm0, v1  }
0x200: {  	s1 =	sadd.s32 $0x100, s1;
	v3 =	vadd.f32 v62, v3;
	v2 =	vadd.f32 v63, v2;
	[tilespmem:v6+s21+$0x0] =	vst.idx.add.f32.msk vm14, v7  }
0x201: {  	s1 =	simm.s32 $0x0  }
0x202: {  	[tilespmem:s31], [sflag:$0x3] =	stream.linear.gather [hbm4b:s15+s1], $0x4000, $0x38;
	[tilespmem:$0x14080] =	vst v63  }
0x203: {  	_ = 	snop  }
0x204: {  	[tilespmem:s23], [sflag:$0x4] =	stream.linear.gather [hbm4b:s29+s1], $0x4000, $0x38;
	[tilespmem:$0x14080] =	vst v63  }
0x205: {  	_ =	swait.ge [sflag:s0], $0x4000  }
0x206: {  	[sflag:s0] =	ssyncset.done $0x0  }
0x207: {  	[sflag:s0] =	ssyncadd.s32 $0xFFFFC000  }
0x208: {  	_ =	swait.ge [sflag:s18], $0x4000  }
0x209: {  	[sflag:s18] =	ssyncset.done $0x0  }
0x20a: {  	[sflag:s18] =	ssyncadd.s32 $0xFFFFC000  }
.LBB2_16:
0x20b: {  	s2 =	sshra.s32 s1, $0x2  }
0x20c: {  	v6 =	vld [tilespmem:s2+$0x4000];
	_ =	sdelay $0x1  }
0x20d: {  	v7 =	vld [tilespmem:s2+$0x0];
	_ =	sdelay $0x2  }
0x20e: {  	v8 =	vcvt.s32.f32 v6;
	_ =	sdelay $0x1  }
0x20f: {  	v9 =	vmul.f32 v8, v7;
	_ =	sdelay $0x1  }
0x210: {  	v7 =	vadd.f32 $1.000000000e+00, v7;
	v9 =	vadd.f32 v9, v9;
	_ =	sdelay $0x1  }
0x211: {  	v7 =	vsub.f32 v7, v9;
	_ =	sdelay $0x1  }
0x212: {  	v9 =	vmul.f32 $2.560000000e+02, v7;
	_ =	sdelay $0x1  }
0x213: {  	v9 =	vtrunc.f32 v9  }
0x214: {  	v9 =	vcvt.f32.s32 v9;
	_ =	sdelay $0x1  }
0x215: {  	vm2 =	vgt.s32 v6, $0x0;
	vm0 =	vgt.f32 v7, $0.0e+00;
	vm1 =	vlt.s32 v9, $0xFFF  }
0x216: {  	vm4 =	vmand vm2, vm0;
	v6 =	vnsel vm1, $0xFFF, v9;
	_ =	sdelay $0x4  }
0x217: {  	[tilespmem:v6+s19+$0x0] =	vst.idx.add.f32.msk vm0, v1  }
0x218: {  	[tilespmem:v6+s20+$0x0] =	vst.idx.add.f32.msk vm4, v1  }
0x219: {  	[tilespmem:v6+s21+$0x0] =	vst.idx.add.f32.msk vm0, v7  }
0x21a: {  	v6 =	vld [tilespmem:s2+$0x4010];
	_ =	sdelay $0x1  }
0x21b: {  	v7 =	vld [tilespmem:s2+$0x10];
	_ =	sdelay $0x2  }
0x21c: {  	v61 =	vcvt.s32.f32 v6;
	_ =	sdelay $0x1  }
0x21d: {  	v10 =	vmul.f32 v61, v7;
	_ =	sdelay $0x1  }
0x21e: {  	v7 =	vadd.f32 $1.000000000e+00, v7;
	v10 =	vadd.f32 v10, v10;
	_ =	sdelay $0x1  }
0x21f: {  	v7 =	vsub.f32 v7, v10;
	_ =	sdelay $0x1  }
0x220: {  	v10 =	vmul.f32 $2.560000000e+02, v7;
	_ =	sdelay $0x1  }
0x221: {  	v10 =	vtrunc.f32 v10  }
0x222: {  	v10 =	vcvt.f32.s32 v10;
	_ =	sdelay $0x1  }
0x223: {  	vm7 =	vgt.s32 v6, $0x0;
	vm5 =	vgt.f32 v7, $0.0e+00;
	vm6 =	vlt.s32 v10, $0xFFF  }
0x224: {  	vm8 =	vmand vm7, vm5;
	v6 =	vnsel vm6, $0xFFF, v10;
	_ =	sdelay $0x4  }
0x225: {  	[tilespmem:v6+s19+$0x0] =	vst.idx.add.f32.msk vm5, v1  }
0x226: {  	[tilespmem:v6+s20+$0x0] =	vst.idx.add.f32.msk vm8, v1  }
0x227: {  	[tilespmem:v6+s21+$0x0] =	vst.idx.add.f32.msk vm5, v7  }
0x228: {  	v6 =	vld [tilespmem:s2+$0x4020];
	_ =	sdelay $0x1  }
0x229: {  	v7 =	vld [tilespmem:s2+$0x20];
	_ =	sdelay $0x2  }
0x22a: {  	v62 =	vcvt.s32.f32 v6;
	_ =	sdelay $0x1  }
0x22b: {  	v11 =	vmul.f32 v62, v7;
	_ =	sdelay $0x1  }
0x22c: {  	v7 =	vadd.f32 $1.000000000e+00, v7;
	v11 =	vadd.f32 v11, v11;
	_ =	sdelay $0x1  }
0x22d: {  	v7 =	vsub.f32 v7, v11;
	_ =	sdelay $0x1  }
0x22e: {  	v11 =	vmul.f32 $2.560000000e+02, v7;
	_ =	sdelay $0x1  }
0x22f: {  	v11 =	vtrunc.f32 v11  }
0x230: {  	v11 =	vcvt.f32.s32 v11;
	_ =	sdelay $0x1  }
0x231: {  	vm11 =	vgt.s32 v6, $0x0;
	vm9 =	vgt.f32 v7, $0.0e+00;
	vm10 =	vlt.s32 v11, $0xFFF  }
0x232: {  	vm12 =	vmand vm11, vm9;
	v6 =	vnsel vm10, $0xFFF, v11;
	_ =	sdelay $0x4  }
0x233: {  	[tilespmem:v6+s19+$0x0] =	vst.idx.add.f32.msk vm9, v1  }
0x234: {  	[tilespmem:v6+s20+$0x0] =	vst.idx.add.f32.msk vm12, v1  }
0x235: {  	[tilespmem:v6+s21+$0x0] =	vst.idx.add.f32.msk vm9, v7  }
0x236: {  	v6 =	vld [tilespmem:s2+$0x4030];
	_ =	sdelay $0x1  }
0x237: {  	v7 =	vld [tilespmem:s2+$0x30];
	_ =	sdelay $0x2  }
0x238: {  	v63 =	vcvt.s32.f32 v6;
	_ =	sdelay $0x1  }
0x239: {  	v12 =	vmul.f32 v63, v7;
	_ =	sdelay $0x1  }
0x23a: {  	v7 =	vadd.f32 $1.000000000e+00, v7;
	v12 =	vadd.f32 v12, v12;
	_ =	sdelay $0x1  }
0x23b: {  	v7 =	vsub.f32 v7, v12;
	_ =	sdelay $0x1  }
0x23c: {  	v12 =	vmul.f32 $2.560000000e+02, v7;
	_ =	sdelay $0x1  }
0x23d: {  	v12 =	vtrunc.f32 v12  }
0x23e: {  	v12 =	vcvt.f32.s32 v12;
	_ =	sdelay $0x1  }
0x23f: {  	vm13 =	vgt.s32 v6, $0x0;
	vm14 =	vgt.f32 v7, $0.0e+00;
	vm15 =	vlt.s32 v12, $0xFFF  }
0x240: {  	vm0 =	vmand vm13, vm14;
	v6 =	vnsel vm15, $0xFFF, v12;
	_ =	sdelay $0x1  }
0x241: {  	p1 =	sne.s32 s1, $0xFF00  }
.Ltmp9:
0x242: {  	_ = 	snop;
	(pc) =	sbr.rel @p1 .LBB2_16-.Ltmp9, $4  }
0x243: {  	_ = 	snop  }
0x244: {  	[tilespmem:v6+s19+$0x0] =	vst.idx.add.f32.msk vm14, v1  }
0x245: {  	v5 =	vadd.f32 v8, v5;
	v4 =	vadd.f32 v61, v4;
	[tilespmem:v6+s20+$0x0] =	vst.idx.add.f32.msk vm0, v1  }
0x246: {  	s1 =	sadd.s32 $0x100, s1;
	v3 =	vadd.f32 v62, v3;
	v2 =	vadd.f32 v63, v2;
	[tilespmem:v6+s21+$0x0] =	vst.idx.add.f32.msk vm14, v7  }
0x247: {  	_ =	swait.ge [sflag:s22], $0x4000  }
0x248: {  	[sflag:s22] =	ssyncset.done $0x0  }
0x249: {  	[sflag:s22] =	ssyncadd.s32 $0xFFFFC000  }
0x24a: {  	_ =	swait.ge [sflag:s24], $0x4000  }
0x24b: {  	[sflag:s24] =	ssyncset.done $0x0  }
0x24c: {  	s1 =	simm.s32 $0x0;
	[sflag:s24] =	ssyncadd.s32 $0xFFFFC000  }
.LBB2_18:
0x24d: {  	s2 =	sshra.s32 s1, $0x2  }
0x24e: {  	v6 =	vld [tilespmem:s2+$0xC000];
	_ =	sdelay $0x1  }
0x24f: {  	v7 =	vld [tilespmem:s2+$0x8000];
	_ =	sdelay $0x2  }
0x250: {  	v8 =	vcvt.s32.f32 v6;
	_ =	sdelay $0x1  }
0x251: {  	v9 =	vmul.f32 v8, v7;
	_ =	sdelay $0x1  }
0x252: {  	v7 =	vadd.f32 $1.000000000e+00, v7;
	v9 =	vadd.f32 v9, v9;
	_ =	sdelay $0x1  }
0x253: {  	v7 =	vsub.f32 v7, v9;
	_ =	sdelay $0x1  }
0x254: {  	v9 =	vmul.f32 $2.560000000e+02, v7;
	_ =	sdelay $0x1  }
0x255: {  	v9 =	vtrunc.f32 v9  }
0x256: {  	v9 =	vcvt.f32.s32 v9;
	_ =	sdelay $0x1  }
0x257: {  	vm2 =	vgt.s32 v6, $0x0;
	vm0 =	vgt.f32 v7, $0.0e+00;
	vm1 =	vlt.s32 v9, $0xFFF  }
0x258: {  	vm4 =	vmand vm2, vm0;
	v6 =	vnsel vm1, $0xFFF, v9;
	_ =	sdelay $0x4  }
0x259: {  	[tilespmem:v6+s19+$0x0] =	vst.idx.add.f32.msk vm0, v1  }
0x25a: {  	[tilespmem:v6+s20+$0x0] =	vst.idx.add.f32.msk vm4, v1  }
0x25b: {  	[tilespmem:v6+s21+$0x0] =	vst.idx.add.f32.msk vm0, v7  }
0x25c: {  	v6 =	vld [tilespmem:s2+$0xC010];
	_ =	sdelay $0x1  }
0x25d: {  	v7 =	vld [tilespmem:s2+$0x8010];
	_ =	sdelay $0x2  }
0x25e: {  	v61 =	vcvt.s32.f32 v6;
	_ =	sdelay $0x1  }
0x25f: {  	v10 =	vmul.f32 v61, v7;
	_ =	sdelay $0x1  }
0x260: {  	v7 =	vadd.f32 $1.000000000e+00, v7;
	v10 =	vadd.f32 v10, v10;
	_ =	sdelay $0x1  }
0x261: {  	v7 =	vsub.f32 v7, v10;
	_ =	sdelay $0x1  }
0x262: {  	v10 =	vmul.f32 $2.560000000e+02, v7;
	_ =	sdelay $0x1  }
0x263: {  	v10 =	vtrunc.f32 v10  }
0x264: {  	v10 =	vcvt.f32.s32 v10;
	_ =	sdelay $0x1  }
0x265: {  	vm7 =	vgt.s32 v6, $0x0;
	vm5 =	vgt.f32 v7, $0.0e+00;
	vm6 =	vlt.s32 v10, $0xFFF  }
0x266: {  	vm8 =	vmand vm7, vm5;
	v6 =	vnsel vm6, $0xFFF, v10;
	_ =	sdelay $0x4  }
0x267: {  	[tilespmem:v6+s19+$0x0] =	vst.idx.add.f32.msk vm5, v1  }
0x268: {  	[tilespmem:v6+s20+$0x0] =	vst.idx.add.f32.msk vm8, v1  }
0x269: {  	[tilespmem:v6+s21+$0x0] =	vst.idx.add.f32.msk vm5, v7  }
0x26a: {  	v6 =	vld [tilespmem:s2+$0xC020];
	_ =	sdelay $0x1  }
0x26b: {  	v7 =	vld [tilespmem:s2+$0x8020];
	_ =	sdelay $0x2  }
0x26c: {  	v62 =	vcvt.s32.f32 v6;
	_ =	sdelay $0x1  }
0x26d: {  	v11 =	vmul.f32 v62, v7;
	_ =	sdelay $0x1  }
0x26e: {  	v7 =	vadd.f32 $1.000000000e+00, v7;
	v11 =	vadd.f32 v11, v11;
	_ =	sdelay $0x1  }
0x26f: {  	v7 =	vsub.f32 v7, v11;
	_ =	sdelay $0x1  }
0x270: {  	v11 =	vmul.f32 $2.560000000e+02, v7;
	_ =	sdelay $0x1  }
0x271: {  	v11 =	vtrunc.f32 v11  }
0x272: {  	v11 =	vcvt.f32.s32 v11;
	_ =	sdelay $0x1  }
0x273: {  	vm11 =	vgt.s32 v6, $0x0;
	vm9 =	vgt.f32 v7, $0.0e+00;
	vm10 =	vlt.s32 v11, $0xFFF  }
0x274: {  	vm12 =	vmand vm11, vm9;
	v6 =	vnsel vm10, $0xFFF, v11;
	_ =	sdelay $0x4  }
0x275: {  	[tilespmem:v6+s19+$0x0] =	vst.idx.add.f32.msk vm9, v1  }
0x276: {  	[tilespmem:v6+s20+$0x0] =	vst.idx.add.f32.msk vm12, v1  }
0x277: {  	[tilespmem:v6+s21+$0x0] =	vst.idx.add.f32.msk vm9, v7  }
0x278: {  	v6 =	vld [tilespmem:s2+$0xC030];
	_ =	sdelay $0x1  }
0x279: {  	v7 =	vld [tilespmem:s2+$0x8030];
	_ =	sdelay $0x2  }
0x27a: {  	v63 =	vcvt.s32.f32 v6;
	_ =	sdelay $0x1  }
0x27b: {  	v12 =	vmul.f32 v63, v7;
	_ =	sdelay $0x1  }
0x27c: {  	v7 =	vadd.f32 $1.000000000e+00, v7;
	v12 =	vadd.f32 v12, v12;
	_ =	sdelay $0x1  }
0x27d: {  	v7 =	vsub.f32 v7, v12;
	_ =	sdelay $0x1  }
0x27e: {  	v12 =	vmul.f32 $2.560000000e+02, v7;
	_ =	sdelay $0x1  }
0x27f: {  	v12 =	vtrunc.f32 v12  }
0x280: {  	v12 =	vcvt.f32.s32 v12;
	_ =	sdelay $0x1  }
0x281: {  	vm13 =	vgt.s32 v6, $0x0;
	vm14 =	vgt.f32 v7, $0.0e+00;
	vm15 =	vlt.s32 v12, $0xFFF  }
0x282: {  	vm0 =	vmand vm13, vm14;
	v6 =	vnsel vm15, $0xFFF, v12;
	_ =	sdelay $0x1  }
0x283: {  	p1 =	sne.s32 s1, $0xFF00  }
.Ltmp10:
0x284: {  	_ = 	snop;
	(pc) =	sbr.rel @p1 .LBB2_18-.Ltmp10, $4  }
0x285: {  	_ = 	snop  }
0x286: {  	[tilespmem:v6+s19+$0x0] =	vst.idx.add.f32.msk vm14, v1  }
0x287: {  	v5 =	vadd.f32 v8, v5;
	v4 =	vadd.f32 v61, v4;
	[tilespmem:v6+s20+$0x0] =	vst.idx.add.f32.msk vm0, v1  }
0x288: {  	s1 =	sadd.s32 $0x100, s1;
	v3 =	vadd.f32 v62, v3;
	v2 =	vadd.f32 v63, v2;
	[tilespmem:v6+s21+$0x0] =	vst.idx.add.f32.msk vm14, v7  }
.Ltmp11:
0x289: {  	(pc) =	sbr.rel @!p0 .LBB2_20-.Ltmp11, $3  }
0x28a: {  	_ = 	snop  }
0x28b: {  	v4 =	vadd.f32 v4, v5;
	v2 =	vadd.f32 v2, v3;
	_ =	sdelay $0x1  }
0x28c: {  	v2 =	vadd.f32 v2, v4  }
0x28d: {  	[bflag:$0x0] =	sbarrier.arrive $0xFFFF  }
0x28e: {  	s1 =	rddreg [dreg:$0xd]  }
0x28f: {  	[tilespmem:s7], [sflag:$0x5] =	stream.strided.gather [hbm4b:s1+s6], $0x1000, s26, s6, $0x38;
	[tilespmem:$0x14080] =	vst v63  }
0x290: {  	_ =	swait.ge [sflag:s17], $0x1000  }
0x291: {  	[sflag:s17] =	ssyncset.done $0x0  }
0x292: {  	s1 =	simm.s32 $0x10020;
	[sflag:s17] =	ssyncadd.s32 $0xFFFFF000  }
0x293: {  	s2 =	simm.s32 $0x13020;
	v3 =	vld [tilespmem:s1+$0xFFFFFFE0]  }
0x294: {  	v4 =	vld [tilespmem:s2+$0xFFFFFFE0];
	_ =	sdelay $0x4  }
0x295: {  	v3 =	vadd.f32 v4, v3;
	_ =	sdelay $0x1  }
0x296: {  	[tilespmem:s1+$0xFFFFFFE0] =	vst v3;
	v3 =	vld [tilespmem:s1+$0xFFFFFFF0]  }
0x297: {  	v4 =	vld [tilespmem:s2+$0xFFFFFFF0];
	_ =	sdelay $0x4  }
0x298: {  	v3 =	vadd.f32 v4, v3;
	_ =	sdelay $0x1  }
0x299: {  	[tilespmem:s1+$0xFFFFFFF0] =	vst v3;
	v3 =	vld [tilespmem:s1+$0x0]  }
0x29a: {  	v4 =	vld [tilespmem:s2+$0x0];
	_ =	sdelay $0x4  }
0x29b: {  	v3 =	vadd.f32 v4, v3;
	_ =	sdelay $0x1  }
0x29c: {  	[tilespmem:s1+$0x0] =	vst v3;
	v3 =	vld [tilespmem:s1+$0x10]  }
0x29d: {  	v4 =	vld [tilespmem:s2+$0x10];
	_ =	sdelay $0x3  }
0x29e: {  	s16 =	smov.u32 s15;
	s15 =	smov.u32 s14;
	s14 =	smov.u32 s13  }
0x29f: {  	s13 =	smov.u32 s12;
	s12 =	smov.u32 s11;
	s11 =	smov.u32 s10;
	v3 =	vadd.f32 v4, v3  }
0x2a0: {  	s10 =	smov.u32 s9;
	s3 =	simm.s32 $0x0;
	s4 =	simm.s32 $0x10060  }
.LBB2_22:
0x2a1: {  	v4 =	vld [tilespmem:s4+$0xFFFFFFE0];
	[tilespmem:s1+$0x10] =	vst v3;
	s2 =	sadd.s32 $0x40, s2;
	s1 =	smov.u32 s4  }
0x2a2: {  	s3 =	sadd.s32 $0x4, s3;
	v3 =	vld [tilespmem:s2+$0xFFFFFFE0]  }
0x2a3: {  	p1 =	slt.u32 s3, $0xFC;
	_ =	sdelay $0x3  }
0x2a4: {  	v3 =	vadd.f32 v3, v4;
	_ =	sdelay $0x1  }
0x2a5: {  	[tilespmem:s4+$0xFFFFFFE0] =	vst v3;
	v3 =	vld [tilespmem:s4+$0xFFFFFFF0]  }
0x2a6: {  	v4 =	vld [tilespmem:s2+$0xFFFFFFF0];
	_ =	sdelay $0x4  }
0x2a7: {  	v3 =	vadd.f32 v4, v3;
	_ =	sdelay $0x1  }
0x2a8: {  	[tilespmem:s4+$0xFFFFFFF0] =	vst v3;
	v3 =	vld [tilespmem:s4+$0x0]  }
0x2a9: {  	v4 =	vld [tilespmem:s2+$0x0];
	_ =	sdelay $0x4  }
0x2aa: {  	v3 =	vadd.f32 v4, v3;
	_ =	sdelay $0x1  }
0x2ab: {  	[tilespmem:s4+$0x0] =	vst v3;
	v3 =	vld [tilespmem:s4+$0x10]  }
0x2ac: {  	v4 =	vld [tilespmem:s2+$0x10];
	_ =	sdelay $0x1  }
.Ltmp12:
0x2ad: {  	(pc) =	sbr.rel @p1 .LBB2_22-.Ltmp12, $3  }
0x2ae: {  	_ =	sdelay $0x1  }
0x2af: {  	v3 =	vadd.f32 v4, v3  }
0x2b0: {  	s4 =	sadd.s32 $0x40, s4  }
0x2b1: {  	s9 =	smov.u32 s8;
	[tilespmem:s1+$0x10] =	vst v3;
	s8 =	rddreg [dreg:$0xe]  }
0x2b2: {  	[tilespmem:s7], [sflag:$0x5] =	stream.strided.gather [hbm4b:s8+s6], $0x1000, s26, s6, $0x38;
	[tilespmem:$0x14080] =	vst v63  }
0x2b3: {  	_ =	swait.ge [sflag:s17], $0x1000  }
0x2b4: {  	[sflag:s17] =	ssyncset.done $0x0  }
0x2b5: {  	s1 =	simm.s32 $0x11020;
	[sflag:s17] =	ssyncadd.s32 $0xFFFFF000  }
0x2b6: {  	s2 =	simm.s32 $0x13020;
	v3 =	vld [tilespmem:s1+$0xFFFFFFE0]  }
0x2b7: {  	v4 =	vld [tilespmem:s2+$0xFFFFFFE0];
	_ =	sdelay $0x4  }
0x2b8: {  	v3 =	vadd.f32 v4, v3;
	_ =	sdelay $0x1  }
0x2b9: {  	[tilespmem:s1+$0xFFFFFFE0] =	vst v3;
	v3 =	vld [tilespmem:s1+$0xFFFFFFF0]  }
0x2ba: {  	v4 =	vld [tilespmem:s2+$0xFFFFFFF0];
	_ =	sdelay $0x4  }
0x2bb: {  	v3 =	vadd.f32 v4, v3;
	_ =	sdelay $0x1  }
0x2bc: {  	[tilespmem:s1+$0xFFFFFFF0] =	vst v3;
	v3 =	vld [tilespmem:s1+$0x0]  }
0x2bd: {  	v4 =	vld [tilespmem:s2+$0x0];
	_ =	sdelay $0x4  }
0x2be: {  	v3 =	vadd.f32 v4, v3;
	_ =	sdelay $0x1  }
0x2bf: {  	[tilespmem:s1+$0x0] =	vst v3;
	v3 =	vld [tilespmem:s1+$0x10]  }
0x2c0: {  	v4 =	vld [tilespmem:s2+$0x10];
	_ =	sdelay $0x4  }
0x2c1: {  	v3 =	vadd.f32 v4, v3  }
0x2c2: {  	s3 =	simm.s32 $0x0;
	s4 =	simm.s32 $0x11060  }
.LBB2_24:
0x2c3: {  	v4 =	vld [tilespmem:s4+$0xFFFFFFE0];
	[tilespmem:s1+$0x10] =	vst v3;
	s2 =	sadd.s32 $0x40, s2;
	s1 =	smov.u32 s4  }
0x2c4: {  	s3 =	sadd.s32 $0x4, s3;
	v3 =	vld [tilespmem:s2+$0xFFFFFFE0]  }
0x2c5: {  	p1 =	slt.u32 s3, $0xFC;
	_ =	sdelay $0x3  }
0x2c6: {  	v3 =	vadd.f32 v3, v4;
	_ =	sdelay $0x1  }
0x2c7: {  	[tilespmem:s4+$0xFFFFFFE0] =	vst v3;
	v3 =	vld [tilespmem:s4+$0xFFFFFFF0]  }
0x2c8: {  	v4 =	vld [tilespmem:s2+$0xFFFFFFF0];
	_ =	sdelay $0x4  }
0x2c9: {  	v3 =	vadd.f32 v4, v3;
	_ =	sdelay $0x1  }
0x2ca: {  	[tilespmem:s4+$0xFFFFFFF0] =	vst v3;
	v3 =	vld [tilespmem:s4+$0x0]  }
0x2cb: {  	v4 =	vld [tilespmem:s2+$0x0];
	_ =	sdelay $0x4  }
0x2cc: {  	v3 =	vadd.f32 v4, v3;
	_ =	sdelay $0x1  }
0x2cd: {  	[tilespmem:s4+$0x0] =	vst v3;
	v3 =	vld [tilespmem:s4+$0x10]  }
0x2ce: {  	v4 =	vld [tilespmem:s2+$0x10];
	_ =	sdelay $0x1  }
.Ltmp13:
0x2cf: {  	(pc) =	sbr.rel @p1 .LBB2_24-.Ltmp13, $3  }
0x2d0: {  	_ =	sdelay $0x1  }
0x2d1: {  	v3 =	vadd.f32 v4, v3  }
0x2d2: {  	s4 =	sadd.s32 $0x40, s4  }
0x2d3: {  	[tilespmem:s1+$0x10] =	vst v3;
	s8 =	rddreg [dreg:$0xf]  }
0x2d4: {  	[tilespmem:s7], [sflag:$0x5] =	stream.strided.gather [hbm4b:s8+s6], $0x1000, s26, s6, $0x38;
	[tilespmem:$0x14080] =	vst v63  }
0x2d5: {  	_ =	swait.ge [sflag:s17], $0x1000  }
0x2d6: {  	[sflag:s17] =	ssyncset.done $0x0  }
0x2d7: {  	s1 =	simm.s32 $0x12020;
	[sflag:s17] =	ssyncadd.s32 $0xFFFFF000  }
0x2d8: {  	s2 =	simm.s32 $0x13020;
	v3 =	vld [tilespmem:s1+$0xFFFFFFE0]  }
0x2d9: {  	v4 =	vld [tilespmem:s2+$0xFFFFFFE0];
	_ =	sdelay $0x4  }
0x2da: {  	v3 =	vadd.f32 v4, v3;
	_ =	sdelay $0x1  }
0x2db: {  	[tilespmem:s1+$0xFFFFFFE0] =	vst v3;
	v3 =	vld [tilespmem:s1+$0xFFFFFFF0]  }
0x2dc: {  	v4 =	vld [tilespmem:s2+$0xFFFFFFF0];
	_ =	sdelay $0x4  }
0x2dd: {  	v3 =	vadd.f32 v4, v3;
	_ =	sdelay $0x1  }
0x2de: {  	[tilespmem:s1+$0xFFFFFFF0] =	vst v3;
	v3 =	vld [tilespmem:s1+$0x0]  }
0x2df: {  	v4 =	vld [tilespmem:s2+$0x0];
	_ =	sdelay $0x4  }
0x2e0: {  	v3 =	vadd.f32 v4, v3;
	_ =	sdelay $0x1  }
0x2e1: {  	[tilespmem:s1+$0x0] =	vst v3;
	v3 =	vld [tilespmem:s1+$0x10]  }
0x2e2: {  	v4 =	vld [tilespmem:s2+$0x10];
	_ =	sdelay $0x4  }
0x2e3: {  	v3 =	vadd.f32 v4, v3  }
0x2e4: {  	s3 =	simm.s32 $0x0;
	s4 =	simm.s32 $0x12060  }
.LBB2_26:
0x2e5: {  	v4 =	vld [tilespmem:s4+$0xFFFFFFE0];
	[tilespmem:s1+$0x10] =	vst v3;
	s2 =	sadd.s32 $0x40, s2;
	s1 =	smov.u32 s4  }
0x2e6: {  	s3 =	sadd.s32 $0x4, s3;
	v3 =	vld [tilespmem:s2+$0xFFFFFFE0]  }
0x2e7: {  	p1 =	slt.u32 s3, $0xFC;
	_ =	sdelay $0x3  }
0x2e8: {  	v3 =	vadd.f32 v3, v4;
	_ =	sdelay $0x1  }
0x2e9: {  	[tilespmem:s4+$0xFFFFFFE0] =	vst v3;
	v3 =	vld [tilespmem:s4+$0xFFFFFFF0]  }
0x2ea: {  	v4 =	vld [tilespmem:s2+$0xFFFFFFF0];
	_ =	sdelay $0x4  }
0x2eb: {  	v3 =	vadd.f32 v4, v3;
	_ =	sdelay $0x1  }
0x2ec: {  	[tilespmem:s4+$0xFFFFFFF0] =	vst v3;
	v3 =	vld [tilespmem:s4+$0x0]  }
0x2ed: {  	v4 =	vld [tilespmem:s2+$0x0];
	_ =	sdelay $0x4  }
0x2ee: {  	v3 =	vadd.f32 v4, v3;
	_ =	sdelay $0x1  }
0x2ef: {  	[tilespmem:s4+$0x0] =	vst v3;
	v3 =	vld [tilespmem:s4+$0x10]  }
0x2f0: {  	v4 =	vld [tilespmem:s2+$0x10];
	_ =	sdelay $0x1  }
.Ltmp14:
0x2f1: {  	(pc) =	sbr.rel @p1 .LBB2_26-.Ltmp14, $3  }
0x2f2: {  	_ =	sdelay $0x1  }
0x2f3: {  	v3 =	vadd.f32 v4, v3  }
0x2f4: {  	s4 =	sadd.s32 $0x40, s4  }
0x2f5: {  	[tilespmem:s1+$0x10] =	vst v3;
	s8 =	simm.s32 $0x0;
	s2 =	rddreg [dreg:$0x10];
	s3 =	simm.s32 $0x14000  }
0x2f6: {  	[tilespmem:s3], [sflag:$0x5] =	stream.linear.gather [hbm4b:s2+s8], $0x80, $0x38;
	[tilespmem:$0x14080] =	vst v63  }
0x2f7: {  	_ =	swait.ge [sflag:s17], $0x80  }
0x2f8: {  	[sflag:s17] =	ssyncset.done $0x0  }
0x2f9: {  	[sflag:s17] =	ssyncadd.s32 $0xFFFFFF80  }
0x2fa: {  	s3 =	simm.s32 $0x11FF0;
	v3 =	vld [tilespmem:$0x14000]  }
0x2fb: {  	s4 =	simm.s32 $0x10FF0;
	v5 =	vld [tilespmem:s3+$0x0]  }
0x2fc: {  	v6 =	vld [tilespmem:s4+$0x0];
	_ =	sdelay $0x1  }
0x2fd: {  	(xrf2) =	vadd.scan.msk.f32 $0xffff, v2  }
0x2fe: {  	(xrf2) =	vadd.scan.msk.f32 $0xffff, v3  }
0x2ff: {  	(xrf2) =	vadd.scan.msk.f32 $0xffff, v5  }
0x300: {  	(xrf2) =	vadd.scan.msk.f32 $0xffff, v6;
	_ =	sdelay $0x6  }
0x301: {  	v2, _, _ =	vpop (xrf2)  }
0x302: {  	v4 =	vld [tilespmem:s3+$0xFFFFFFF0];
	(v2sf) =	vpush v2, $0xF;
	v2, _, _ =	vpop (xrf2)  }
0x303: {  	v7 =	vld [tilespmem:s4+$0xFFFFFFF0];
	(v2sf) =	vpush v2, $0xF;
	v8, _, _ =	vpop (xrf2)  }
0x304: {  	(v2sf) =	vpush v8, $0xF;
	v9, _, _ =	vpop (xrf2)  }
0x305: {  	s5 =	simm.s32 $0x11FD0;
	(v2sf) =	vpush v9, $0xF  }
0x306: {  	v12 =	vld [tilespmem:s5+$0x0]  }
0x307: {  	(xrf2) =	vadd.scan.msk.f32 $0xffff, v4  }
0x308: {  	(xrf2) =	vadd.scan.msk.f32 $0xffff, v7;
	_ =	sdelay $0x2  }
0x309: {  	s6 =	simm.s32 $0x10FD0;
	(xrf2) =	vadd.scan.msk.f32 $0xffff, v12  }
0x30a: {  	v3 =	vld [tilespmem:s6+$0x0];
	_ =	sdelay $0x2  }
0x30b: {  	v11 =	vld [tilespmem:s5+$0xFFFFFFF0]  }
0x30c: {  	v18 =	vld [tilespmem:s6+$0xFFFFFFF0]  }
0x30d: {  	(xrf2) =	vadd.scan.msk.f32 $0xffff, v3;
	v19 =	vbroadcast v8, $0xF;
	v2, _, _ =	vpop (xrf2);
	s7 =	spop (v2sf)  }
0x30e: {  	v10, _, _ =	vpop (xrf2);
	s4 =	spop (v2sf)  }
0x30f: {  	v8 =	vsub.f32 v19, v8;
	v13 =	vbroadcast v10, $0xF;
	s8 =	spop (v2sf)  }
0x310: {  	s5 =	simm.f32 $0.0e+00;
	v14 =	vbroadcast v2, $0xF;
	(xrf2) =	vadd.scan.msk.f32 $0xffff, v11;
	(v2sf) =	vpush v10, $0xF;
	s6 =	spop (v2sf)  }
0x311: {  	v21 =	vadd.f32 s5, v8;
	v15, _, _ =	vpop (xrf2);
	(xrf2) =	vadd.scan.msk.f32 $0xffff, v18;
	v13 =	vsub.f32 v13, v10;
	s2 =	sadd.f32 s6, s5  }
0x312: {  	v14 =	vsub.f32 v14, v2;
	v10 =	vbroadcast v9, $0xF;
	s3 =	sadd.f32 s4, s7  }
0x313: {  	v5 =	vadd.f32 v21, v5;
	s4 =	sadd.f32 s8, s5;
	v16 =	vadd.f32 s2, v13  }
0x314: {  	v9 =	vsub.f32 v10, v9;
	(v2sf) =	vpush v2, $0xF  }
0x315: {  	v13 =	vadd.f32 s4, v14;
	v17 =	vadd.f32 v16, v7  }
0x316: {  	(v2sf) =	vpush v15, $0xF;
	v19 =	vadd.f32 s5, v9;
	v2 =	vmov s3  }
0x317: {  	v20, _, _ =	vpop (xrf2);
	v9 =	vmax.f32 v3, $1.000000000e+00;
	v10 =	vadd.f32 v13, v4;
	v4 =	vadd.f32 v17, v2  }
0x318: {  	(v2sf) =	vpush v20, $0xF;
	v23 =	vadd.f32 v19, v6;
	v14 =	vmax.f32 v6, $1.000000000e+00  }
0x319: {  	(erf) = vrcp.f32 v14;
	v7 =	vmax.f32 v7, $1.000000000e+00;
	v4 =	vsub.f32 v4, v10  }
0x31a: {  	v22, _, _ =	vpop (xrf2);
	v24 =	vadd.f32 v23, v2;
	v14 =	vbroadcast v20, $0xF;
	(erf) = vrcp.f32 v7  }
0x31b: {  	v26, _, _ =	vpop (xrf2);
	v8 =	vadd.f32 v16, v2;
	(erf) = vrcp.f32 v9;
	v9 =	vmax.f32 v4, $1.000000000e+00  }
0x31c: {  	(v2sf) =	vpush v26, $0xF;
	v7 =	vadd.f32 v19, v2;
	(erf) = vrcp.f32 v9  }
0x31d: {  	v20 =	vsub.f32 v14, v20;
	v14 =	vbroadcast v22, $0xF;
	v8 =	vsub.f32 v8, v13  }
0x31e: {  	v24 =	vsub.f32 v24, v5;
	v7 =	vsub.f32 v7, v21  }
0x31f: {  	s7 =	simm.s32 $0x11FB0;
	v28 =	vsub.f32 v14, v22;
	s6 =	spop (v2sf);
	(v2sf) =	vpush v22, $0xF;
	v8 =	vmax.f32 v8, $1.000000000e+00  }
0x320: {  	v22 =	vmax.f32 v24, $1.000000000e+00;
	v4 =	vld [tilespmem:s7+$0x0];
	(erf) = vrcp.f32 v8;
	v8 =	vbroadcast v26, $0xF  }
0x321: {  	s1 =	simm.s32 $0x12FF0;
	v25 =	vbroadcast v15, $0xF  }
0x322: {  	v27 =	vld [tilespmem:s1+$0x0];
	v7 =	vmax.f32 v7, $1.000000000e+00;
	v24 =	vpop (erf)  }
0x323: {  	v29 =	vld [tilespmem:s1+$0xFFFFFFF0];
	v25 =	vsub.f32 v25, v15;
	v15 =	vmax.f32 v18, $1.000000000e+00;
	s3 =	simm.s32 $0x10FB0;
	(erf) = vrcp.f32 v22;
	v22 =	vpop (erf)  }
0x324: {  	v10 =	vsub.f32 v2, v10;
	v9 =	vld [tilespmem:s3+$0x0];
	v26 =	vsub.f32 v8, v26;
	(erf) = vrcp.f32 v15;
	v8 =	vpop (erf)  }
0x325: {  	(xrf2) =	vadd.scan.msk.f32 $0xffff, v4;
	(erf) = vrcp.f32 v7;
	v7 =	vpop (erf)  }
0x326: {  	v7 =	vmul.f32 v7, v10  }
0x327: {  	vm0 =	vlt.f32 v19, $5.000000000e-01;
	vm3 =	vlt.f32 v17, $5.000000000e-01;
	v14 =	vld [tilespmem:s7+$0xFFFFFFF0];
	s2 =	sadd.f32 s6, s2  }
0x328: {  	v15 =	vmul.f32 v24, v27;
	v27 =	vsub.f32 v2, v13;
	v19 =	vsub.f32 $1.000000000e+00, v7  }
0x329: {  	s8 =	spop (v2sf);
	v13 =	vmul.f32 v22, v29;
	v29 =	vsub.f32 v2, v5;
	v5 =	vadd.f32 s2, v20;
	(xrf2) =	vadd.scan.msk.f32 $0xffff, v9;
	v20 =	vpop (erf)  }
0x32a: {  	s4 =	sadd.f32 s8, s4;
	v24 =	vsel vm3, $0x0, v19;
	v19 =	vmul.f32 v20, v27;
	v20 =	vld [tilespmem:s3+$0xFFFFFFF0]  }
0x32b: {  	s7 =	spop (v2sf)  }
0x32c: {  	s8 =	spop (v2sf);
	s6 =	sadd.f32 s7, s4;
	(xrf2) =	vadd.scan.msk.f32 $0xffff, v14  }
0x32d: {  	s7 =	sadd.f32 s8, s2  }
0x32e: {  	v6 =	vimm.f32 $0.0e+00;
	v30 =	vmax.f32 v9, $1.000000000e+00;
	v10 =	vadd.f32 s6, v28  }
0x32f: {  	v21 =	vsub.f32 v2, v21;
	(erf) = vrcp.f32 v30;
	v7 =	vadd.f32 s7, v26;
	v22, _, _ =	vpop (xrf2);
	(xrf2) =	vadd.scan.msk.f32 $0xffff, v20  }
0x330: {  	vm2 =	vlt.f32 v16, $5.000000000e-01;
	v17 =	vadd.f32 s4, v25;
	v16 =	vadd.f32 v10, v11  }
0x331: {  	vm1 =	vlt.f32 v23, $5.000000000e-01;
	v23 =	vpop (erf);
	v11 =	vadd.f32 v7, v18;
	(v2sf) =	vpush v22, $0xF  }
0x332: {  	v28 =	vadd.f32 v5, v2;
	v26 =	vmul.f32 v23, v29;
	v18 =	vadd.f32 v17, v12;
	v12 =	vpop (erf)  }
0x333: {  	v27 =	vadd.f32 v7, v2;
	v25 =	vbroadcast v22, $0xF;
	v23, _, _ =	vpop (xrf2);
	v29 =	vadd.f32 v11, v2  }
0x334: {  	v30 =	vbroadcast v23, $0xF;
	(v2sf) =	vpush v23, $0xF;
	v31 =	vsub.f32 $1.000000000e+00, v19;
	v19 =	vpop (erf)  }
0x335: {  	s8 =	spop (v2sf);
	v27 =	vsub.f32 v27, v10;
	v29 =	vsub.f32 v29, v16;
	v32 =	vmul.f32 v19, v21  }
0x336: {  	s5 =	simm.s32 $0x11F90;
	s3 =	sadd.f32 s8, s7;
	s7 =	spop (v2sf);
	v21 =	vsub.f32 v30, v23;
	v19, _, _ =	vpop (xrf2);
	v23 =	vsub.f32 v28, v17;
	v28 =	vsel vm2, $0x0, v31  }
0x337: {  	s2 =	simm.s32 $0x4;
	s4 =	simm.s32 $0x10F90;
	s6 =	sadd.f32 s7, s6;
	v30 =	vbroadcast v19, $0xF;
	v29 =	vmax.f32 v29, $1.000000000e+00;
	v31 =	vsub.f32 $1.000000000e+00, v32  }
.LBB2_28:
0x338: {  	v32 =	vld [tilespmem:s5+$0x0];
	s2 =	sadd.s32 $0x2, s2;
	v33 =	vpop (erf);
	v34 =	vadd.f32 v5, v3;
	v27 =	vmax.f32 v27, $1.000000000e+00;
	v37 =	vsub.f32 $1.000000000e+00, v26;
	s1 =	sadd.s32 $0xFFFFFFE0, s1  }
0x339: {  	v26 =	vld [tilespmem:s4+$0x0];
	p1 =	slt.u32 s2, $0xFE;
	v30 =	vsub.f32 v30, v19;
	v35, _, _ =	vpop (xrf2);
	(erf) = vrcp.f32 v29;
	v29 =	vsel vm0, $0x0, v31  }
0x33a: {  	v24 =	vsub.f32 v24, v28;
	v3 =	vmovc v9;
	v28 =	vmovc v17;
	v31 =	vadd.f32 v34, v2;
	v36 =	vsel vm1, $0x0, v37  }
0x33b: {  	v37 =	vbroadcast v35, $0xF;
	(v2sf) =	vpush v35, $0xF;
	v17 =	vld [tilespmem:s1+$0x0];
	v29 =	vsub.f32 v36, v29  }
0x33c: {  	v22 =	vsub.f32 v25, v22;
	v13 =	vmul.f32 v24, v13;
	v25 =	vsub.f32 v31, v18  }
0x33d: {  	v24 =	vsub.f32 v37, v35;
	(xrf2) =	vadd.scan.msk.f32 $0xffff, v32;
	v31 =	vld [tilespmem:s1+$0xFFFFFFF0];
	(erf) = vrcp.f32 v27;
	v15 =	vmul.f32 v29, v15  }
0x33e: {  	v27 =	vmax.f32 v20, $1.000000000e+00;
	v35 =	vld [tilespmem:s5+$0xFFFFFFF0];
	(v2sf) =	vpush v19, $0xF;
	v19 =	vmax.f32 v25, $1.000000000e+00;
	v9 =	vmovc v26  }
0x33f: {  	(erf) = vrcp.f32 v19;
	v6 =	vadd.f32 v15, v6  }
0x340: {  	v19 =	vmax.f32 v9, $1.000000000e+00;
	(xrf2) =	vadd.scan.msk.f32 $0xffff, v9;
	s7 =	spop (v2sf);
	(erf) = vrcp.f32 v27;
	v15 =	vmul.f32 v8, v17;
	v8 =	vmovc v33  }
0x341: {  	v16 =	vsub.f32 v2, v16;
	v17 =	vmax.f32 v23, $1.000000000e+00;
	v33 =	vld [tilespmem:s4+$0xFFFFFFF0];
	v6 =	vadd.f32 v13, v6  }
0x342: {  	v23 =	vsub.f32 v2, v10;
	s7 =	sadd.f32 s7, s6;
	v13 =	vmul.f32 v12, v31;
	(erf) = vrcp.f32 v17;
	v10 =	vpop (erf)  }
0x343: {  	vm3 =	vlt.f32 v11, $5.000000000e-01;
	v25 =	vsub.f32 v2, v18;
	(xrf2) =	vadd.scan.msk.f32 $0xffff, v35;
	s8 =	spop (v2sf);
	v11 =	vmul.f32 v10, v16  }
0x344: {  	vm0 =	vlt.f32 v5, $5.000000000e-01;
	v17 =	vadd.f32 s6, v22;
	v10 =	vadd.f32 s7, v30;
	s6 =	sadd.f32 s8, s3  }
0x345: {  	vm2 =	vlt.f32 v7, $5.000000000e-01;
	v5 =	vadd.f32 s3, v21;
	v11 =	vsub.f32 $1.000000000e+00, v11  }
0x346: {  	v16 =	vadd.f32 v10, v14;
	(erf) = vrcp.f32 v19;
	(xrf2) =	vadd.scan.msk.f32 $0xffff, v33;
	v7 =	vadd.f32 s6, v24;
	v12 =	vpop (erf)  }
0x347: {  	vm1 =	vlt.f32 v34, $5.000000000e-01;
	v14 =	vadd.f32 v5, v2;
	v22, _, _ =	vpop (xrf2);
	v24 =	vsel vm3, $0x0, v11  }
0x348: {  	v27 =	vmul.f32 v12, v23;
	(v2sf) =	vpush v22, $0xF;
	v11 =	vadd.f32 v7, v20;
	v20 =	vpop (erf)  }
0x349: {  	v18 =	vadd.f32 v17, v4;
	v30 =	vadd.f32 v7, v2;
	v12 =	vpop (erf);
	v26 =	vmul.f32 v20, v25  }
.Ltmp15:
0x34a: {  	v23 =	vsub.f32 v2, v28;
	v25 =	vbroadcast v22, $0xF;
	v20, _, _ =	vpop (xrf2);
	v21 =	vadd.f32 v11, v2;
	s3 =	spop (v2sf);
	(pc) =	sbr.rel @p1 .LBB2_28-.Ltmp15, $4  }
0x34b: {  	v29 =	vsub.f32 $1.000000000e+00, v27;
	v28 =	vbroadcast v20, $0xF;
	(v2sf) =	vpush v20, $0xF;
	s3 =	sadd.f32 s3, s6;
	v19 =	vpop (erf)  }
0x34c: {  	v4 =	vmovc v32;
	v27 =	vsub.f32 v30, v10;
	v31 =	vsub.f32 v21, v16;
	v34 =	vmul.f32 v19, v23  }
0x34d: {  	v23 =	vsub.f32 v14, v17;
	v21 =	vsub.f32 v28, v20;
	v19, _, _ =	vpop (xrf2);
	s6 =	spop (v2sf);
	v28 =	vsel vm2, $0x0, v29  }
0x34e: {  	s5 =	sadd.s32 $0xFFFFFFE0, s5;
	s4 =	sadd.s32 $0xFFFFFFE0, s4;
	v14 =	vmovc v35;
	v20 =	vmovc v33;
	v30 =	vbroadcast v19, $0xF;
	v29 =	vmax.f32 v31, $1.000000000e+00;
	s6 =	sadd.f32 s6, s7;
	v31 =	vsub.f32 $1.000000000e+00, v34  }
0x34f: {  	_ =	sdelay $0x8  }
0x350: {  	v32, _, _ =	vpop (xrf2)  }
0x351: {  	v3 =	vadd.f32 v5, v3;
	v26 =	vsub.f32 $1.000000000e+00, v26;
	v34 =	vbroadcast v32, $0xF;
	s2 =	spop (v2sf)  }
0x352: {  	v27 =	vmax.f32 v27, $1.000000000e+00;
	v24 =	vsub.f32 v24, v28;
	v22 =	vsub.f32 v25, v22;
	s4 =	spop (v2sf)  }
0x353: {  	(erf) = vrcp.f32 v29;
	v33 =	vadd.f32 v3, v2;
	v59 =	vsub.f32 v34, v32;
	s4 =	sadd.f32 s4, s3  }
0x354: {  	v60 =	vmax.f32 v20, $1.000000000e+00;
	v21 =	vadd.f32 s3, v21;
	v30 =	vsub.f32 v30, v19  }
0x355: {  	(erf) = vrcp.f32 v27;
	v58 =	vsub.f32 v33, v18;
	s2 =	sadd.f32 s2, s6;
	v27 =	vadd.f32 s4, v59  }
0x356: {  	v31 =	vsel vm0, $0x0, v31;
	v26 =	vsel vm1, $0x0, v26;
	v22 =	vadd.f32 s6, v22  }
0x357: {  	v61 =	vmax.f32 v58, $1.000000000e+00;
	v62 =	vadd.f32 s2, v30;
	v63 =	vadd.f32 v27, v20  }
0x358: {  	v9 =	vadd.f32 v21, v9;
	v26 =	vsub.f32 v26, v31;
	(erf) = vrcp.f32 v61  }
0x359: {  	v23 =	vmax.f32 v23, $1.000000000e+00;
	v14 =	vadd.f32 v62, v14;
	v34 =	vadd.f32 v63, v2  }
0x35a: {  	v4 =	vadd.f32 v22, v4;
	(erf) = vrcp.f32 v60;
	v35 =	vadd.f32 v27, v2  }
0x35b: {  	v36 =	vadd.f32 v9, v2;
	(erf) = vrcp.f32 v23;
	v23 =	vsub.f32 v34, v14  }
0x35c: {  	v37 =	vadd.f32 v21, v2;
	v15 =	vmul.f32 v26, v15;
	v26 =	vsub.f32 v35, v62  }
0x35d: {  	v13 =	vmul.f32 v24, v13;
	v39 =	vsub.f32 v36, v4;
	v23 =	vmax.f32 v23, $1.000000000e+00  }
0x35e: {  	v38 =	vpop (erf);
	v24 =	vsub.f32 v37, v22;
	v26 =	vmax.f32 v26, $1.000000000e+00;
	(erf) = vrcp.f32 v23  }
0x35f: {  	v16 =	vsub.f32 v2, v16;
	v25 =	vmax.f32 v39, $1.000000000e+00;
	v40 =	vpop (erf);
	(erf) = vrcp.f32 v26  }
0x360: {  	v10 =	vsub.f32 v2, v10;
	v24 =	vmax.f32 v24, $1.000000000e+00;
	v41 =	vpop (erf);
	(erf) = vrcp.f32 v25  }
0x361: {  	s1 =	sadd.s32 $0xFFFFFFE0, s1;
	v43 =	vsub.f32 v2, v18;
	v17 =	vsub.f32 v2, v17;
	v42 =	vpop (erf);
	(erf) = vrcp.f32 v24  }
0x362: {  	vm10 =	vlt.f32 v11, $5.000000000e-01;
	vm11 =	vlt.f32 v5, $5.000000000e-01;
	vm2 =	vlt.f32 v7, $5.000000000e-01;
	v46 =	vld [tilespmem:s1+$0xFFFFFFF0]  }
0x363: {  	vm3 =	vlt.f32 v3, $5.000000000e-01;
	vm12 =	vlt.f32 v21, $5.000000000e-01;
	v33 =	vld [tilespmem:s1+$0x0];
	s1 =	sadd.s32 $0xFFFFFFE0, s1;
	v55 =	vsub.f32 v2, v22;
	v44 =	vpop (erf)  }
0x364: {  	vm13 =	vlt.f32 v9, $5.000000000e-01;
	v51 =	vld [tilespmem:s1+$0x0];
	v6 =	vadd.f32 v15, v6;
	v16 =	vmul.f32 v40, v16;
	v45 =	vpop (erf)  }
0x365: {  	v4 =	vsub.f32 v2, v4;
	v47 =	vmul.f32 v42, v43;
	v17 =	vmul.f32 v45, v17  }
0x366: {  	v6 =	vadd.f32 v13, v6;
	v10 =	vmul.f32 v41, v10;
	v48 =	vsub.f32 $1.000000000e+00, v16  }
0x367: {  	v12 =	vmul.f32 v12, v46;
	v13 =	vsub.f32 $1.000000000e+00, v47;
	v49 =	vsub.f32 $1.000000000e+00, v17;
	v52 =	vpop (erf)  }
0x368: {  	v8 =	vmul.f32 v8, v33;
	v10 =	vsub.f32 $1.000000000e+00, v10;
	v3 =	vsel vm10, $0x0, v48;
	v53 =	vpop (erf)  }
0x369: {  	v59 =	vmul.f32 v38, v51;
	v50 =	vsel vm3, $0x0, v13;
	v5 =	vsel vm11, $0x0, v49;
	v54 =	vpop (erf)  }
0x36a: {  	v7 =	vsel vm2, $0x0, v10;
	v56 =	vsub.f32 v2, v14;
	v5 =	vsub.f32 v50, v5;
	v57 =	vpop (erf)  }
0x36b: {  	v2 =	vsub.f32 v2, v62;
	v4 =	vmul.f32 v54, v4;
	v58 =	vmul.f32 v57, v55  }
0x36c: {  	v60 =	vld [tilespmem:s1+$0xFFFFFFF0];
	v3 =	vsub.f32 v3, v7;
	v5 =	vmul.f32 v5, v8;
	v8 =	vmul.f32 v52, v56  }
0x36d: {  	v2 =	vmul.f32 v53, v2;
	v4 =	vsub.f32 $1.000000000e+00, v4;
	v61 =	vsub.f32 $1.000000000e+00, v58  }
0x36e: {  	vm15 =	vlt.f32 v27, $5.000000000e-01;
	v3 =	vmul.f32 v3, v12;
	v8 =	vsub.f32 $1.000000000e+00, v8  }
0x36f: {  	v2 =	vsub.f32 $1.000000000e+00, v2;
	v4 =	vsel vm13, $0x0, v4;
	v7 =	vsel vm12, $0x0, v61  }
0x370: {  	vm14 =	vlt.f32 v63, $5.000000000e-01;
	v5 =	vadd.f32 v5, v6;
	v4 =	vsub.f32 v4, v7  }
0x371: {  	v63 =	vmul.f32 v44, v60;
	v62 =	vsel vm14, $0x0, v8;
	v2 =	vsel vm15, $0x0, v2  }
0x372: {  	v3 =	vadd.f32 v3, v5;
	v2 =	vsub.f32 v62, v2;
	v4 =	vmul.f32 v4, v59;
	_ =	sdelay $0x1  }
0x373: {  	v2 =	vmul.f32 v2, v63;
	v3 =	vadd.f32 v4, v3  }
0x374: {  	(v2sf) =	vpush v32, $0xF  }
0x375: {  	(v2sf) =	vpush v19, $0xF;
	v2 =	vadd.f32 v2, v3;
	_ =	sdelay $0x1  }
0x376: {  	(xrf2) =	vadd.scan.msk.f32 $0xffff, v2;
	_ =	sdelay $0x9  }
0x377: {  	v2, _, _ =	vpop (xrf2)  }
0x378: {  	v2 =	vbroadcast v2, $0xF  }
0x379: {  	s7 =	rddreg [dreg:$0x11];
	s5 =	spop (v2sf)  }
0x37a: {  	s8 =	simm.s32 $0x14000;
	s1 =	simm.s32 $0x0;
	s6 =	spop (v2sf);
	[tilespmem:$0x14000] =	vst v2  }
0x37b: {  	[hbm4b:s7+s1] =	stream.linear.scatter [tilespmem:s8], [sflag:$0x5], $0x80, $0x38;
	[tilespmem:$0x14080] =	vst v63  }
.Ltmp16:
0x37c: {  	s6 =	simm.s32 $0x80;
	(pc) =	sbr.rel .LBB2_30-.Ltmp16, $4  }
0x37d: {  	s8 =	smov.u32 s9;
	s9 =	smov.u32 s10;
	s10 =	smov.u32 s11  }
0x37e: {  	s11 =	smov.u32 s12;
	s12 =	smov.u32 s13;
	_ =	swait.ge [sflag:s17], $0x80  }
0x37f: {  	s13 =	smov.u32 s14;
	s14 =	smov.u32 s15;
	[sflag:s17] =	ssyncset.done $0x0  }
0x380: {  	s15 =	smov.u32 s16;
	s7 =	simm.s32 $0x13000;
	[sflag:s17] =	ssyncadd.s32 $0xFFFFFF80  }
.LBB2_31:
0x381: {  	_ =	sfence.sel $0x180000  }
0x382: {  	[bflag:$0x0] =	sbarrier.arrive $0xFFFF  }
0x383: {  	_ =	strace $0x90000047  }
0x384: {  	s0 =	stileid.u32;
	[bflag:$0x2] =	sbarrier.arrive $0xFFFF  }
0x385: {  	p0 =	sne.s32 s0, $0x0;
	s0 =	rddreg [dreg:$0x1]  }
0x386: {  	s0 =	sadd.s32 @!p0 $0x100000, s0  }
0x387: {  	[sflag:s0] =	ssyncadd.tile.s32 @!p0 $0x1;
	_ =	shalt  }
.Lfunc_end2:
_tile_overlayer_lowered:
.L_overlay_start_2:
0x388: {  	(tag) =	ssettag $0x2  }
0x389: {  	s0 =	rddreg [dreg:$0x0];
	s2 =	stileid.u32  }
0x38a: {  	s1 =	rddreg [dreg:$0x1];
	p0 =	sne.s32 s2, $0x0  }
0x38b: {  	s3 =	rddreg [dreg:$0x2];
	[bflag:$0x3] =	sbarrier.arrive $0xFFFF;
	s2 =	simm.s32 @!p0 $0x1C05  }
0x38c: {  	[timem:s3], [sflag:s2] =	dma.local @!p0 [hbm:s0], s1  }
0x38d: {  	s0 =	simm.s32 @!p0 $0x5  }
0x38e: {  	_ =	swait.ge @!p0 [sflag:s0], s1  }
0x38f: {  	s1 =	ssub.s32 @!p0 $0x0, s1;
	[sflag:s0] =	ssyncset.done @!p0 $0x0  }
0x390: {  	[sflag:s0] =	ssyncadd.s32 @!p0 s1  }
0x391: {  	[bflag:$0x3] =	sbarrier.arrive $0xFFFF  }
0x392: {  	_ =	shalt  }

</sc_bundles>
